<compile_context>
chip_gen: v7x
topology: tpu7x:2x2x1
jax: 0.10.2.dev20260603
libtpu: 0.0.44.dev20260713+nightly
codegen_flags: <defaults>
</compile_context>

<pallas_src>
import functools

import jax
import jax.numpy as jnp
import numpy as np
from jax import lax
from jax.experimental import pallas as pl
from jax.experimental.pallas import tpu as pltpu
from jax.experimental.pallas import tpu_sc as plsc

VOCAB = 20000
EMBED = 50
HIDDEN = 100
BATCH = 4096
SEQLEN = 200
BN_EPS = 1e-5

NC = 2
NS = 16
LANES = 16
NW = NC * NS
BPW = BATCH // NW
NBUF = 4
EPAD = 64
HPAD = 128

CHUNK_STARTS = list(range(0, SEQLEN - LANES, LANES)) + [SEQLEN - LANES]
NCHUNK = len(CHUNK_STARTS)
BUF_ROWS = NCHUNK * LANES

_PERM = np.concatenate([
    np.arange(0, 32, 2), np.arange(1, 32, 2),
    np.arange(32, 64, 2), np.arange(33, 64, 2),
])


def _sc_pool(table, xt):
    mesh = plsc.VectorSubcoreMesh(core_axis_name="c", subcore_axis_name="s")

    @functools.partial(
        pl.kernel,
        out_type=jax.ShapeDtypeStruct((BATCH // 2, 2 * EPAD), jnp.float32),
        mesh=mesh,
        scratch_types=[
            pltpu.VMEM((SEQLEN, BPW), jnp.int32),
            *[pltpu.VMEM((BUF_ROWS,), jnp.int32) for _ in range(NBUF)],
            *[pltpu.VMEM((SEQLEN, EPAD), jnp.bfloat16) for _ in range(NBUF)],
            pltpu.VMEM((BPW // 2, 2 * EPAD), jnp.float32),
            *[pltpu.SemaphoreType.DMA for _ in range(NBUF)],
        ],
        compiler_params=pltpu.CompilerParams(
            needs_layout_passes=False, use_tc_tiling_on_sc=False
        ),
    )
    def pool(table_hbm, xt_hbm, out_hbm, raw_v, *rest):
        idxbufs = rest[:NBUF]
        bufs = rest[NBUF:2 * NBUF]
        acc_v = rest[2 * NBUF]
        sems = rest[2 * NBUF + 1:]
        wid = lax.axis_index("s") * NC + lax.axis_index("c")
        base = wid * BPW

        pltpu.sync_copy(xt_hbm.at[:, pl.ds(base, BPW)], raw_v)

        iot = lax.iota(jnp.int32, LANES)
        CH0 = 104

        def fire(e, b):
            ev = jnp.broadcast_to(e, (LANES,))
            for l0 in CHUNK_STARTS:
                idxbufs[b][pl.ds(l0, LANES)] = plsc.load_gather(
                    raw_v, [l0 + iot, ev]
                )
            pltpu.async_copy(
                table_hbm.at[idxbufs[b].at[pl.ds(0, CH0)]],
                bufs[b].at[pl.ds(0, CH0)],
                sems[b],
            )
            pltpu.async_copy(
                table_hbm.at[idxbufs[b].at[pl.ds(CH0, SEQLEN - CH0)]],
                bufs[b].at[pl.ds(CH0, SEQLEN - CH0)],
                sems[b],
            )

        for b in range(NBUF):
            fire(jnp.int32(b), b)

        inv = jnp.float32(1.0 / SEQLEN)
        zero = jnp.zeros((LANES,), jnp.float32)

        def reduce_block(buf):
            def grp(g, carry):
                a0, a1, a2, a3 = carry
                r0 = g * 8
                for q in range(2):
                    r = r0 + 4 * q
                    s0 = (buf[r, pl.ds(0, 2 * LANES)]
                          + buf[r + 1, pl.ds(0, 2 * LANES)]) + (
                         buf[r + 2, pl.ds(0, 2 * LANES)]
                          + buf[r + 3, pl.ds(0, 2 * LANES)])
                    s1 = (buf[r, pl.ds(2 * LANES, 2 * LANES)]
                          + buf[r + 1, pl.ds(2 * LANES, 2 * LANES)]) + (
                         buf[r + 2, pl.ds(2 * LANES, 2 * LANES)]
                          + buf[r + 3, pl.ds(2 * LANES, 2 * LANES)])
                    e0, o0 = plsc.unpack(s0, format=plsc.PackFormat.INTERLEAVED)
                    e1, o1 = plsc.unpack(s1, format=plsc.PackFormat.INTERLEAVED)
                    a0 = a0 + e0
                    a1 = a1 + o0
                    a2 = a2 + e1
                    a3 = a3 + o1
                return a0, a1, a2, a3

            return lax.fori_loop(0, SEQLEN // 8, grp, (zero, zero, zero, zero))

        def outer(i, _):
            for b in range(NBUF):
                e = i * NBUF + b
                pltpu.make_async_copy(
                    table_hbm.at[pl.ds(0, SEQLEN)], bufs[b], sems[b]
                ).wait()
                a0, a1, a2, a3 = reduce_block(bufs[b])

                @pl.when(e + NBUF < BPW)
                def _():
                    fire(e + NBUF, b)

                row = i * (NBUF // 2) + (b // 2)
                col0 = (b % 2) * EPAD
                acc_v[row, pl.ds(col0, LANES)] = a0 * inv
                acc_v[row, pl.ds(col0 + LANES, LANES)] = a1 * inv
                acc_v[row, pl.ds(col0 + 2 * LANES, LANES)] = a2 * inv
                acc_v[row, pl.ds(col0 + 3 * LANES, LANES)] = a3 * inv
            return 0

        lax.fori_loop(0, BPW // NBUF, outer, 0)
        pltpu.sync_copy(acc_v, out_hbm.at[pl.ds(wid * (BPW // 2), BPW // 2)])

    return pool(table, xt)


def _mlp(pooled2, w1p, aux):

    def body(p_ref, w1_ref, aux_ref, o_ref):
        h = p_ref[...]
        h = jnp.where(h >= 0, h, 0.01 * h)
        b1 = aux_ref[0:1, :]
        s = aux_ref[1:2, :] * lax.rsqrt(aux_ref[4:5, :] + BN_EPS)
        t = aux_ref[2:3, :] - aux_ref[3:4, :] * s
        w2 = aux_ref[5:6, :]
        b2v = aux_ref[6:7, 0:1]

        def head(hh):
            h1 = jnp.dot(hh, w1_ref[...], preferred_element_type=jnp.float32) + b1
            h1 = jnp.where(h1 >= 0, h1, 0.01 * h1)
            h1 = h1 * s + t
            return jnp.sum(h1 * w2, axis=1, keepdims=True) + b2v

        o_ref[:, 0:1] = head(h[:, 0:EPAD])
        o_ref[:, 1:2] = head(h[:, EPAD:2 * EPAD])

    grid = 2
    bb = BATCH // 2 // grid
    return pl.pallas_call(
        body,
        grid=(grid,),
        in_specs=[
            pl.BlockSpec((bb, 2 * EPAD), lambda i: (i, 0)),
            pl.BlockSpec((EPAD, HPAD), lambda i: (0, 0)),
            pl.BlockSpec((8, HPAD), lambda i: (0, 0)),
        ],
        out_specs=pl.BlockSpec((bb, 2), lambda i: (i, 0)),
        out_shape=jax.ShapeDtypeStruct((BATCH // 2, 2), jnp.float32),
    )(pooled2, w1p, aux)


def kernel(x, embed_table, W1, b1, bn_scale, bn_bias, bn_mean, bn_var, W2, b2):
    f32 = jnp.float32
    xt = x.astype(jnp.int32).T
    tpad = (
        jnp.zeros((VOCAB, EPAD), jnp.bfloat16)
        .at[:, :EMBED].set(embed_table.astype(jnp.bfloat16))
    )
    pooled2 = _sc_pool(tpad, xt)

    w1p = jnp.zeros((EPAD, HPAD), f32).at[:EMBED, :HIDDEN].set(W1)
    w1p = w1p[jnp.asarray(_PERM), :]

    pad1 = (0, HPAD - HIDDEN)
    aux = jnp.stack([
        jnp.pad(b1, pad1),
        jnp.pad(bn_scale, pad1),
        jnp.pad(bn_bias, pad1),
        jnp.pad(bn_mean, pad1),
        jnp.pad(bn_var, pad1, constant_values=1.0),
        jnp.pad(W2[:, 0], pad1),
        jnp.full((HPAD,), b2[0], dtype=f32),
        jnp.zeros((HPAD,), dtype=f32),
    ])

    out = _mlp(pooled2, w1p, aux)
    return out.reshape(BATCH)

# --- scband reference (transcript-rebuilt; emitter-appended) ---
"""Pipeline reference for scband-text-classifier-embeddings-batch-77627238908395 (READ-ONLY COPY).

The authoritative reference and input builder live on the scoring server;
editing this copy changes nothing except your own understanding.
"""

import jax, jax.numpy as jnp
import numpy as np

VOCAB = 20000
EMBED = 50
HIDDEN = 100
BATCH = 4096
SEQLEN = 200
BN_EPS = 1e-5


def setup_inputs(seed: int = 0) -> dict:
    key = jax.random.key(seed)
    k_x, k_emb, k_w1, k_w2 = jax.random.split(key, 4)
    x = jax.random.randint(k_x, (BATCH, SEQLEN), 0, VOCAB, dtype=jnp.int64 if jax.config.jax_enable_x64 else jnp.int32)
    # glorot_normal-style init for embedding table [VOCAB, EMBED]
    emb_std = (2.0 / (VOCAB + EMBED)) ** 0.5
    embed_table = jax.random.normal(k_emb, (VOCAB, EMBED), dtype=jnp.float32) * emb_std
    # Dense(100): lecun_normal default in flax
    w1_std = (1.0 / EMBED) ** 0.5
    W1 = jax.random.normal(k_w1, (EMBED, HIDDEN), dtype=jnp.float32) * w1_std
    b1 = jnp.zeros((HIDDEN,), dtype=jnp.float32)
    # BatchNorm params (inference mode: use_running_average=True)
    bn_scale = jnp.ones((HIDDEN,), dtype=jnp.float32)
    bn_bias = jnp.zeros((HIDDEN,), dtype=jnp.float32)
    bn_mean = jnp.zeros((HIDDEN,), dtype=jnp.float32)
    bn_var = jnp.ones((HIDDEN,), dtype=jnp.float32)
    # Dense(1)
    w2_std = (1.0 / HIDDEN) ** 0.5
    W2 = jax.random.normal(k_w2, (HIDDEN, 1), dtype=jnp.float32) * w2_std
    b2 = jnp.zeros((1,), dtype=jnp.float32)
    return {
        "x": x,
        "embed_table": embed_table,
        "W1": W1,
        "b1": b1,
        "bn_scale": bn_scale,
        "bn_bias": bn_bias,
        "bn_mean": bn_mean,
        "bn_var": bn_var,
        "W2": W2,
        "b2": b2,
    }


def reference(x, embed_table, W1, b1, bn_scale, bn_bias, bn_mean, bn_var, W2, b2):
    # nn.Embed lookup: gather rows
    h = jnp.take(embed_table, x, axis=0)  # [B, L, EMBED]
    # mean over sequence axis
    h = jnp.mean(h, axis=1)  # [B, EMBED]
    h = jax.nn.leaky_relu(h)
    # Dense(100)
    h = h @ W1 + b1
    h = jax.nn.leaky_relu(h)
    # BatchNorm, inference (use_running_average=True), eps=1e-5
    h = (h - bn_mean) * jax.lax.rsqrt(bn_var + BN_EPS) * bn_scale + bn_bias
    # Dropout deterministic -> identity
    # Dense(1)
    h = h @ W2 + b2  # [B, 1]
    return jnp.squeeze(h, axis=-1)  # [B]

if __name__ == "__main__":
    import jax
    _d = setup_inputs()
    print(jax.jit(kernel)(*tuple(_d.values())))

</pallas_src>

<mosaic_0001>
#map = affine_map<(d0, d1) -> (0, 0)>
module attributes {stable_mosaic.version = 14 : i64} {
  func.func @pool(%arg0: i32, %arg1: i32, %arg2: memref<20000x64xbf16, #tpu.memory_space<hbm>>, %arg3: memref<200x4096xi32, #tpu.memory_space<hbm>>, %arg4: memref<2048x128xf32, #tpu.memory_space<hbm>>, %arg5: memref<200x128xi32, #tpu.memory_space<vmem>>, %arg6: memref<208xi32, #tpu.memory_space<vmem>>, %arg7: memref<208xi32, #tpu.memory_space<vmem>>, %arg8: memref<208xi32, #tpu.memory_space<vmem>>, %arg9: memref<208xi32, #tpu.memory_space<vmem>>, %arg10: memref<200x64xbf16, #tpu.memory_space<vmem>>, %arg11: memref<200x64xbf16, #tpu.memory_space<vmem>>, %arg12: memref<200x64xbf16, #tpu.memory_space<vmem>>, %arg13: memref<200x64xbf16, #tpu.memory_space<vmem>>, %arg14: memref<64x128xf32, #tpu.memory_space<vmem>>, %arg15: memref<!tpu.dma_semaphore, #tpu.memory_space<semaphore_mem>>, %arg16: memref<!tpu.dma_semaphore, #tpu.memory_space<semaphore_mem>>, %arg17: memref<!tpu.dma_semaphore, #tpu.memory_space<semaphore_mem>>, %arg18: memref<!tpu.dma_semaphore, #tpu.memory_space<semaphore_mem>>) attributes {dimension_semantics = [#tpu.dimension_semantics<core_parallel>, #tpu.dimension_semantics<subcore_parallel>], iteration_bounds = array<i64: 2, 16>, scalar_prefetch = 0 : i64, scratch_operands = 14 : i64, tpu.core_type = #tpu.core_type<sc_vector_subcore>, window_params = [{transform_indices = #map}, {transform_indices = #map}, {transform_indices = #map}]} {
    %mul3A = arith.constant 2 : i32
    %mul3A_0 = arith.muli %arg1, %mul3A : i32
    %add3A = arith.addi %mul3A_0, %arg0 : i32
    %mul3A_1 = arith.constant 128 : i32
    %mul3A_2 = arith.muli %add3A, %mul3A_1 : i32
    "tpu.region"() ({
      %run_scoped3A = tpu.sem_alloc : memref<!tpu.dma_semaphore, #tpu.memory_space<semaphore_mem>>
      %dma_start3A_394 = arith.constant 0 : i32
      %dma_start3A_395 = tpu.memref_slice %arg3[%dma_start3A_394, %mul3A_2] : memref<200x4096xi32, #tpu.memory_space<hbm>> -> memref<200x128xi32, #tpu.memory_space<hbm>>
      %dma_start3A_396 = arith.constant 0 : i32
      %dma_start3A_397 = tpu.memref_slice %arg3[%dma_start3A_396, %mul3A_2] : memref<200x4096xi32, #tpu.memory_space<hbm>> -> memref<200x128xi32, #tpu.memory_space<hbm>>
      tpu.enqueue_dma source(%dma_start3A_397 : memref<200x128xi32, #tpu.memory_space<hbm>>) target(%arg5 : memref<200x128xi32, #tpu.memory_space<vmem>>) target_semaphore(%run_scoped3A : memref<!tpu.dma_semaphore, #tpu.memory_space<semaphore_mem>>)
      %dma_wait3A = arith.constant 0 : i32
      %dma_wait3A_398 = tpu.memref_slice %arg3[%dma_wait3A, %mul3A_2] : memref<200x4096xi32, #tpu.memory_space<hbm>> -> memref<200x128xi32, #tpu.memory_space<hbm>>
      %dma_wait3A_399 = arith.constant 0 : i32
      %dma_wait3A_400 = tpu.memref_slice %arg3[%dma_wait3A_399, %mul3A_2] : memref<200x4096xi32, #tpu.memory_space<hbm>> -> memref<200x128xi32, #tpu.memory_space<hbm>>
      tpu.wait_dma2 semaphore(%run_scoped3A : memref<!tpu.dma_semaphore, #tpu.memory_space<semaphore_mem>>) src(%dma_wait3A_400 : memref<200x128xi32, #tpu.memory_space<hbm>>) dst(%arg5 : memref<200x128xi32, #tpu.memory_space<vmem>>)
      tpu.yield
    }) : () -> ()
    %iota3A = tpu.iota {dimensions = array<i32: 0>} : vector<16xi32>
    %broadcast_in_dim3A = arith.constant 0 : i32
    %broadcast_in_dim3A_3 = vector.broadcast %broadcast_in_dim3A : i32 to vector<16xi32>
    %add3A_4 = arith.constant 0 : i32
    %add3A_5 = vector.broadcast %add3A_4 : i32 to vector<16xi32>
    %add3A_6 = arith.addi %add3A_5, %iota3A : vector<16xi32>
    %gather3A = tpu.vector_load_idx %arg5[%add3A_6, %broadcast_in_dim3A_3] : memref<200x128xi32, #tpu.memory_space<vmem>>[vector<16xi32>, vector<16xi32>], vector<16xi32>,
    %swap3A = arith.constant 0 : index
    %swap3A_7 = tpu.vector_load %arg6[%swap3A] {strides = array<i32>} : memref<208xi32, #tpu.memory_space<vmem>>, vector<16xi32>,
    tpu.vector_store %arg6[%swap3A], %gather3A {strides = array<i32>} : memref<208xi32, #tpu.memory_space<vmem>>, vector<16xi32>,
    %add3A_8 = arith.constant 16 : i32
    %add3A_9 = vector.broadcast %add3A_8 : i32 to vector<16xi32>
    %add3A_10 = arith.addi %add3A_9, %iota3A : vector<16xi32>
    %gather3A_11 = tpu.vector_load_idx %arg5[%add3A_10, %broadcast_in_dim3A_3] : memref<200x128xi32, #tpu.memory_space<vmem>>[vector<16xi32>, vector<16xi32>], vector<16xi32>,
    %swap3A_12 = arith.constant 16 : index
    %swap3A_13 = tpu.vector_load %arg6[%swap3A_12] {strides = array<i32>} : memref<208xi32, #tpu.memory_space<vmem>>, vector<16xi32>,
    tpu.vector_store %arg6[%swap3A_12], %gather3A_11 {strides = array<i32>} : memref<208xi32, #tpu.memory_space<vmem>>, vector<16xi32>,
    %add3A_14 = arith.constant 32 : i32
    %add3A_15 = vector.broadcast %add3A_14 : i32 to vector<16xi32>
    %add3A_16 = arith.addi %add3A_15, %iota3A : vector<16xi32>
    %gather3A_17 = tpu.vector_load_idx %arg5[%add3A_16, %broadcast_in_dim3A_3] : memref<200x128xi32, #tpu.memory_space<vmem>>[vector<16xi32>, vector<16xi32>], vector<16xi32>,
    %swap3A_18 = arith.constant 32 : index
    %swap3A_19 = tpu.vector_load %arg6[%swap3A_18] {strides = array<i32>} : memref<208xi32, #tpu.memory_space<vmem>>, vector<16xi32>,
    tpu.vector_store %arg6[%swap3A_18], %gather3A_17 {strides = array<i32>} : memref<208xi32, #tpu.memory_space<vmem>>, vector<16xi32>,
    %add3A_20 = arith.constant 48 : i32
    %add3A_21 = vector.broadcast %add3A_20 : i32 to vector<16xi32>
    %add3A_22 = arith.addi %add3A_21, %iota3A : vector<16xi32>
    %gather3A_23 = tpu.vector_load_idx %arg5[%add3A_22, %broadcast_in_dim3A_3] : memref<200x128xi32, #tpu.memory_space<vmem>>[vector<16xi32>, vector<16xi32>], vector<16xi32>,
    %swap3A_24 = arith.constant 48 : index
    %swap3A_25 = tpu.vector_load %arg6[%swap3A_24] {strides = array<i32>} : memref<208xi32, #tpu.memory_space<vmem>>, vector<16xi32>,
    tpu.vector_store %arg6[%swap3A_24], %gather3A_23 {strides = array<i32>} : memref<208xi32, #tpu.memory_space<vmem>>, vector<16xi32>,
    %add3A_26 = arith.constant 64 : i32
    %add3A_27 = vector.broadcast %add3A_26 : i32 to vector<16xi32>
    %add3A_28 = arith.addi %add3A_27, %iota3A : vector<16xi32>
    %gather3A_29 = tpu.vector_load_idx %arg5[%add3A_28, %broadcast_in_dim3A_3] : memref<200x128xi32, #tpu.memory_space<vmem>>[vector<16xi32>, vector<16xi32>], vector<16xi32>,
    %swap3A_30 = arith.constant 64 : index
    %swap3A_31 = tpu.vector_load %arg6[%swap3A_30] {strides = array<i32>} : memref<208xi32, #tpu.memory_space<vmem>>, vector<16xi32>,
    tpu.vector_store %arg6[%swap3A_30], %gather3A_29 {strides = array<i32>} : memref<208xi32, #tpu.memory_space<vmem>>, vector<16xi32>,
    %add3A_32 = arith.constant 80 : i32
    %add3A_33 = vector.broadcast %add3A_32 : i32 to vector<16xi32>
    %add3A_34 = arith.addi %add3A_33, %iota3A : vector<16xi32>
    %gather3A_35 = tpu.vector_load_idx %arg5[%add3A_34, %broadcast_in_dim3A_3] : memref<200x128xi32, #tpu.memory_space<vmem>>[vector<16xi32>, vector<16xi32>], vector<16xi32>,
    %swap3A_36 = arith.constant 80 : index
    %swap3A_37 = tpu.vector_load %arg6[%swap3A_36] {strides = array<i32>} : memref<208xi32, #tpu.memory_space<vmem>>, vector<16xi32>,
    tpu.vector_store %arg6[%swap3A_36], %gather3A_35 {strides = array<i32>} : memref<208xi32, #tpu.memory_space<vmem>>, vector<16xi32>,
    %add3A_38 = arith.constant 96 : i32
    %add3A_39 = vector.broadcast %add3A_38 : i32 to vector<16xi32>
    %add3A_40 = arith.addi %add3A_39, %iota3A : vector<16xi32>
    %gather3A_41 = tpu.vector_load_idx %arg5[%add3A_40, %broadcast_in_dim3A_3] : memref<200x128xi32, #tpu.memory_space<vmem>>[vector<16xi32>, vector<16xi32>], vector<16xi32>,
    %swap3A_42 = arith.constant 96 : index
    %swap3A_43 = tpu.vector_load %arg6[%swap3A_42] {strides = array<i32>} : memref<208xi32, #tpu.memory_space<vmem>>, vector<16xi32>,
    tpu.vector_store %arg6[%swap3A_42], %gather3A_41 {strides = array<i32>} : memref<208xi32, #tpu.memory_space<vmem>>, vector<16xi32>,
    %add3A_44 = arith.constant 112 : i32
    %add3A_45 = vector.broadcast %add3A_44 : i32 to vector<16xi32>
    %add3A_46 = arith.addi %add3A_45, %iota3A : vector<16xi32>
    %gather3A_47 = tpu.vector_load_idx %arg5[%add3A_46, %broadcast_in_dim3A_3] : memref<200x128xi32, #tpu.memory_space<vmem>>[vector<16xi32>, vector<16xi32>], vector<16xi32>,
    %swap3A_48 = arith.constant 112 : index
    %swap3A_49 = tpu.vector_load %arg6[%swap3A_48] {strides = array<i32>} : memref<208xi32, #tpu.memory_space<vmem>>, vector<16xi32>,
    tpu.vector_store %arg6[%swap3A_48], %gather3A_47 {strides = array<i32>} : memref<208xi32, #tpu.memory_space<vmem>>, vector<16xi32>,
    %add3A_50 = arith.constant 128 : i32
    %add3A_51 = vector.broadcast %add3A_50 : i32 to vector<16xi32>
    %add3A_52 = arith.addi %add3A_51, %iota3A : vector<16xi32>
    %gather3A_53 = tpu.vector_load_idx %arg5[%add3A_52, %broadcast_in_dim3A_3] : memref<200x128xi32, #tpu.memory_space<vmem>>[vector<16xi32>, vector<16xi32>], vector<16xi32>,
    %swap3A_54 = arith.constant 128 : index
    %swap3A_55 = tpu.vector_load %arg6[%swap3A_54] {strides = array<i32>} : memref<208xi32, #tpu.memory_space<vmem>>, vector<16xi32>,
    tpu.vector_store %arg6[%swap3A_54], %gather3A_53 {strides = array<i32>} : memref<208xi32, #tpu.memory_space<vmem>>, vector<16xi32>,
    %add3A_56 = arith.constant 144 : i32
    %add3A_57 = vector.broadcast %add3A_56 : i32 to vector<16xi32>
    %add3A_58 = arith.addi %add3A_57, %iota3A : vector<16xi32>
    %gather3A_59 = tpu.vector_load_idx %arg5[%add3A_58, %broadcast_in_dim3A_3] : memref<200x128xi32, #tpu.memory_space<vmem>>[vector<16xi32>, vector<16xi32>], vector<16xi32>,
    %swap3A_60 = arith.constant 144 : index
    %swap3A_61 = tpu.vector_load %arg6[%swap3A_60] {strides = array<i32>} : memref<208xi32, #tpu.memory_space<vmem>>, vector<16xi32>,
    tpu.vector_store %arg6[%swap3A_60], %gather3A_59 {strides = array<i32>} : memref<208xi32, #tpu.memory_space<vmem>>, vector<16xi32>,
    %add3A_62 = arith.constant 160 : i32
    %add3A_63 = vector.broadcast %add3A_62 : i32 to vector<16xi32>
    %add3A_64 = arith.addi %add3A_63, %iota3A : vector<16xi32>
    %gather3A_65 = tpu.vector_load_idx %arg5[%add3A_64, %broadcast_in_dim3A_3] : memref<200x128xi32, #tpu.memory_space<vmem>>[vector<16xi32>, vector<16xi32>], vector<16xi32>,
    %swap3A_66 = arith.constant 160 : index
    %swap3A_67 = tpu.vector_load %arg6[%swap3A_66] {strides = array<i32>} : memref<208xi32, #tpu.memory_space<vmem>>, vector<16xi32>,
    tpu.vector_store %arg6[%swap3A_66], %gather3A_65 {strides = array<i32>} : memref<208xi32, #tpu.memory_space<vmem>>, vector<16xi32>,
    %add3A_68 = arith.constant 176 : i32
    %add3A_69 = vector.broadcast %add3A_68 : i32 to vector<16xi32>
    %add3A_70 = arith.addi %add3A_69, %iota3A : vector<16xi32>
    %gather3A_71 = tpu.vector_load_idx %arg5[%add3A_70, %broadcast_in_dim3A_3] : memref<200x128xi32, #tpu.memory_space<vmem>>[vector<16xi32>, vector<16xi32>], vector<16xi32>,
    %swap3A_72 = arith.constant 176 : index
    %swap3A_73 = tpu.vector_load %arg6[%swap3A_72] {strides = array<i32>} : memref<208xi32, #tpu.memory_space<vmem>>, vector<16xi32>,
    tpu.vector_store %arg6[%swap3A_72], %gather3A_71 {strides = array<i32>} : memref<208xi32, #tpu.memory_space<vmem>>, vector<16xi32>,
    %add3A_74 = arith.constant 184 : i32
    %add3A_75 = vector.broadcast %add3A_74 : i32 to vector<16xi32>
    %add3A_76 = arith.addi %add3A_75, %iota3A : vector<16xi32>
    %gather3A_77 = tpu.vector_load_idx %arg5[%add3A_76, %broadcast_in_dim3A_3] : memref<200x128xi32, #tpu.memory_space<vmem>>[vector<16xi32>, vector<16xi32>], vector<16xi32>,
    %swap3A_78 = arith.constant 184 : index
    %swap3A_79 = tpu.vector_load %arg6[%swap3A_78] {strides = array<i32>} : memref<208xi32, #tpu.memory_space<vmem>>, vector<16xi32>,
    tpu.vector_store %arg6[%swap3A_78], %gather3A_77 {strides = array<i32>} : memref<208xi32, #tpu.memory_space<vmem>>, vector<16xi32>,
    %dma_start3A = arith.constant 0 : i32
    %dma_start3A_80 = arith.constant 0 : i32
    %dma_start3A_81 = tpu.memref_slice %arg10[%dma_start3A, %dma_start3A_80] : memref<200x64xbf16, #tpu.memory_space<vmem>> -> memref<104x64xbf16, #tpu.memory_space<vmem>>
    %dma_start3A_82 = arith.constant 0 : i32
    %dma_start3A_83 = tpu.memref_slice %arg6[%dma_start3A_82] : memref<208xi32, #tpu.memory_space<vmem>> -> memref<104xi32, #tpu.memory_space<vmem>>
    %dma_start3A_84 = arith.constant 0 : i32
    %dma_start3A_85 = arith.constant 0 : i32
    %dma_start3A_86 = tpu.memref_slice %arg2[%dma_start3A_84, %dma_start3A_85] : memref<20000x64xbf16, #tpu.memory_space<hbm>> -> memref<20000x64xbf16, #tpu.memory_space<hbm>>
    tpu.enqueue_indirect_dma source(%dma_start3A_86 : memref<20000x64xbf16, #tpu.memory_space<hbm>>) target(%dma_start3A_81 : memref<104x64xbf16, #tpu.memory_space<vmem>>) offsets(%dma_start3A_83 : memref<104xi32, #tpu.memory_space<vmem>>) semaphore(%arg15 : memref<!tpu.dma_semaphore, #tpu.memory_space<semaphore_mem>>)
    %dma_start3A_87 = arith.constant 104 : i32
    %dma_start3A_88 = arith.constant 0 : i32
    %dma_start3A_89 = tpu.memref_slice %arg10[%dma_start3A_87, %dma_start3A_88] : memref<200x64xbf16, #tpu.memory_space<vmem>> -> memref<96x64xbf16, #tpu.memory_space<vmem>>
    %dma_start3A_90 = arith.constant 104 : i32
    %dma_start3A_91 = tpu.memref_slice %arg6[%dma_start3A_90] : memref<208xi32, #tpu.memory_space<vmem>> -> memref<96xi32, #tpu.memory_space<vmem>>
    %dma_start3A_92 = arith.constant 0 : i32
    %dma_start3A_93 = arith.constant 0 : i32
    %dma_start3A_94 = tpu.memref_slice %arg2[%dma_start3A_92, %dma_start3A_93] : memref<20000x64xbf16, #tpu.memory_space<hbm>> -> memref<20000x64xbf16, #tpu.memory_space<hbm>>
    tpu.enqueue_indirect_dma source(%dma_start3A_94 : memref<20000x64xbf16, #tpu.memory_space<hbm>>) target(%dma_start3A_89 : memref<96x64xbf16, #tpu.memory_space<vmem>>) offsets(%dma_start3A_91 : memref<96xi32, #tpu.memory_space<vmem>>) semaphore(%arg15 : memref<!tpu.dma_semaphore, #tpu.memory_space<semaphore_mem>>)
    %broadcast_in_dim3A_95 = arith.constant 1 : i32
    %broadcast_in_dim3A_96 = vector.broadcast %broadcast_in_dim3A_95 : i32 to vector<16xi32>
    %add3A_97 = arith.constant 0 : i32
    %add3A_98 = vector.broadcast %add3A_97 : i32 to vector<16xi32>
    %add3A_99 = arith.addi %add3A_98, %iota3A : vector<16xi32>
    %gather3A_100 = tpu.vector_load_idx %arg5[%add3A_99, %broadcast_in_dim3A_96] : memref<200x128xi32, #tpu.memory_space<vmem>>[vector<16xi32>, vector<16xi32>], vector<16xi32>,
    %swap3A_101 = arith.constant 0 : index
    %swap3A_102 = tpu.vector_load %arg7[%swap3A_101] {strides = array<i32>} : memref<208xi32, #tpu.memory_space<vmem>>, vector<16xi32>,
    tpu.vector_store %arg7[%swap3A_101], %gather3A_100 {strides = array<i32>} : memref<208xi32, #tpu.memory_space<vmem>>, vector<16xi32>,
    %add3A_103 = arith.constant 16 : i32
    %add3A_104 = vector.broadcast %add3A_103 : i32 to vector<16xi32>
    %add3A_105 = arith.addi %add3A_104, %iota3A : vector<16xi32>
    %gather3A_106 = tpu.vector_load_idx %arg5[%add3A_105, %broadcast_in_dim3A_96] : memref<200x128xi32, #tpu.memory_space<vmem>>[vector<16xi32>, vector<16xi32>], vector<16xi32>,
    %swap3A_107 = arith.constant 16 : index
    %swap3A_108 = tpu.vector_load %arg7[%swap3A_107] {strides = array<i32>} : memref<208xi32, #tpu.memory_space<vmem>>, vector<16xi32>,
    tpu.vector_store %arg7[%swap3A_107], %gather3A_106 {strides = array<i32>} : memref<208xi32, #tpu.memory_space<vmem>>, vector<16xi32>,
    %add3A_109 = arith.constant 32 : i32
    %add3A_110 = vector.broadcast %add3A_109 : i32 to vector<16xi32>
    %add3A_111 = arith.addi %add3A_110, %iota3A : vector<16xi32>
    %gather3A_112 = tpu.vector_load_idx %arg5[%add3A_111, %broadcast_in_dim3A_96] : memref<200x128xi32, #tpu.memory_space<vmem>>[vector<16xi32>, vector<16xi32>], vector<16xi32>,
    %swap3A_113 = arith.constant 32 : index
    %swap3A_114 = tpu.vector_load %arg7[%swap3A_113] {strides = array<i32>} : memref<208xi32, #tpu.memory_space<vmem>>, vector<16xi32>,
    tpu.vector_store %arg7[%swap3A_113], %gather3A_112 {strides = array<i32>} : memref<208xi32, #tpu.memory_space<vmem>>, vector<16xi32>,
    %add3A_115 = arith.constant 48 : i32
    %add3A_116 = vector.broadcast %add3A_115 : i32 to vector<16xi32>
    %add3A_117 = arith.addi %add3A_116, %iota3A : vector<16xi32>
    %gather3A_118 = tpu.vector_load_idx %arg5[%add3A_117, %broadcast_in_dim3A_96] : memref<200x128xi32, #tpu.memory_space<vmem>>[vector<16xi32>, vector<16xi32>], vector<16xi32>,
    %swap3A_119 = arith.constant 48 : index
    %swap3A_120 = tpu.vector_load %arg7[%swap3A_119] {strides = array<i32>} : memref<208xi32, #tpu.memory_space<vmem>>, vector<16xi32>,
    tpu.vector_store %arg7[%swap3A_119], %gather3A_118 {strides = array<i32>} : memref<208xi32, #tpu.memory_space<vmem>>, vector<16xi32>,
    %add3A_121 = arith.constant 64 : i32
    %add3A_122 = vector.broadcast %add3A_121 : i32 to vector<16xi32>
    %add3A_123 = arith.addi %add3A_122, %iota3A : vector<16xi32>
    %gather3A_124 = tpu.vector_load_idx %arg5[%add3A_123, %broadcast_in_dim3A_96] : memref<200x128xi32, #tpu.memory_space<vmem>>[vector<16xi32>, vector<16xi32>], vector<16xi32>,
    %swap3A_125 = arith.constant 64 : index
    %swap3A_126 = tpu.vector_load %arg7[%swap3A_125] {strides = array<i32>} : memref<208xi32, #tpu.memory_space<vmem>>, vector<16xi32>,
    tpu.vector_store %arg7[%swap3A_125], %gather3A_124 {strides = array<i32>} : memref<208xi32, #tpu.memory_space<vmem>>, vector<16xi32>,
    %add3A_127 = arith.constant 80 : i32
    %add3A_128 = vector.broadcast %add3A_127 : i32 to vector<16xi32>
    %add3A_129 = arith.addi %add3A_128, %iota3A : vector<16xi32>
    %gather3A_130 = tpu.vector_load_idx %arg5[%add3A_129, %broadcast_in_dim3A_96] : memref<200x128xi32, #tpu.memory_space<vmem>>[vector<16xi32>, vector<16xi32>], vector<16xi32>,
    %swap3A_131 = arith.constant 80 : index
    %swap3A_132 = tpu.vector_load %arg7[%swap3A_131] {strides = array<i32>} : memref<208xi32, #tpu.memory_space<vmem>>, vector<16xi32>,
    tpu.vector_store %arg7[%swap3A_131], %gather3A_130 {strides = array<i32>} : memref<208xi32, #tpu.memory_space<vmem>>, vector<16xi32>,
    %add3A_133 = arith.constant 96 : i32
    %add3A_134 = vector.broadcast %add3A_133 : i32 to vector<16xi32>
    %add3A_135 = arith.addi %add3A_134, %iota3A : vector<16xi32>
    %gather3A_136 = tpu.vector_load_idx %arg5[%add3A_135, %broadcast_in_dim3A_96] : memref<200x128xi32, #tpu.memory_space<vmem>>[vector<16xi32>, vector<16xi32>], vector<16xi32>,
    %swap3A_137 = arith.constant 96 : index
    %swap3A_138 = tpu.vector_load %arg7[%swap3A_137] {strides = array<i32>} : memref<208xi32, #tpu.memory_space<vmem>>, vector<16xi32>,
    tpu.vector_store %arg7[%swap3A_137], %gather3A_136 {strides = array<i32>} : memref<208xi32, #tpu.memory_space<vmem>>, vector<16xi32>,
    %add3A_139 = arith.constant 112 : i32
    %add3A_140 = vector.broadcast %add3A_139 : i32 to vector<16xi32>
    %add3A_141 = arith.addi %add3A_140, %iota3A : vector<16xi32>
    %gather3A_142 = tpu.vector_load_idx %arg5[%add3A_141, %broadcast_in_dim3A_96] : memref<200x128xi32, #tpu.memory_space<vmem>>[vector<16xi32>, vector<16xi32>], vector<16xi32>,
    %swap3A_143 = arith.constant 112 : index
    %swap3A_144 = tpu.vector_load %arg7[%swap3A_143] {strides = array<i32>} : memref<208xi32, #tpu.memory_space<vmem>>, vector<16xi32>,
    tpu.vector_store %arg7[%swap3A_143], %gather3A_142 {strides = array<i32>} : memref<208xi32, #tpu.memory_space<vmem>>, vector<16xi32>,
    %add3A_145 = arith.constant 128 : i32
    %add3A_146 = vector.broadcast %add3A_145 : i32 to vector<16xi32>
    %add3A_147 = arith.addi %add3A_146, %iota3A : vector<16xi32>
    %gather3A_148 = tpu.vector_load_idx %arg5[%add3A_147, %broadcast_in_dim3A_96] : memref<200x128xi32, #tpu.memory_space<vmem>>[vector<16xi32>, vector<16xi32>], vector<16xi32>,
    %swap3A_149 = arith.constant 128 : index
    %swap3A_150 = tpu.vector_load %arg7[%swap3A_149] {strides = array<i32>} : memref<208xi32, #tpu.memory_space<vmem>>, vector<16xi32>,
    tpu.vector_store %arg7[%swap3A_149], %gather3A_148 {strides = array<i32>} : memref<208xi32, #tpu.memory_space<vmem>>, vector<16xi32>,
    %add3A_151 = arith.constant 144 : i32
    %add3A_152 = vector.broadcast %add3A_151 : i32 to vector<16xi32>
    %add3A_153 = arith.addi %add3A_152, %iota3A : vector<16xi32>
    %gather3A_154 = tpu.vector_load_idx %arg5[%add3A_153, %broadcast_in_dim3A_96] : memref<200x128xi32, #tpu.memory_space<vmem>>[vector<16xi32>, vector<16xi32>], vector<16xi32>,
    %swap3A_155 = arith.constant 144 : index
    %swap3A_156 = tpu.vector_load %arg7[%swap3A_155] {strides = array<i32>} : memref<208xi32, #tpu.memory_space<vmem>>, vector<16xi32>,
    tpu.vector_store %arg7[%swap3A_155], %gather3A_154 {strides = array<i32>} : memref<208xi32, #tpu.memory_space<vmem>>, vector<16xi32>,
    %add3A_157 = arith.constant 160 : i32
    %add3A_158 = vector.broadcast %add3A_157 : i32 to vector<16xi32>
    %add3A_159 = arith.addi %add3A_158, %iota3A : vector<16xi32>
    %gather3A_160 = tpu.vector_load_idx %arg5[%add3A_159, %broadcast_in_dim3A_96] : memref<200x128xi32, #tpu.memory_space<vmem>>[vector<16xi32>, vector<16xi32>], vector<16xi32>,
    %swap3A_161 = arith.constant 160 : index
    %swap3A_162 = tpu.vector_load %arg7[%swap3A_161] {strides = array<i32>} : memref<208xi32, #tpu.memory_space<vmem>>, vector<16xi32>,
    tpu.vector_store %arg7[%swap3A_161], %gather3A_160 {strides = array<i32>} : memref<208xi32, #tpu.memory_space<vmem>>, vector<16xi32>,
    %add3A_163 = arith.constant 176 : i32
    %add3A_164 = vector.broadcast %add3A_163 : i32 to vector<16xi32>
    %add3A_165 = arith.addi %add3A_164, %iota3A : vector<16xi32>
    %gather3A_166 = tpu.vector_load_idx %arg5[%add3A_165, %broadcast_in_dim3A_96] : memref<200x128xi32, #tpu.memory_space<vmem>>[vector<16xi32>, vector<16xi32>], vector<16xi32>,
    %swap3A_167 = arith.constant 176 : index
    %swap3A_168 = tpu.vector_load %arg7[%swap3A_167] {strides = array<i32>} : memref<208xi32, #tpu.memory_space<vmem>>, vector<16xi32>,
    tpu.vector_store %arg7[%swap3A_167], %gather3A_166 {strides = array<i32>} : memref<208xi32, #tpu.memory_space<vmem>>, vector<16xi32>,
    %add3A_169 = arith.constant 184 : i32
    %add3A_170 = vector.broadcast %add3A_169 : i32 to vector<16xi32>
    %add3A_171 = arith.addi %add3A_170, %iota3A : vector<16xi32>
    %gather3A_172 = tpu.vector_load_idx %arg5[%add3A_171, %broadcast_in_dim3A_96] : memref<200x128xi32, #tpu.memory_space<vmem>>[vector<16xi32>, vector<16xi32>], vector<16xi32>,
    %swap3A_173 = arith.constant 184 : index
    %swap3A_174 = tpu.vector_load %arg7[%swap3A_173] {strides = array<i32>} : memref<208xi32, #tpu.memory_space<vmem>>, vector<16xi32>,
    tpu.vector_store %arg7[%swap3A_173], %gather3A_172 {strides = array<i32>} : memref<208xi32, #tpu.memory_space<vmem>>, vector<16xi32>,
    %dma_start3A_175 = arith.constant 0 : i32
    %dma_start3A_176 = arith.constant 0 : i32
    %dma_start3A_177 = tpu.memref_slice %arg11[%dma_start3A_175, %dma_start3A_176] : memref<200x64xbf16, #tpu.memory_space<vmem>> -> memref<104x64xbf16, #tpu.memory_space<vmem>>
    %dma_start3A_178 = arith.constant 0 : i32
    %dma_start3A_179 = tpu.memref_slice %arg7[%dma_start3A_178] : memref<208xi32, #tpu.memory_space<vmem>> -> memref<104xi32, #tpu.memory_space<vmem>>
    %dma_start3A_180 = arith.constant 0 : i32
    %dma_start3A_181 = arith.constant 0 : i32
    %dma_start3A_182 = tpu.memref_slice %arg2[%dma_start3A_180, %dma_start3A_181] : memref<20000x64xbf16, #tpu.memory_space<hbm>> -> memref<20000x64xbf16, #tpu.memory_space<hbm>>
    tpu.enqueue_indirect_dma source(%dma_start3A_182 : memref<20000x64xbf16, #tpu.memory_space<hbm>>) target(%dma_start3A_177 : memref<104x64xbf16, #tpu.memory_space<vmem>>) offsets(%dma_start3A_179 : memref<104xi32, #tpu.memory_space<vmem>>) semaphore(%arg16 : memref<!tpu.dma_semaphore, #tpu.memory_space<semaphore_mem>>)
    %dma_start3A_183 = arith.constant 104 : i32
    %dma_start3A_184 = arith.constant 0 : i32
    %dma_start3A_185 = tpu.memref_slice %arg11[%dma_start3A_183, %dma_start3A_184] : memref<200x64xbf16, #tpu.memory_space<vmem>> -> memref<96x64xbf16, #tpu.memory_space<vmem>>
    %dma_start3A_186 = arith.constant 104 : i32
    %dma_start3A_187 = tpu.memref_slice %arg7[%dma_start3A_186] : memref<208xi32, #tpu.memory_space<vmem>> -> memref<96xi32, #tpu.memory_space<vmem>>
    %dma_start3A_188 = arith.constant 0 : i32
    %dma_start3A_189 = arith.constant 0 : i32
    %dma_start3A_190 = tpu.memref_slice %arg2[%dma_start3A_188, %dma_start3A_189] : memref<20000x64xbf16, #tpu.memory_space<hbm>> -> memref<20000x64xbf16, #tpu.memory_space<hbm>>
    tpu.enqueue_indirect_dma source(%dma_start3A_190 : memref<20000x64xbf16, #tpu.memory_space<hbm>>) target(%dma_start3A_185 : memref<96x64xbf16, #tpu.memory_space<vmem>>) offsets(%dma_start3A_187 : memref<96xi32, #tpu.memory_space<vmem>>) semaphore(%arg16 : memref<!tpu.dma_semaphore, #tpu.memory_space<semaphore_mem>>)
    %broadcast_in_dim3A_191 = arith.constant 2 : i32
    %broadcast_in_dim3A_192 = vector.broadcast %broadcast_in_dim3A_191 : i32 to vector<16xi32>
    %add3A_193 = arith.constant 0 : i32
    %add3A_194 = vector.broadcast %add3A_193 : i32 to vector<16xi32>
    %add3A_195 = arith.addi %add3A_194, %iota3A : vector<16xi32>
    %gather3A_196 = tpu.vector_load_idx %arg5[%add3A_195, %broadcast_in_dim3A_192] : memref<200x128xi32, #tpu.memory_space<vmem>>[vector<16xi32>, vector<16xi32>], vector<16xi32>,
    %swap3A_197 = arith.constant 0 : index
    %swap3A_198 = tpu.vector_load %arg8[%swap3A_197] {strides = array<i32>} : memref<208xi32, #tpu.memory_space<vmem>>, vector<16xi32>,
    tpu.vector_store %arg8[%swap3A_197], %gather3A_196 {strides = array<i32>} : memref<208xi32, #tpu.memory_space<vmem>>, vector<16xi32>,
    %add3A_199 = arith.constant 16 : i32
    %add3A_200 = vector.broadcast %add3A_199 : i32 to vector<16xi32>
    %add3A_201 = arith.addi %add3A_200, %iota3A : vector<16xi32>
    %gather3A_202 = tpu.vector_load_idx %arg5[%add3A_201, %broadcast_in_dim3A_192] : memref<200x128xi32, #tpu.memory_space<vmem>>[vector<16xi32>, vector<16xi32>], vector<16xi32>,
    %swap3A_203 = arith.constant 16 : index
    %swap3A_204 = tpu.vector_load %arg8[%swap3A_203] {strides = array<i32>} : memref<208xi32, #tpu.memory_space<vmem>>, vector<16xi32>,
    tpu.vector_store %arg8[%swap3A_203], %gather3A_202 {strides = array<i32>} : memref<208xi32, #tpu.memory_space<vmem>>, vector<16xi32>,
    %add3A_205 = arith.constant 32 : i32
    %add3A_206 = vector.broadcast %add3A_205 : i32 to vector<16xi32>
    %add3A_207 = arith.addi %add3A_206, %iota3A : vector<16xi32>
    %gather3A_208 = tpu.vector_load_idx %arg5[%add3A_207, %broadcast_in_dim3A_192] : memref<200x128xi32, #tpu.memory_space<vmem>>[vector<16xi32>, vector<16xi32>], vector<16xi32>,
    %swap3A_209 = arith.constant 32 : index
    %swap3A_210 = tpu.vector_load %arg8[%swap3A_209] {strides = array<i32>} : memref<208xi32, #tpu.memory_space<vmem>>, vector<16xi32>,
    tpu.vector_store %arg8[%swap3A_209], %gather3A_208 {strides = array<i32>} : memref<208xi32, #tpu.memory_space<vmem>>, vector<16xi32>,
    %add3A_211 = arith.constant 48 : i32
    %add3A_212 = vector.broadcast %add3A_211 : i32 to vector<16xi32>
    %add3A_213 = arith.addi %add3A_212, %iota3A : vector<16xi32>
    %gather3A_214 = tpu.vector_load_idx %arg5[%add3A_213, %broadcast_in_dim3A_192] : memref<200x128xi32, #tpu.memory_space<vmem>>[vector<16xi32>, vector<16xi32>], vector<16xi32>,
    %swap3A_215 = arith.constant 48 : index
    %swap3A_216 = tpu.vector_load %arg8[%swap3A_215] {strides = array<i32>} : memref<208xi32, #tpu.memory_space<vmem>>, vector<16xi32>,
    tpu.vector_store %arg8[%swap3A_215], %gather3A_214 {strides = array<i32>} : memref<208xi32, #tpu.memory_space<vmem>>, vector<16xi32>,
    %add3A_217 = arith.constant 64 : i32
    %add3A_218 = vector.broadcast %add3A_217 : i32 to vector<16xi32>
    %add3A_219 = arith.addi %add3A_218, %iota3A : vector<16xi32>
    %gather3A_220 = tpu.vector_load_idx %arg5[%add3A_219, %broadcast_in_dim3A_192] : memref<200x128xi32, #tpu.memory_space<vmem>>[vector<16xi32>, vector<16xi32>], vector<16xi32>,
    %swap3A_221 = arith.constant 64 : index
    %swap3A_222 = tpu.vector_load %arg8[%swap3A_221] {strides = array<i32>} : memref<208xi32, #tpu.memory_space<vmem>>, vector<16xi32>,
    tpu.vector_store %arg8[%swap3A_221], %gather3A_220 {strides = array<i32>} : memref<208xi32, #tpu.memory_space<vmem>>, vector<16xi32>,
    %add3A_223 = arith.constant 80 : i32
    %add3A_224 = vector.broadcast %add3A_223 : i32 to vector<16xi32>
    %add3A_225 = arith.addi %add3A_224, %iota3A : vector<16xi32>
    %gather3A_226 = tpu.vector_load_idx %arg5[%add3A_225, %broadcast_in_dim3A_192] : memref<200x128xi32, #tpu.memory_space<vmem>>[vector<16xi32>, vector<16xi32>], vector<16xi32>,
    %swap3A_227 = arith.constant 80 : index
    %swap3A_228 = tpu.vector_load %arg8[%swap3A_227] {strides = array<i32>} : memref<208xi32, #tpu.memory_space<vmem>>, vector<16xi32>,
    tpu.vector_store %arg8[%swap3A_227], %gather3A_226 {strides = array<i32>} : memref<208xi32, #tpu.memory_space<vmem>>, vector<16xi32>,
    %add3A_229 = arith.constant 96 : i32
    %add3A_230 = vector.broadcast %add3A_229 : i32 to vector<16xi32>
    %add3A_231 = arith.addi %add3A_230, %iota3A : vector<16xi32>
    %gather3A_232 = tpu.vector_load_idx %arg5[%add3A_231, %broadcast_in_dim3A_192] : memref<200x128xi32, #tpu.memory_space<vmem>>[vector<16xi32>, vector<16xi32>], vector<16xi32>,
    %swap3A_233 = arith.constant 96 : index
    %swap3A_234 = tpu.vector_load %arg8[%swap3A_233] {strides = array<i32>} : memref<208xi32, #tpu.memory_space<vmem>>, vector<16xi32>,
    tpu.vector_store %arg8[%swap3A_233], %gather3A_232 {strides = array<i32>} : memref<208xi32, #tpu.memory_space<vmem>>, vector<16xi32>,
    %add3A_235 = arith.constant 112 : i32
    %add3A_236 = vector.broadcast %add3A_235 : i32 to vector<16xi32>
    %add3A_237 = arith.addi %add3A_236, %iota3A : vector<16xi32>
    %gather3A_238 = tpu.vector_load_idx %arg5[%add3A_237, %broadcast_in_dim3A_192] : memref<200x128xi32, #tpu.memory_space<vmem>>[vector<16xi32>, vector<16xi32>], vector<16xi32>,
    %swap3A_239 = arith.constant 112 : index
    %swap3A_240 = tpu.vector_load %arg8[%swap3A_239] {strides = array<i32>} : memref<208xi32, #tpu.memory_space<vmem>>, vector<16xi32>,
    tpu.vector_store %arg8[%swap3A_239], %gather3A_238 {strides = array<i32>} : memref<208xi32, #tpu.memory_space<vmem>>, vector<16xi32>,
    %add3A_241 = arith.constant 128 : i32
    %add3A_242 = vector.broadcast %add3A_241 : i32 to vector<16xi32>
    %add3A_243 = arith.addi %add3A_242, %iota3A : vector<16xi32>
    %gather3A_244 = tpu.vector_load_idx %arg5[%add3A_243, %broadcast_in_dim3A_192] : memref<200x128xi32, #tpu.memory_space<vmem>>[vector<16xi32>, vector<16xi32>], vector<16xi32>,
    %swap3A_245 = arith.constant 128 : index
    %swap3A_246 = tpu.vector_load %arg8[%swap3A_245] {strides = array<i32>} : memref<208xi32, #tpu.memory_space<vmem>>, vector<16xi32>,
    tpu.vector_store %arg8[%swap3A_245], %gather3A_244 {strides = array<i32>} : memref<208xi32, #tpu.memory_space<vmem>>, vector<16xi32>,
    %add3A_247 = arith.constant 144 : i32
    %add3A_248 = vector.broadcast %add3A_247 : i32 to vector<16xi32>
    %add3A_249 = arith.addi %add3A_248, %iota3A : vector<16xi32>
    %gather3A_250 = tpu.vector_load_idx %arg5[%add3A_249, %broadcast_in_dim3A_192] : memref<200x128xi32, #tpu.memory_space<vmem>>[vector<16xi32>, vector<16xi32>], vector<16xi32>,
    %swap3A_251 = arith.constant 144 : index
    %swap3A_252 = tpu.vector_load %arg8[%swap3A_251] {strides = array<i32>} : memref<208xi32, #tpu.memory_space<vmem>>, vector<16xi32>,
    tpu.vector_store %arg8[%swap3A_251], %gather3A_250 {strides = array<i32>} : memref<208xi32, #tpu.memory_space<vmem>>, vector<16xi32>,
    %add3A_253 = arith.constant 160 : i32
    %add3A_254 = vector.broadcast %add3A_253 : i32 to vector<16xi32>
    %add3A_255 = arith.addi %add3A_254, %iota3A : vector<16xi32>
    %gather3A_256 = tpu.vector_load_idx %arg5[%add3A_255, %broadcast_in_dim3A_192] : memref<200x128xi32, #tpu.memory_space<vmem>>[vector<16xi32>, vector<16xi32>], vector<16xi32>,
    %swap3A_257 = arith.constant 160 : index
    %swap3A_258 = tpu.vector_load %arg8[%swap3A_257] {strides = array<i32>} : memref<208xi32, #tpu.memory_space<vmem>>, vector<16xi32>,
    tpu.vector_store %arg8[%swap3A_257], %gather3A_256 {strides = array<i32>} : memref<208xi32, #tpu.memory_space<vmem>>, vector<16xi32>,
    %add3A_259 = arith.constant 176 : i32
    %add3A_260 = vector.broadcast %add3A_259 : i32 to vector<16xi32>
    %add3A_261 = arith.addi %add3A_260, %iota3A : vector<16xi32>
    %gather3A_262 = tpu.vector_load_idx %arg5[%add3A_261, %broadcast_in_dim3A_192] : memref<200x128xi32, #tpu.memory_space<vmem>>[vector<16xi32>, vector<16xi32>], vector<16xi32>,
    %swap3A_263 = arith.constant 176 : index
    %swap3A_264 = tpu.vector_load %arg8[%swap3A_263] {strides = array<i32>} : memref<208xi32, #tpu.memory_space<vmem>>, vector<16xi32>,
    tpu.vector_store %arg8[%swap3A_263], %gather3A_262 {strides = array<i32>} : memref<208xi32, #tpu.memory_space<vmem>>, vector<16xi32>,
    %add3A_265 = arith.constant 184 : i32
    %add3A_266 = vector.broadcast %add3A_265 : i32 to vector<16xi32>
    %add3A_267 = arith.addi %add3A_266, %iota3A : vector<16xi32>
    %gather3A_268 = tpu.vector_load_idx %arg5[%add3A_267, %broadcast_in_dim3A_192] : memref<200x128xi32, #tpu.memory_space<vmem>>[vector<16xi32>, vector<16xi32>], vector<16xi32>,
    %swap3A_269 = arith.constant 184 : index
    %swap3A_270 = tpu.vector_load %arg8[%swap3A_269] {strides = array<i32>} : memref<208xi32, #tpu.memory_space<vmem>>, vector<16xi32>,
    tpu.vector_store %arg8[%swap3A_269], %gather3A_268 {strides = array<i32>} : memref<208xi32, #tpu.memory_space<vmem>>, vector<16xi32>,
    %dma_start3A_271 = arith.constant 0 : i32
    %dma_start3A_272 = arith.constant 0 : i32
    %dma_start3A_273 = tpu.memref_slice %arg12[%dma_start3A_271, %dma_start3A_272] : memref<200x64xbf16, #tpu.memory_space<vmem>> -> memref<104x64xbf16, #tpu.memory_space<vmem>>
    %dma_start3A_274 = arith.constant 0 : i32
    %dma_start3A_275 = tpu.memref_slice %arg8[%dma_start3A_274] : memref<208xi32, #tpu.memory_space<vmem>> -> memref<104xi32, #tpu.memory_space<vmem>>
    %dma_start3A_276 = arith.constant 0 : i32
    %dma_start3A_277 = arith.constant 0 : i32
    %dma_start3A_278 = tpu.memref_slice %arg2[%dma_start3A_276, %dma_start3A_277] : memref<20000x64xbf16, #tpu.memory_space<hbm>> -> memref<20000x64xbf16, #tpu.memory_space<hbm>>
    tpu.enqueue_indirect_dma source(%dma_start3A_278 : memref<20000x64xbf16, #tpu.memory_space<hbm>>) target(%dma_start3A_273 : memref<104x64xbf16, #tpu.memory_space<vmem>>) offsets(%dma_start3A_275 : memref<104xi32, #tpu.memory_space<vmem>>) semaphore(%arg17 : memref<!tpu.dma_semaphore, #tpu.memory_space<semaphore_mem>>)
    %dma_start3A_279 = arith.constant 104 : i32
    %dma_start3A_280 = arith.constant 0 : i32
    %dma_start3A_281 = tpu.memref_slice %arg12[%dma_start3A_279, %dma_start3A_280] : memref<200x64xbf16, #tpu.memory_space<vmem>> -> memref<96x64xbf16, #tpu.memory_space<vmem>>
    %dma_start3A_282 = arith.constant 104 : i32
    %dma_start3A_283 = tpu.memref_slice %arg8[%dma_start3A_282] : memref<208xi32, #tpu.memory_space<vmem>> -> memref<96xi32, #tpu.memory_space<vmem>>
    %dma_start3A_284 = arith.constant 0 : i32
    %dma_start3A_285 = arith.constant 0 : i32
    %dma_start3A_286 = tpu.memref_slice %arg2[%dma_start3A_284, %dma_start3A_285] : memref<20000x64xbf16, #tpu.memory_space<hbm>> -> memref<20000x64xbf16, #tpu.memory_space<hbm>>
    tpu.enqueue_indirect_dma source(%dma_start3A_286 : memref<20000x64xbf16, #tpu.memory_space<hbm>>) target(%dma_start3A_281 : memref<96x64xbf16, #tpu.memory_space<vmem>>) offsets(%dma_start3A_283 : memref<96xi32, #tpu.memory_space<vmem>>) semaphore(%arg17 : memref<!tpu.dma_semaphore, #tpu.memory_space<semaphore_mem>>)
    %broadcast_in_dim3A_287 = arith.constant 3 : i32
    %broadcast_in_dim3A_288 = vector.broadcast %broadcast_in_dim3A_287 : i32 to vector<16xi32>
    %add3A_289 = arith.constant 0 : i32
    %add3A_290 = vector.broadcast %add3A_289 : i32 to vector<16xi32>
    %add3A_291 = arith.addi %add3A_290, %iota3A : vector<16xi32>
    %gather3A_292 = tpu.vector_load_idx %arg5[%add3A_291, %broadcast_in_dim3A_288] : memref<200x128xi32, #tpu.memory_space<vmem>>[vector<16xi32>, vector<16xi32>], vector<16xi32>,
    %swap3A_293 = arith.constant 0 : index
    %swap3A_294 = tpu.vector_load %arg9[%swap3A_293] {strides = array<i32>} : memref<208xi32, #tpu.memory_space<vmem>>, vector<16xi32>,
    tpu.vector_store %arg9[%swap3A_293], %gather3A_292 {strides = array<i32>} : memref<208xi32, #tpu.memory_space<vmem>>, vector<16xi32>,
    %add3A_295 = arith.constant 16 : i32
    %add3A_296 = vector.broadcast %add3A_295 : i32 to vector<16xi32>
    %add3A_297 = arith.addi %add3A_296, %iota3A : vector<16xi32>
    %gather3A_298 = tpu.vector_load_idx %arg5[%add3A_297, %broadcast_in_dim3A_288] : memref<200x128xi32, #tpu.memory_space<vmem>>[vector<16xi32>, vector<16xi32>], vector<16xi32>,
    %swap3A_299 = arith.constant 16 : index
    %swap3A_300 = tpu.vector_load %arg9[%swap3A_299] {strides = array<i32>} : memref<208xi32, #tpu.memory_space<vmem>>, vector<16xi32>,
    tpu.vector_store %arg9[%swap3A_299], %gather3A_298 {strides = array<i32>} : memref<208xi32, #tpu.memory_space<vmem>>, vector<16xi32>,
    %add3A_301 = arith.constant 32 : i32
    %add3A_302 = vector.broadcast %add3A_301 : i32 to vector<16xi32>
    %add3A_303 = arith.addi %add3A_302, %iota3A : vector<16xi32>
    %gather3A_304 = tpu.vector_load_idx %arg5[%add3A_303, %broadcast_in_dim3A_288] : memref<200x128xi32, #tpu.memory_space<vmem>>[vector<16xi32>, vector<16xi32>], vector<16xi32>,
    %swap3A_305 = arith.constant 32 : index
    %swap3A_306 = tpu.vector_load %arg9[%swap3A_305] {strides = array<i32>} : memref<208xi32, #tpu.memory_space<vmem>>, vector<16xi32>,
    tpu.vector_store %arg9[%swap3A_305], %gather3A_304 {strides = array<i32>} : memref<208xi32, #tpu.memory_space<vmem>>, vector<16xi32>,
    %add3A_307 = arith.constant 48 : i32
    %add3A_308 = vector.broadcast %add3A_307 : i32 to vector<16xi32>
    %add3A_309 = arith.addi %add3A_308, %iota3A : vector<16xi32>
    %gather3A_310 = tpu.vector_load_idx %arg5[%add3A_309, %broadcast_in_dim3A_288] : memref<200x128xi32, #tpu.memory_space<vmem>>[vector<16xi32>, vector<16xi32>], vector<16xi32>,
    %swap3A_311 = arith.constant 48 : index
    %swap3A_312 = tpu.vector_load %arg9[%swap3A_311] {strides = array<i32>} : memref<208xi32, #tpu.memory_space<vmem>>, vector<16xi32>,
    tpu.vector_store %arg9[%swap3A_311], %gather3A_310 {strides = array<i32>} : memref<208xi32, #tpu.memory_space<vmem>>, vector<16xi32>,
    %add3A_313 = arith.constant 64 : i32
    %add3A_314 = vector.broadcast %add3A_313 : i32 to vector<16xi32>
    %add3A_315 = arith.addi %add3A_314, %iota3A : vector<16xi32>
    %gather3A_316 = tpu.vector_load_idx %arg5[%add3A_315, %broadcast_in_dim3A_288] : memref<200x128xi32, #tpu.memory_space<vmem>>[vector<16xi32>, vector<16xi32>], vector<16xi32>,
    %swap3A_317 = arith.constant 64 : index
    %swap3A_318 = tpu.vector_load %arg9[%swap3A_317] {strides = array<i32>} : memref<208xi32, #tpu.memory_space<vmem>>, vector<16xi32>,
    tpu.vector_store %arg9[%swap3A_317], %gather3A_316 {strides = array<i32>} : memref<208xi32, #tpu.memory_space<vmem>>, vector<16xi32>,
    %add3A_319 = arith.constant 80 : i32
    %add3A_320 = vector.broadcast %add3A_319 : i32 to vector<16xi32>
    %add3A_321 = arith.addi %add3A_320, %iota3A : vector<16xi32>
    %gather3A_322 = tpu.vector_load_idx %arg5[%add3A_321, %broadcast_in_dim3A_288] : memref<200x128xi32, #tpu.memory_space<vmem>>[vector<16xi32>, vector<16xi32>], vector<16xi32>,
    %swap3A_323 = arith.constant 80 : index
    %swap3A_324 = tpu.vector_load %arg9[%swap3A_323] {strides = array<i32>} : memref<208xi32, #tpu.memory_space<vmem>>, vector<16xi32>,
    tpu.vector_store %arg9[%swap3A_323], %gather3A_322 {strides = array<i32>} : memref<208xi32, #tpu.memory_space<vmem>>, vector<16xi32>,
    %add3A_325 = arith.constant 96 : i32
    %add3A_326 = vector.broadcast %add3A_325 : i32 to vector<16xi32>
    %add3A_327 = arith.addi %add3A_326, %iota3A : vector<16xi32>
    %gather3A_328 = tpu.vector_load_idx %arg5[%add3A_327, %broadcast_in_dim3A_288] : memref<200x128xi32, #tpu.memory_space<vmem>>[vector<16xi32>, vector<16xi32>], vector<16xi32>,
    %swap3A_329 = arith.constant 96 : index
    %swap3A_330 = tpu.vector_load %arg9[%swap3A_329] {strides = array<i32>} : memref<208xi32, #tpu.memory_space<vmem>>, vector<16xi32>,
    tpu.vector_store %arg9[%swap3A_329], %gather3A_328 {strides = array<i32>} : memref<208xi32, #tpu.memory_space<vmem>>, vector<16xi32>,
    %add3A_331 = arith.constant 112 : i32
    %add3A_332 = vector.broadcast %add3A_331 : i32 to vector<16xi32>
    %add3A_333 = arith.addi %add3A_332, %iota3A : vector<16xi32>
    %gather3A_334 = tpu.vector_load_idx %arg5[%add3A_333, %broadcast_in_dim3A_288] : memref<200x128xi32, #tpu.memory_space<vmem>>[vector<16xi32>, vector<16xi32>], vector<16xi32>,
    %swap3A_335 = arith.constant 112 : index
    %swap3A_336 = tpu.vector_load %arg9[%swap3A_335] {strides = array<i32>} : memref<208xi32, #tpu.memory_space<vmem>>, vector<16xi32>,
    tpu.vector_store %arg9[%swap3A_335], %gather3A_334 {strides = array<i32>} : memref<208xi32, #tpu.memory_space<vmem>>, vector<16xi32>,
    %add3A_337 = arith.constant 128 : i32
    %add3A_338 = vector.broadcast %add3A_337 : i32 to vector<16xi32>
    %add3A_339 = arith.addi %add3A_338, %iota3A : vector<16xi32>
    %gather3A_340 = tpu.vector_load_idx %arg5[%add3A_339, %broadcast_in_dim3A_288] : memref<200x128xi32, #tpu.memory_space<vmem>>[vector<16xi32>, vector<16xi32>], vector<16xi32>,
    %swap3A_341 = arith.constant 128 : index
    %swap3A_342 = tpu.vector_load %arg9[%swap3A_341] {strides = array<i32>} : memref<208xi32, #tpu.memory_space<vmem>>, vector<16xi32>,
    tpu.vector_store %arg9[%swap3A_341], %gather3A_340 {strides = array<i32>} : memref<208xi32, #tpu.memory_space<vmem>>, vector<16xi32>,
    %add3A_343 = arith.constant 144 : i32
    %add3A_344 = vector.broadcast %add3A_343 : i32 to vector<16xi32>
    %add3A_345 = arith.addi %add3A_344, %iota3A : vector<16xi32>
    %gather3A_346 = tpu.vector_load_idx %arg5[%add3A_345, %broadcast_in_dim3A_288] : memref<200x128xi32, #tpu.memory_space<vmem>>[vector<16xi32>, vector<16xi32>], vector<16xi32>,
    %swap3A_347 = arith.constant 144 : index
    %swap3A_348 = tpu.vector_load %arg9[%swap3A_347] {strides = array<i32>} : memref<208xi32, #tpu.memory_space<vmem>>, vector<16xi32>,
    tpu.vector_store %arg9[%swap3A_347], %gather3A_346 {strides = array<i32>} : memref<208xi32, #tpu.memory_space<vmem>>, vector<16xi32>,
    %add3A_349 = arith.constant 160 : i32
    %add3A_350 = vector.broadcast %add3A_349 : i32 to vector<16xi32>
    %add3A_351 = arith.addi %add3A_350, %iota3A : vector<16xi32>
    %gather3A_352 = tpu.vector_load_idx %arg5[%add3A_351, %broadcast_in_dim3A_288] : memref<200x128xi32, #tpu.memory_space<vmem>>[vector<16xi32>, vector<16xi32>], vector<16xi32>,
    %swap3A_353 = arith.constant 160 : index
    %swap3A_354 = tpu.vector_load %arg9[%swap3A_353] {strides = array<i32>} : memref<208xi32, #tpu.memory_space<vmem>>, vector<16xi32>,
    tpu.vector_store %arg9[%swap3A_353], %gather3A_352 {strides = array<i32>} : memref<208xi32, #tpu.memory_space<vmem>>, vector<16xi32>,
    %add3A_355 = arith.constant 176 : i32
    %add3A_356 = vector.broadcast %add3A_355 : i32 to vector<16xi32>
    %add3A_357 = arith.addi %add3A_356, %iota3A : vector<16xi32>
    %gather3A_358 = tpu.vector_load_idx %arg5[%add3A_357, %broadcast_in_dim3A_288] : memref<200x128xi32, #tpu.memory_space<vmem>>[vector<16xi32>, vector<16xi32>], vector<16xi32>,
    %swap3A_359 = arith.constant 176 : index
    %swap3A_360 = tpu.vector_load %arg9[%swap3A_359] {strides = array<i32>} : memref<208xi32, #tpu.memory_space<vmem>>, vector<16xi32>,
    tpu.vector_store %arg9[%swap3A_359], %gather3A_358 {strides = array<i32>} : memref<208xi32, #tpu.memory_space<vmem>>, vector<16xi32>,
    %add3A_361 = arith.constant 184 : i32
    %add3A_362 = vector.broadcast %add3A_361 : i32 to vector<16xi32>
    %add3A_363 = arith.addi %add3A_362, %iota3A : vector<16xi32>
    %gather3A_364 = tpu.vector_load_idx %arg5[%add3A_363, %broadcast_in_dim3A_288] : memref<200x128xi32, #tpu.memory_space<vmem>>[vector<16xi32>, vector<16xi32>], vector<16xi32>,
    %swap3A_365 = arith.constant 184 : index
    %swap3A_366 = tpu.vector_load %arg9[%swap3A_365] {strides = array<i32>} : memref<208xi32, #tpu.memory_space<vmem>>, vector<16xi32>,
    tpu.vector_store %arg9[%swap3A_365], %gather3A_364 {strides = array<i32>} : memref<208xi32, #tpu.memory_space<vmem>>, vector<16xi32>,
    %dma_start3A_367 = arith.constant 0 : i32
    %dma_start3A_368 = arith.constant 0 : i32
    %dma_start3A_369 = tpu.memref_slice %arg13[%dma_start3A_367, %dma_start3A_368] : memref<200x64xbf16, #tpu.memory_space<vmem>> -> memref<104x64xbf16, #tpu.memory_space<vmem>>
    %dma_start3A_370 = arith.constant 0 : i32
    %dma_start3A_371 = tpu.memref_slice %arg9[%dma_start3A_370] : memref<208xi32, #tpu.memory_space<vmem>> -> memref<104xi32, #tpu.memory_space<vmem>>
    %dma_start3A_372 = arith.constant 0 : i32
    %dma_start3A_373 = arith.constant 0 : i32
    %dma_start3A_374 = tpu.memref_slice %arg2[%dma_start3A_372, %dma_start3A_373] : memref<20000x64xbf16, #tpu.memory_space<hbm>> -> memref<20000x64xbf16, #tpu.memory_space<hbm>>
    tpu.enqueue_indirect_dma source(%dma_start3A_374 : memref<20000x64xbf16, #tpu.memory_space<hbm>>) target(%dma_start3A_369 : memref<104x64xbf16, #tpu.memory_space<vmem>>) offsets(%dma_start3A_371 : memref<104xi32, #tpu.memory_space<vmem>>) semaphore(%arg18 : memref<!tpu.dma_semaphore, #tpu.memory_space<semaphore_mem>>)
    %dma_start3A_375 = arith.constant 104 : i32
    %dma_start3A_376 = arith.constant 0 : i32
    %dma_start3A_377 = tpu.memref_slice %arg13[%dma_start3A_375, %dma_start3A_376] : memref<200x64xbf16, #tpu.memory_space<vmem>> -> memref<96x64xbf16, #tpu.memory_space<vmem>>
    %dma_start3A_378 = arith.constant 104 : i32
    %dma_start3A_379 = tpu.memref_slice %arg9[%dma_start3A_378] : memref<208xi32, #tpu.memory_space<vmem>> -> memref<96xi32, #tpu.memory_space<vmem>>
    %dma_start3A_380 = arith.constant 0 : i32
    %dma_start3A_381 = arith.constant 0 : i32
    %dma_start3A_382 = tpu.memref_slice %arg2[%dma_start3A_380, %dma_start3A_381] : memref<20000x64xbf16, #tpu.memory_space<hbm>> -> memref<20000x64xbf16, #tpu.memory_space<hbm>>
    tpu.enqueue_indirect_dma source(%dma_start3A_382 : memref<20000x64xbf16, #tpu.memory_space<hbm>>) target(%dma_start3A_377 : memref<96x64xbf16, #tpu.memory_space<vmem>>) offsets(%dma_start3A_379 : memref<96xi32, #tpu.memory_space<vmem>>) semaphore(%arg18 : memref<!tpu.dma_semaphore, #tpu.memory_space<semaphore_mem>>)
    %broadcast_in_dim3A_383 = arith.constant 0.000000e+00 : f32
    %broadcast_in_dim3A_384 = vector.broadcast %broadcast_in_dim3A_383 : f32 to vector<16xf32>
    %scan3A = arith.constant 5.000000e-03 : f32
    %scan3A_385 = arith.constant 0 : i32
    %scan3A_386 = arith.constant 0 : i32
    %scan3A_387 = arith.constant 32 : i32
    %scan3A_388 = arith.addi %scan3A_386, %scan3A_387 : i32
    %scan3A_389 = arith.constant 1 : i32
    %scan3A_390 = scf.for %scan3A_394 = %scan3A_386 to %scan3A_388 step %scan3A_389 iter_args(%scan3A_395 = %scan3A_385) -> (i32)  : i32 {
      %mul3A_396 = arith.constant 4 : i32
      %mul3A_397 = arith.muli %scan3A_394, %mul3A_396 : i32
      %add3A_398 = arith.constant 0 : i32
      %add3A_399 = arith.addi %mul3A_397, %add3A_398 : i32
      %dma_wait3A = arith.constant 0 : i32
      %dma_wait3A_400 = arith.constant 0 : i32
      %dma_wait3A_401 = tpu.memref_slice %arg2[%dma_wait3A, %dma_wait3A_400] : memref<20000x64xbf16, #tpu.memory_space<hbm>> -> memref<200x64xbf16, #tpu.memory_space<hbm>>
      %dma_wait3A_402 = arith.constant 0 : i32
      %dma_wait3A_403 = arith.constant 0 : i32
      %dma_wait3A_404 = tpu.memref_slice %arg2[%dma_wait3A_402, %dma_wait3A_403] : memref<20000x64xbf16, #tpu.memory_space<hbm>> -> memref<200x64xbf16, #tpu.memory_space<hbm>>
      tpu.wait_dma2 semaphore(%arg15 : memref<!tpu.dma_semaphore, #tpu.memory_space<semaphore_mem>>) src(%dma_wait3A_404 : memref<200x64xbf16, #tpu.memory_space<hbm>>) dst(%arg10 : memref<200x64xbf16, #tpu.memory_space<vmem>>)
      %scan3A_405 = arith.constant 0 : i32
      %scan3A_406 = arith.constant 25 : i32
      %scan3A_407 = arith.addi %scan3A_405, %scan3A_406 : i32
      %scan3A_408 = arith.constant 1 : i32
      %scan3A_409:4 = scf.for %scan3A_581 = %scan3A_405 to %scan3A_407 step %scan3A_408 iter_args(%scan3A_582 = %broadcast_in_dim3A_384, %scan3A_583 = %broadcast_in_dim3A_384, %scan3A_584 = %broadcast_in_dim3A_384, %scan3A_585 = %broadcast_in_dim3A_384) -> (vector<16xf32>, vector<16xf32>, vector<16xf32>, vector<16xf32>)  : i32 {
        %mul3A_586 = arith.constant 8 : i32
        %mul3A_587 = arith.muli %scan3A_581, %mul3A_586 : i32
        %add3A_588 = arith.constant 0 : i32
        %add3A_589 = arith.addi %mul3A_587, %add3A_588 : i32
        %get3A = arith.index_cast %add3A_589 : i32 to index
        %get3A_590 = arith.constant 0 : index
        %get3A_591 = tpu.vector_load %arg10[%get3A, %get3A_590] {strides = array<i32>} : memref<200x64xbf16, #tpu.memory_space<vmem>>, vector<32xbf16>,
        %add3A_592 = arith.constant 1 : i32
        %add3A_593 = arith.addi %add3A_589, %add3A_592 : i32
        %get3A_594 = arith.index_cast %add3A_593 : i32 to index
        %get3A_595 = arith.constant 0 : index
        %get3A_596 = tpu.vector_load %arg10[%get3A_594, %get3A_595] {strides = array<i32>} : memref<200x64xbf16, #tpu.memory_space<vmem>>, vector<32xbf16>,
        %add3A_597 = arith.addf %get3A_591, %get3A_596 : vector<32xbf16>
        %add3A_598 = arith.constant 2 : i32
        %add3A_599 = arith.addi %add3A_589, %add3A_598 : i32
        %get3A_600 = arith.index_cast %add3A_599 : i32 to index
        %get3A_601 = arith.constant 0 : index
        %get3A_602 = tpu.vector_load %arg10[%get3A_600, %get3A_601] {strides = array<i32>} : memref<200x64xbf16, #tpu.memory_space<vmem>>, vector<32xbf16>,
        %add3A_603 = arith.constant 3 : i32
        %add3A_604 = arith.addi %add3A_589, %add3A_603 : i32
        %get3A_605 = arith.index_cast %add3A_604 : i32 to index
        %get3A_606 = arith.constant 0 : index
        %get3A_607 = tpu.vector_load %arg10[%get3A_605, %get3A_606] {strides = array<i32>} : memref<200x64xbf16, #tpu.memory_space<vmem>>, vector<32xbf16>,
        %add3A_608 = arith.addf %get3A_602, %get3A_607 : vector<32xbf16>
        %add3A_609 = arith.addf %add3A_597, %add3A_608 : vector<32xbf16>
        %get3A_610 = arith.index_cast %add3A_589 : i32 to index
        %get3A_611 = arith.constant 32 : index
        %get3A_612 = tpu.vector_load %arg10[%get3A_610, %get3A_611] {strides = array<i32>} : memref<200x64xbf16, #tpu.memory_space<vmem>>, vector<32xbf16>,
        %add3A_613 = arith.constant 1 : i32
        %add3A_614 = arith.addi %add3A_589, %add3A_613 : i32
        %get3A_615 = arith.index_cast %add3A_614 : i32 to index
        %get3A_616 = arith.constant 32 : index
        %get3A_617 = tpu.vector_load %arg10[%get3A_615, %get3A_616] {strides = array<i32>} : memref<200x64xbf16, #tpu.memory_space<vmem>>, vector<32xbf16>,
        %add3A_618 = arith.addf %get3A_612, %get3A_617 : vector<32xbf16>
        %add3A_619 = arith.constant 2 : i32
        %add3A_620 = arith.addi %add3A_589, %add3A_619 : i32
        %get3A_621 = arith.index_cast %add3A_620 : i32 to index
        %get3A_622 = arith.constant 32 : index
        %get3A_623 = tpu.vector_load %arg10[%get3A_621, %get3A_622] {strides = array<i32>} : memref<200x64xbf16, #tpu.memory_space<vmem>>, vector<32xbf16>,
        %add3A_624 = arith.constant 3 : i32
        %add3A_625 = arith.addi %add3A_589, %add3A_624 : i32
        %get3A_626 = arith.index_cast %add3A_625 : i32 to index
        %get3A_627 = arith.constant 32 : index
        %get3A_628 = tpu.vector_load %arg10[%get3A_626, %get3A_627] {strides = array<i32>} : memref<200x64xbf16, #tpu.memory_space<vmem>>, vector<32xbf16>,
        %add3A_629 = arith.addf %get3A_623, %get3A_628 : vector<32xbf16>
        %add3A_630 = arith.addf %add3A_618, %add3A_629 : vector<32xbf16>
        %unpack3A = tpu.unpack_subelements %add3A_609, 0 {pack_format = #tpu.pack_format<interleaved>} : vector<32xbf16> -> vector<16xf32>
        %unpack3A_631 = tpu.unpack_subelements %add3A_609, 1 {pack_format = #tpu.pack_format<interleaved>} : vector<32xbf16> -> vector<16xf32>
        %unpack3A_632 = tpu.unpack_subelements %add3A_630, 0 {pack_format = #tpu.pack_format<interleaved>} : vector<32xbf16> -> vector<16xf32>
        %unpack3A_633 = tpu.unpack_subelements %add3A_630, 1 {pack_format = #tpu.pack_format<interleaved>} : vector<32xbf16> -> vector<16xf32>
        %add3A_634 = arith.addf %scan3A_582, %unpack3A : vector<16xf32>
        %add3A_635 = arith.addf %scan3A_583, %unpack3A_631 : vector<16xf32>
        %add3A_636 = arith.addf %scan3A_584, %unpack3A_632 : vector<16xf32>
        %add3A_637 = arith.addf %scan3A_585, %unpack3A_633 : vector<16xf32>
        %add3A_638 = arith.constant 4 : i32
        %add3A_639 = arith.addi %mul3A_587, %add3A_638 : i32
        %get3A_640 = arith.index_cast %add3A_639 : i32 to index
        %get3A_641 = arith.constant 0 : index
        %get3A_642 = tpu.vector_load %arg10[%get3A_640, %get3A_641] {strides = array<i32>} : memref<200x64xbf16, #tpu.memory_space<vmem>>, vector<32xbf16>,
        %add3A_643 = arith.constant 1 : i32
        %add3A_644 = arith.addi %add3A_639, %add3A_643 : i32
        %get3A_645 = arith.index_cast %add3A_644 : i32 to index
        %get3A_646 = arith.constant 0 : index
        %get3A_647 = tpu.vector_load %arg10[%get3A_645, %get3A_646] {strides = array<i32>} : memref<200x64xbf16, #tpu.memory_space<vmem>>, vector<32xbf16>,
        %add3A_648 = arith.addf %get3A_642, %get3A_647 : vector<32xbf16>
        %add3A_649 = arith.constant 2 : i32
        %add3A_650 = arith.addi %add3A_639, %add3A_649 : i32
        %get3A_651 = arith.index_cast %add3A_650 : i32 to index
        %get3A_652 = arith.constant 0 : index
        %get3A_653 = tpu.vector_load %arg10[%get3A_651, %get3A_652] {strides = array<i32>} : memref<200x64xbf16, #tpu.memory_space<vmem>>, vector<32xbf16>,
        %add3A_654 = arith.constant 3 : i32
        %add3A_655 = arith.addi %add3A_639, %add3A_654 : i32
        %get3A_656 = arith.index_cast %add3A_655 : i32 to index
        %get3A_657 = arith.constant 0 : index
        %get3A_658 = tpu.vector_load %arg10[%get3A_656, %get3A_657] {strides = array<i32>} : memref<200x64xbf16, #tpu.memory_space<vmem>>, vector<32xbf16>,
        %add3A_659 = arith.addf %get3A_653, %get3A_658 : vector<32xbf16>
        %add3A_660 = arith.addf %add3A_648, %add3A_659 : vector<32xbf16>
        %get3A_661 = arith.index_cast %add3A_639 : i32 to index
        %get3A_662 = arith.constant 32 : index
        %get3A_663 = tpu.vector_load %arg10[%get3A_661, %get3A_662] {strides = array<i32>} : memref<200x64xbf16, #tpu.memory_space<vmem>>, vector<32xbf16>,
        %add3A_664 = arith.constant 1 : i32
        %add3A_665 = arith.addi %add3A_639, %add3A_664 : i32
        %get3A_666 = arith.index_cast %add3A_665 : i32 to index
        %get3A_667 = arith.constant 32 : index
        %get3A_668 = tpu.vector_load %arg10[%get3A_666, %get3A_667] {strides = array<i32>} : memref<200x64xbf16, #tpu.memory_space<vmem>>, vector<32xbf16>,
        %add3A_669 = arith.addf %get3A_663, %get3A_668 : vector<32xbf16>
        %add3A_670 = arith.constant 2 : i32
        %add3A_671 = arith.addi %add3A_639, %add3A_670 : i32
        %get3A_672 = arith.index_cast %add3A_671 : i32 to index
        %get3A_673 = arith.constant 32 : index
        %get3A_674 = tpu.vector_load %arg10[%get3A_672, %get3A_673] {strides = array<i32>} : memref<200x64xbf16, #tpu.memory_space<vmem>>, vector<32xbf16>,
        %add3A_675 = arith.constant 3 : i32
        %add3A_676 = arith.addi %add3A_639, %add3A_675 : i32
        %get3A_677 = arith.index_cast %add3A_676 : i32 to index
        %get3A_678 = arith.constant 32 : index
        %get3A_679 = tpu.vector_load %arg10[%get3A_677, %get3A_678] {strides = array<i32>} : memref<200x64xbf16, #tpu.memory_space<vmem>>, vector<32xbf16>,
        %add3A_680 = arith.addf %get3A_674, %get3A_679 : vector<32xbf16>
        %add3A_681 = arith.addf %add3A_669, %add3A_680 : vector<32xbf16>
        %unpack3A_682 = tpu.unpack_subelements %add3A_660, 0 {pack_format = #tpu.pack_format<interleaved>} : vector<32xbf16> -> vector<16xf32>
        %unpack3A_683 = tpu.unpack_subelements %add3A_660, 1 {pack_format = #tpu.pack_format<interleaved>} : vector<32xbf16> -> vector<16xf32>
        %unpack3A_684 = tpu.unpack_subelements %add3A_681, 0 {pack_format = #tpu.pack_format<interleaved>} : vector<32xbf16> -> vector<16xf32>
        %unpack3A_685 = tpu.unpack_subelements %add3A_681, 1 {pack_format = #tpu.pack_format<interleaved>} : vector<32xbf16> -> vector<16xf32>
        %add3A_686 = arith.addf %add3A_634, %unpack3A_682 : vector<16xf32>
        %add3A_687 = arith.addf %add3A_635, %unpack3A_683 : vector<16xf32>
        %add3A_688 = arith.addf %add3A_636, %unpack3A_684 : vector<16xf32>
        %add3A_689 = arith.addf %add3A_637, %unpack3A_685 : vector<16xf32>
        scf.yield %add3A_686, %add3A_687, %add3A_688, %add3A_689 : vector<16xf32>, vector<16xf32>, vector<16xf32>, vector<16xf32>
      }
      %scan3A_410 = arith.constant 25 : i32
      %add3A_411 = arith.constant 4 : i32
      %add3A_412 = arith.addi %add3A_399, %add3A_411 : i32
      %lt3A = arith.constant 128 : i32
      %lt3A_413 = arith.cmpi slt, %add3A_412, %lt3A : i32
      %convert_element_type3A = arith.extui %lt3A_413 : i1 to i32
      %cond3A = arith.constant 0 : i32
      %cond3A_414 = arith.cmpi ne, %convert_element_type3A, %cond3A : i32
      scf.if %cond3A_414 {
        %add3A_581 = arith.constant 4 : i32
        %add3A_582 = arith.addi %add3A_399, %add3A_581 : i32
        %broadcast_in_dim3A_583 = vector.broadcast %add3A_582 : i32 to vector<16xi32>
        %add3A_584 = arith.constant 0 : i32
        %add3A_585 = vector.broadcast %add3A_584 : i32 to vector<16xi32>
        %add3A_586 = arith.addi %add3A_585, %iota3A : vector<16xi32>
        %gather3A_587 = tpu.vector_load_idx %arg5[%add3A_586, %broadcast_in_dim3A_583] : memref<200x128xi32, #tpu.memory_space<vmem>>[vector<16xi32>, vector<16xi32>], vector<16xi32>,
        %swap3A_588 = arith.constant 0 : index
        %swap3A_589 = tpu.vector_load %arg6[%swap3A_588] {strides = array<i32>} : memref<208xi32, #tpu.memory_space<vmem>>, vector<16xi32>,
        tpu.vector_store %arg6[%swap3A_588], %gather3A_587 {strides = array<i32>} : memref<208xi32, #tpu.memory_space<vmem>>, vector<16xi32>,
        %add3A_590 = arith.constant 16 : i32
        %add3A_591 = vector.broadcast %add3A_590 : i32 to vector<16xi32>
        %add3A_592 = arith.addi %add3A_591, %iota3A : vector<16xi32>
        %gather3A_593 = tpu.vector_load_idx %arg5[%add3A_592, %broadcast_in_dim3A_583] : memref<200x128xi32, #tpu.memory_space<vmem>>[vector<16xi32>, vector<16xi32>], vector<16xi32>,
        %swap3A_594 = arith.constant 16 : index
        %swap3A_595 = tpu.vector_load %arg6[%swap3A_594] {strides = array<i32>} : memref<208xi32, #tpu.memory_space<vmem>>, vector<16xi32>,
        tpu.vector_store %arg6[%swap3A_594], %gather3A_593 {strides = array<i32>} : memref<208xi32, #tpu.memory_space<vmem>>, vector<16xi32>,
        %add3A_596 = arith.constant 32 : i32
        %add3A_597 = vector.broadcast %add3A_596 : i32 to vector<16xi32>
        %add3A_598 = arith.addi %add3A_597, %iota3A : vector<16xi32>
        %gather3A_599 = tpu.vector_load_idx %arg5[%add3A_598, %broadcast_in_dim3A_583] : memref<200x128xi32, #tpu.memory_space<vmem>>[vector<16xi32>, vector<16xi32>], vector<16xi32>,
        %swap3A_600 = arith.constant 32 : index
        %swap3A_601 = tpu.vector_load %arg6[%swap3A_600] {strides = array<i32>} : memref<208xi32, #tpu.memory_space<vmem>>, vector<16xi32>,
        tpu.vector_store %arg6[%swap3A_600], %gather3A_599 {strides = array<i32>} : memref<208xi32, #tpu.memory_space<vmem>>, vector<16xi32>,
        %add3A_602 = arith.constant 48 : i32
        %add3A_603 = vector.broadcast %add3A_602 : i32 to vector<16xi32>
        %add3A_604 = arith.addi %add3A_603, %iota3A : vector<16xi32>
        %gather3A_605 = tpu.vector_load_idx %arg5[%add3A_604, %broadcast_in_dim3A_583] : memref<200x128xi32, #tpu.memory_space<vmem>>[vector<16xi32>, vector<16xi32>], vector<16xi32>,
        %swap3A_606 = arith.constant 48 : index
        %swap3A_607 = tpu.vector_load %arg6[%swap3A_606] {strides = array<i32>} : memref<208xi32, #tpu.memory_space<vmem>>, vector<16xi32>,
        tpu.vector_store %arg6[%swap3A_606], %gather3A_605 {strides = array<i32>} : memref<208xi32, #tpu.memory_space<vmem>>, vector<16xi32>,
        %add3A_608 = arith.constant 64 : i32
        %add3A_609 = vector.broadcast %add3A_608 : i32 to vector<16xi32>
        %add3A_610 = arith.addi %add3A_609, %iota3A : vector<16xi32>
        %gather3A_611 = tpu.vector_load_idx %arg5[%add3A_610, %broadcast_in_dim3A_583] : memref<200x128xi32, #tpu.memory_space<vmem>>[vector<16xi32>, vector<16xi32>], vector<16xi32>,
        %swap3A_612 = arith.constant 64 : index
        %swap3A_613 = tpu.vector_load %arg6[%swap3A_612] {strides = array<i32>} : memref<208xi32, #tpu.memory_space<vmem>>, vector<16xi32>,
        tpu.vector_store %arg6[%swap3A_612], %gather3A_611 {strides = array<i32>} : memref<208xi32, #tpu.memory_space<vmem>>, vector<16xi32>,
        %add3A_614 = arith.constant 80 : i32
        %add3A_615 = vector.broadcast %add3A_614 : i32 to vector<16xi32>
        %add3A_616 = arith.addi %add3A_615, %iota3A : vector<16xi32>
        %gather3A_617 = tpu.vector_load_idx %arg5[%add3A_616, %broadcast_in_dim3A_583] : memref<200x128xi32, #tpu.memory_space<vmem>>[vector<16xi32>, vector<16xi32>], vector<16xi32>,
        %swap3A_618 = arith.constant 80 : index
        %swap3A_619 = tpu.vector_load %arg6[%swap3A_618] {strides = array<i32>} : memref<208xi32, #tpu.memory_space<vmem>>, vector<16xi32>,
        tpu.vector_store %arg6[%swap3A_618], %gather3A_617 {strides = array<i32>} : memref<208xi32, #tpu.memory_space<vmem>>, vector<16xi32>,
        %add3A_620 = arith.constant 96 : i32
        %add3A_621 = vector.broadcast %add3A_620 : i32 to vector<16xi32>
        %add3A_622 = arith.addi %add3A_621, %iota3A : vector<16xi32>
        %gather3A_623 = tpu.vector_load_idx %arg5[%add3A_622, %broadcast_in_dim3A_583] : memref<200x128xi32, #tpu.memory_space<vmem>>[vector<16xi32>, vector<16xi32>], vector<16xi32>,
        %swap3A_624 = arith.constant 96 : index
        %swap3A_625 = tpu.vector_load %arg6[%swap3A_624] {strides = array<i32>} : memref<208xi32, #tpu.memory_space<vmem>>, vector<16xi32>,
        tpu.vector_store %arg6[%swap3A_624], %gather3A_623 {strides = array<i32>} : memref<208xi32, #tpu.memory_space<vmem>>, vector<16xi32>,
        %add3A_626 = arith.constant 112 : i32
        %add3A_627 = vector.broadcast %add3A_626 : i32 to vector<16xi32>
        %add3A_628 = arith.addi %add3A_627, %iota3A : vector<16xi32>
        %gather3A_629 = tpu.vector_load_idx %arg5[%add3A_628, %broadcast_in_dim3A_583] : memref<200x128xi32, #tpu.memory_space<vmem>>[vector<16xi32>, vector<16xi32>], vector<16xi32>,
        %swap3A_630 = arith.constant 112 : index
        %swap3A_631 = tpu.vector_load %arg6[%swap3A_630] {strides = array<i32>} : memref<208xi32, #tpu.memory_space<vmem>>, vector<16xi32>,
        tpu.vector_store %arg6[%swap3A_630], %gather3A_629 {strides = array<i32>} : memref<208xi32, #tpu.memory_space<vmem>>, vector<16xi32>,
        %add3A_632 = arith.constant 128 : i32
        %add3A_633 = vector.broadcast %add3A_632 : i32 to vector<16xi32>
        %add3A_634 = arith.addi %add3A_633, %iota3A : vector<16xi32>
        %gather3A_635 = tpu.vector_load_idx %arg5[%add3A_634, %broadcast_in_dim3A_583] : memref<200x128xi32, #tpu.memory_space<vmem>>[vector<16xi32>, vector<16xi32>], vector<16xi32>,
        %swap3A_636 = arith.constant 128 : index
        %swap3A_637 = tpu.vector_load %arg6[%swap3A_636] {strides = array<i32>} : memref<208xi32, #tpu.memory_space<vmem>>, vector<16xi32>,
        tpu.vector_store %arg6[%swap3A_636], %gather3A_635 {strides = array<i32>} : memref<208xi32, #tpu.memory_space<vmem>>, vector<16xi32>,
        %add3A_638 = arith.constant 144 : i32
        %add3A_639 = vector.broadcast %add3A_638 : i32 to vector<16xi32>
        %add3A_640 = arith.addi %add3A_639, %iota3A : vector<16xi32>
        %gather3A_641 = tpu.vector_load_idx %arg5[%add3A_640, %broadcast_in_dim3A_583] : memref<200x128xi32, #tpu.memory_space<vmem>>[vector<16xi32>, vector<16xi32>], vector<16xi32>,
        %swap3A_642 = arith.constant 144 : index
        %swap3A_643 = tpu.vector_load %arg6[%swap3A_642] {strides = array<i32>} : memref<208xi32, #tpu.memory_space<vmem>>, vector<16xi32>,
        tpu.vector_store %arg6[%swap3A_642], %gather3A_641 {strides = array<i32>} : memref<208xi32, #tpu.memory_space<vmem>>, vector<16xi32>,
        %add3A_644 = arith.constant 160 : i32
        %add3A_645 = vector.broadcast %add3A_644 : i32 to vector<16xi32>
        %add3A_646 = arith.addi %add3A_645, %iota3A : vector<16xi32>
        %gather3A_647 = tpu.vector_load_idx %arg5[%add3A_646, %broadcast_in_dim3A_583] : memref<200x128xi32, #tpu.memory_space<vmem>>[vector<16xi32>, vector<16xi32>], vector<16xi32>,
        %swap3A_648 = arith.constant 160 : index
        %swap3A_649 = tpu.vector_load %arg6[%swap3A_648] {strides = array<i32>} : memref<208xi32, #tpu.memory_space<vmem>>, vector<16xi32>,
        tpu.vector_store %arg6[%swap3A_648], %gather3A_647 {strides = array<i32>} : memref<208xi32, #tpu.memory_space<vmem>>, vector<16xi32>,
        %add3A_650 = arith.constant 176 : i32
        %add3A_651 = vector.broadcast %add3A_650 : i32 to vector<16xi32>
        %add3A_652 = arith.addi %add3A_651, %iota3A : vector<16xi32>
        %gather3A_653 = tpu.vector_load_idx %arg5[%add3A_652, %broadcast_in_dim3A_583] : memref<200x128xi32, #tpu.memory_space<vmem>>[vector<16xi32>, vector<16xi32>], vector<16xi32>,
        %swap3A_654 = arith.constant 176 : index
        %swap3A_655 = tpu.vector_load %arg6[%swap3A_654] {strides = array<i32>} : memref<208xi32, #tpu.memory_space<vmem>>, vector<16xi32>,
        tpu.vector_store %arg6[%swap3A_654], %gather3A_653 {strides = array<i32>} : memref<208xi32, #tpu.memory_space<vmem>>, vector<16xi32>,
        %add3A_656 = arith.constant 184 : i32
        %add3A_657 = vector.broadcast %add3A_656 : i32 to vector<16xi32>
        %add3A_658 = arith.addi %add3A_657, %iota3A : vector<16xi32>
        %gather3A_659 = tpu.vector_load_idx %arg5[%add3A_658, %broadcast_in_dim3A_583] : memref<200x128xi32, #tpu.memory_space<vmem>>[vector<16xi32>, vector<16xi32>], vector<16xi32>,
        %swap3A_660 = arith.constant 184 : index
        %swap3A_661 = tpu.vector_load %arg6[%swap3A_660] {strides = array<i32>} : memref<208xi32, #tpu.memory_space<vmem>>, vector<16xi32>,
        tpu.vector_store %arg6[%swap3A_660], %gather3A_659 {strides = array<i32>} : memref<208xi32, #tpu.memory_space<vmem>>, vector<16xi32>,
        %dma_start3A_662 = arith.constant 0 : i32
        %dma_start3A_663 = arith.constant 0 : i32
        %dma_start3A_664 = tpu.memref_slice %arg10[%dma_start3A_662, %dma_start3A_663] : memref<200x64xbf16, #tpu.memory_space<vmem>> -> memref<104x64xbf16, #tpu.memory_space<vmem>>
        %dma_start3A_665 = arith.constant 0 : i32
        %dma_start3A_666 = tpu.memref_slice %arg6[%dma_start3A_665] : memref<208xi32, #tpu.memory_space<vmem>> -> memref<104xi32, #tpu.memory_space<vmem>>
        %dma_start3A_667 = arith.constant 0 : i32
        %dma_start3A_668 = arith.constant 0 : i32
        %dma_start3A_669 = tpu.memref_slice %arg2[%dma_start3A_667, %dma_start3A_668] : memref<20000x64xbf16, #tpu.memory_space<hbm>> -> memref<20000x64xbf16, #tpu.memory_space<hbm>>
        tpu.enqueue_indirect_dma source(%dma_start3A_669 : memref<20000x64xbf16, #tpu.memory_space<hbm>>) target(%dma_start3A_664 : memref<104x64xbf16, #tpu.memory_space<vmem>>) offsets(%dma_start3A_666 : memref<104xi32, #tpu.memory_space<vmem>>) semaphore(%arg15 : memref<!tpu.dma_semaphore, #tpu.memory_space<semaphore_mem>>)
        %dma_start3A_670 = arith.constant 104 : i32
        %dma_start3A_671 = arith.constant 0 : i32
        %dma_start3A_672 = tpu.memref_slice %arg10[%dma_start3A_670, %dma_start3A_671] : memref<200x64xbf16, #tpu.memory_space<vmem>> -> memref<96x64xbf16, #tpu.memory_space<vmem>>
        %dma_start3A_673 = arith.constant 104 : i32
        %dma_start3A_674 = tpu.memref_slice %arg6[%dma_start3A_673] : memref<208xi32, #tpu.memory_space<vmem>> -> memref<96xi32, #tpu.memory_space<vmem>>
        %dma_start3A_675 = arith.constant 0 : i32
        %dma_start3A_676 = arith.constant 0 : i32
        %dma_start3A_677 = tpu.memref_slice %arg2[%dma_start3A_675, %dma_start3A_676] : memref<20000x64xbf16, #tpu.memory_space<hbm>> -> memref<20000x64xbf16, #tpu.memory_space<hbm>>
        tpu.enqueue_indirect_dma source(%dma_start3A_677 : memref<20000x64xbf16, #tpu.memory_space<hbm>>) target(%dma_start3A_672 : memref<96x64xbf16, #tpu.memory_space<vmem>>) offsets(%dma_start3A_674 : memref<96xi32, #tpu.memory_space<vmem>>) semaphore(%arg15 : memref<!tpu.dma_semaphore, #tpu.memory_space<semaphore_mem>>)
      } else {
      }
      %mul3A_415 = arith.constant 2 : i32
      %mul3A_416 = arith.muli %scan3A_394, %mul3A_415 : i32
      %add3A_417 = arith.constant 0 : i32
      %add3A_418 = arith.addi %mul3A_416, %add3A_417 : i32
      %mul3A_419 = vector.broadcast %scan3A : f32 to vector<16xf32>
      %mul3A_420 = arith.mulf %scan3A_409#0, %mul3A_419 : vector<16xf32>
      %swap3A_421 = arith.index_cast %add3A_418 : i32 to index
      %swap3A_422 = arith.constant 0 : index
      %swap3A_423 = tpu.vector_load %arg14[%swap3A_421, %swap3A_422] {strides = array<i32>} : memref<64x128xf32, #tpu.memory_space<vmem>>, vector<16xf32>,
      tpu.vector_store %arg14[%swap3A_421, %swap3A_422], %mul3A_420 {strides = array<i32>} : memref<64x128xf32, #tpu.memory_space<vmem>>, vector<16xf32>,
      %mul3A_424 = vector.broadcast %scan3A : f32 to vector<16xf32>
      %mul3A_425 = arith.mulf %scan3A_409#1, %mul3A_424 : vector<16xf32>
      %swap3A_426 = arith.index_cast %add3A_418 : i32 to index
      %swap3A_427 = arith.constant 16 : index
      %swap3A_428 = tpu.vector_load %arg14[%swap3A_426, %swap3A_427] {strides = array<i32>} : memref<64x128xf32, #tpu.memory_space<vmem>>, vector<16xf32>,
      tpu.vector_store %arg14[%swap3A_426, %swap3A_427], %mul3A_425 {strides = array<i32>} : memref<64x128xf32, #tpu.memory_space<vmem>>, vector<16xf32>,
      %mul3A_429 = vector.broadcast %scan3A : f32 to vector<16xf32>
      %mul3A_430 = arith.mulf %scan3A_409#2, %mul3A_429 : vector<16xf32>
      %swap3A_431 = arith.index_cast %add3A_418 : i32 to index
      %swap3A_432 = arith.constant 32 : index
      %swap3A_433 = tpu.vector_load %arg14[%swap3A_431, %swap3A_432] {strides = array<i32>} : memref<64x128xf32, #tpu.memory_space<vmem>>, vector<16xf32>,
      tpu.vector_store %arg14[%swap3A_431, %swap3A_432], %mul3A_430 {strides = array<i32>} : memref<64x128xf32, #tpu.memory_space<vmem>>, vector<16xf32>,
      %mul3A_434 = vector.broadcast %scan3A : f32 to vector<16xf32>
      %mul3A_435 = arith.mulf %scan3A_409#3, %mul3A_434 : vector<16xf32>
      %swap3A_436 = arith.index_cast %add3A_418 : i32 to index
      %swap3A_437 = arith.constant 48 : index
      %swap3A_438 = tpu.vector_load %arg14[%swap3A_436, %swap3A_437] {strides = array<i32>} : memref<64x128xf32, #tpu.memory_space<vmem>>, vector<16xf32>,
      tpu.vector_store %arg14[%swap3A_436, %swap3A_437], %mul3A_435 {strides = array<i32>} : memref<64x128xf32, #tpu.memory_space<vmem>>, vector<16xf32>,
      %mul3A_439 = arith.constant 4 : i32
      %mul3A_440 = arith.muli %scan3A_394, %mul3A_439 : i32
      %add3A_441 = arith.constant 1 : i32
      %add3A_442 = arith.addi %mul3A_440, %add3A_441 : i32
      %dma_wait3A_443 = arith.constant 0 : i32
      %dma_wait3A_444 = arith.constant 0 : i32
      %dma_wait3A_445 = tpu.memref_slice %arg2[%dma_wait3A_443, %dma_wait3A_444] : memref<20000x64xbf16, #tpu.memory_space<hbm>> -> memref<200x64xbf16, #tpu.memory_space<hbm>>
      %dma_wait3A_446 = arith.constant 0 : i32
      %dma_wait3A_447 = arith.constant 0 : i32
      %dma_wait3A_448 = tpu.memref_slice %arg2[%dma_wait3A_446, %dma_wait3A_447] : memref<20000x64xbf16, #tpu.memory_space<hbm>> -> memref<200x64xbf16, #tpu.memory_space<hbm>>
      tpu.wait_dma2 semaphore(%arg16 : memref<!tpu.dma_semaphore, #tpu.memory_space<semaphore_mem>>) src(%dma_wait3A_448 : memref<200x64xbf16, #tpu.memory_space<hbm>>) dst(%arg11 : memref<200x64xbf16, #tpu.memory_space<vmem>>)
      %scan3A_449 = arith.constant 0 : i32
      %scan3A_450 = arith.constant 25 : i32
      %scan3A_451 = arith.addi %scan3A_449, %scan3A_450 : i32
      %scan3A_452 = arith.constant 1 : i32
      %scan3A_453:4 = scf.for %scan3A_581 = %scan3A_449 to %scan3A_451 step %scan3A_452 iter_args(%scan3A_582 = %broadcast_in_dim3A_384, %scan3A_583 = %broadcast_in_dim3A_384, %scan3A_584 = %broadcast_in_dim3A_384, %scan3A_585 = %broadcast_in_dim3A_384) -> (vector<16xf32>, vector<16xf32>, vector<16xf32>, vector<16xf32>)  : i32 {
        %mul3A_586 = arith.constant 8 : i32
        %mul3A_587 = arith.muli %scan3A_581, %mul3A_586 : i32
        %add3A_588 = arith.constant 0 : i32
        %add3A_589 = arith.addi %mul3A_587, %add3A_588 : i32
        %get3A = arith.index_cast %add3A_589 : i32 to index
        %get3A_590 = arith.constant 0 : index
        %get3A_591 = tpu.vector_load %arg11[%get3A, %get3A_590] {strides = array<i32>} : memref<200x64xbf16, #tpu.memory_space<vmem>>, vector<32xbf16>,
        %add3A_592 = arith.constant 1 : i32
        %add3A_593 = arith.addi %add3A_589, %add3A_592 : i32
        %get3A_594 = arith.index_cast %add3A_593 : i32 to index
        %get3A_595 = arith.constant 0 : index
        %get3A_596 = tpu.vector_load %arg11[%get3A_594, %get3A_595] {strides = array<i32>} : memref<200x64xbf16, #tpu.memory_space<vmem>>, vector<32xbf16>,
        %add3A_597 = arith.addf %get3A_591, %get3A_596 : vector<32xbf16>
        %add3A_598 = arith.constant 2 : i32
        %add3A_599 = arith.addi %add3A_589, %add3A_598 : i32
        %get3A_600 = arith.index_cast %add3A_599 : i32 to index
        %get3A_601 = arith.constant 0 : index
        %get3A_602 = tpu.vector_load %arg11[%get3A_600, %get3A_601] {strides = array<i32>} : memref<200x64xbf16, #tpu.memory_space<vmem>>, vector<32xbf16>,
        %add3A_603 = arith.constant 3 : i32
        %add3A_604 = arith.addi %add3A_589, %add3A_603 : i32
        %get3A_605 = arith.index_cast %add3A_604 : i32 to index
        %get3A_606 = arith.constant 0 : index
        %get3A_607 = tpu.vector_load %arg11[%get3A_605, %get3A_606] {strides = array<i32>} : memref<200x64xbf16, #tpu.memory_space<vmem>>, vector<32xbf16>,
        %add3A_608 = arith.addf %get3A_602, %get3A_607 : vector<32xbf16>
        %add3A_609 = arith.addf %add3A_597, %add3A_608 : vector<32xbf16>
        %get3A_610 = arith.index_cast %add3A_589 : i32 to index
        %get3A_611 = arith.constant 32 : index
        %get3A_612 = tpu.vector_load %arg11[%get3A_610, %get3A_611] {strides = array<i32>} : memref<200x64xbf16, #tpu.memory_space<vmem>>, vector<32xbf16>,
        %add3A_613 = arith.constant 1 : i32
        %add3A_614 = arith.addi %add3A_589, %add3A_613 : i32
        %get3A_615 = arith.index_cast %add3A_614 : i32 to index
        %get3A_616 = arith.constant 32 : index
        %get3A_617 = tpu.vector_load %arg11[%get3A_615, %get3A_616] {strides = array<i32>} : memref<200x64xbf16, #tpu.memory_space<vmem>>, vector<32xbf16>,
        %add3A_618 = arith.addf %get3A_612, %get3A_617 : vector<32xbf16>
        %add3A_619 = arith.constant 2 : i32
        %add3A_620 = arith.addi %add3A_589, %add3A_619 : i32
        %get3A_621 = arith.index_cast %add3A_620 : i32 to index
        %get3A_622 = arith.constant 32 : index
        %get3A_623 = tpu.vector_load %arg11[%get3A_621, %get3A_622] {strides = array<i32>} : memref<200x64xbf16, #tpu.memory_space<vmem>>, vector<32xbf16>,
        %add3A_624 = arith.constant 3 : i32
        %add3A_625 = arith.addi %add3A_589, %add3A_624 : i32
        %get3A_626 = arith.index_cast %add3A_625 : i32 to index
        %get3A_627 = arith.constant 32 : index
        %get3A_628 = tpu.vector_load %arg11[%get3A_626, %get3A_627] {strides = array<i32>} : memref<200x64xbf16, #tpu.memory_space<vmem>>, vector<32xbf16>,
        %add3A_629 = arith.addf %get3A_623, %get3A_628 : vector<32xbf16>
        %add3A_630 = arith.addf %add3A_618, %add3A_629 : vector<32xbf16>
        %unpack3A = tpu.unpack_subelements %add3A_609, 0 {pack_format = #tpu.pack_format<interleaved>} : vector<32xbf16> -> vector<16xf32>
        %unpack3A_631 = tpu.unpack_subelements %add3A_609, 1 {pack_format = #tpu.pack_format<interleaved>} : vector<32xbf16> -> vector<16xf32>
        %unpack3A_632 = tpu.unpack_subelements %add3A_630, 0 {pack_format = #tpu.pack_format<interleaved>} : vector<32xbf16> -> vector<16xf32>
        %unpack3A_633 = tpu.unpack_subelements %add3A_630, 1 {pack_format = #tpu.pack_format<interleaved>} : vector<32xbf16> -> vector<16xf32>
        %add3A_634 = arith.addf %scan3A_582, %unpack3A : vector<16xf32>
        %add3A_635 = arith.addf %scan3A_583, %unpack3A_631 : vector<16xf32>
        %add3A_636 = arith.addf %scan3A_584, %unpack3A_632 : vector<16xf32>
        %add3A_637 = arith.addf %scan3A_585, %unpack3A_633 : vector<16xf32>
        %add3A_638 = arith.constant 4 : i32
        %add3A_639 = arith.addi %mul3A_587, %add3A_638 : i32
        %get3A_640 = arith.index_cast %add3A_639 : i32 to index
        %get3A_641 = arith.constant 0 : index
        %get3A_642 = tpu.vector_load %arg11[%get3A_640, %get3A_641] {strides = array<i32>} : memref<200x64xbf16, #tpu.memory_space<vmem>>, vector<32xbf16>,
        %add3A_643 = arith.constant 1 : i32
        %add3A_644 = arith.addi %add3A_639, %add3A_643 : i32
        %get3A_645 = arith.index_cast %add3A_644 : i32 to index
        %get3A_646 = arith.constant 0 : index
        %get3A_647 = tpu.vector_load %arg11[%get3A_645, %get3A_646] {strides = array<i32>} : memref<200x64xbf16, #tpu.memory_space<vmem>>, vector<32xbf16>,
        %add3A_648 = arith.addf %get3A_642, %get3A_647 : vector<32xbf16>
        %add3A_649 = arith.constant 2 : i32
        %add3A_650 = arith.addi %add3A_639, %add3A_649 : i32
        %get3A_651 = arith.index_cast %add3A_650 : i32 to index
        %get3A_652 = arith.constant 0 : index
        %get3A_653 = tpu.vector_load %arg11[%get3A_651, %get3A_652] {strides = array<i32>} : memref<200x64xbf16, #tpu.memory_space<vmem>>, vector<32xbf16>,
        %add3A_654 = arith.constant 3 : i32
        %add3A_655 = arith.addi %add3A_639, %add3A_654 : i32
        %get3A_656 = arith.index_cast %add3A_655 : i32 to index
        %get3A_657 = arith.constant 0 : index
        %get3A_658 = tpu.vector_load %arg11[%get3A_656, %get3A_657] {strides = array<i32>} : memref<200x64xbf16, #tpu.memory_space<vmem>>, vector<32xbf16>,
        %add3A_659 = arith.addf %get3A_653, %get3A_658 : vector<32xbf16>
        %add3A_660 = arith.addf %add3A_648, %add3A_659 : vector<32xbf16>
        %get3A_661 = arith.index_cast %add3A_639 : i32 to index
        %get3A_662 = arith.constant 32 : index
        %get3A_663 = tpu.vector_load %arg11[%get3A_661, %get3A_662] {strides = array<i32>} : memref<200x64xbf16, #tpu.memory_space<vmem>>, vector<32xbf16>,
        %add3A_664 = arith.constant 1 : i32
        %add3A_665 = arith.addi %add3A_639, %add3A_664 : i32
        %get3A_666 = arith.index_cast %add3A_665 : i32 to index
        %get3A_667 = arith.constant 32 : index
        %get3A_668 = tpu.vector_load %arg11[%get3A_666, %get3A_667] {strides = array<i32>} : memref<200x64xbf16, #tpu.memory_space<vmem>>, vector<32xbf16>,
        %add3A_669 = arith.addf %get3A_663, %get3A_668 : vector<32xbf16>
        %add3A_670 = arith.constant 2 : i32
        %add3A_671 = arith.addi %add3A_639, %add3A_670 : i32
        %get3A_672 = arith.index_cast %add3A_671 : i32 to index
        %get3A_673 = arith.constant 32 : index
        %get3A_674 = tpu.vector_load %arg11[%get3A_672, %get3A_673] {strides = array<i32>} : memref<200x64xbf16, #tpu.memory_space<vmem>>, vector<32xbf16>,
        %add3A_675 = arith.constant 3 : i32
        %add3A_676 = arith.addi %add3A_639, %add3A_675 : i32
        %get3A_677 = arith.index_cast %add3A_676 : i32 to index
        %get3A_678 = arith.constant 32 : index
        %get3A_679 = tpu.vector_load %arg11[%get3A_677, %get3A_678] {strides = array<i32>} : memref<200x64xbf16, #tpu.memory_space<vmem>>, vector<32xbf16>,
        %add3A_680 = arith.addf %get3A_674, %get3A_679 : vector<32xbf16>
        %add3A_681 = arith.addf %add3A_669, %add3A_680 : vector<32xbf16>
        %unpack3A_682 = tpu.unpack_subelements %add3A_660, 0 {pack_format = #tpu.pack_format<interleaved>} : vector<32xbf16> -> vector<16xf32>
        %unpack3A_683 = tpu.unpack_subelements %add3A_660, 1 {pack_format = #tpu.pack_format<interleaved>} : vector<32xbf16> -> vector<16xf32>
        %unpack3A_684 = tpu.unpack_subelements %add3A_681, 0 {pack_format = #tpu.pack_format<interleaved>} : vector<32xbf16> -> vector<16xf32>
        %unpack3A_685 = tpu.unpack_subelements %add3A_681, 1 {pack_format = #tpu.pack_format<interleaved>} : vector<32xbf16> -> vector<16xf32>
        %add3A_686 = arith.addf %add3A_634, %unpack3A_682 : vector<16xf32>
        %add3A_687 = arith.addf %add3A_635, %unpack3A_683 : vector<16xf32>
        %add3A_688 = arith.addf %add3A_636, %unpack3A_684 : vector<16xf32>
        %add3A_689 = arith.addf %add3A_637, %unpack3A_685 : vector<16xf32>
        scf.yield %add3A_686, %add3A_687, %add3A_688, %add3A_689 : vector<16xf32>, vector<16xf32>, vector<16xf32>, vector<16xf32>
      }
      %scan3A_454 = arith.constant 25 : i32
      %add3A_455 = arith.constant 4 : i32
      %add3A_456 = arith.addi %add3A_442, %add3A_455 : i32
      %lt3A_457 = arith.constant 128 : i32
      %lt3A_458 = arith.cmpi slt, %add3A_456, %lt3A_457 : i32
      %convert_element_type3A_459 = arith.extui %lt3A_458 : i1 to i32
      %cond3A_460 = arith.constant 0 : i32
      %cond3A_461 = arith.cmpi ne, %convert_element_type3A_459, %cond3A_460 : i32
      scf.if %cond3A_461 {
        %add3A_581 = arith.constant 4 : i32
        %add3A_582 = arith.addi %add3A_442, %add3A_581 : i32
        %broadcast_in_dim3A_583 = vector.broadcast %add3A_582 : i32 to vector<16xi32>
        %add3A_584 = arith.constant 0 : i32
        %add3A_585 = vector.broadcast %add3A_584 : i32 to vector<16xi32>
        %add3A_586 = arith.addi %add3A_585, %iota3A : vector<16xi32>
        %gather3A_587 = tpu.vector_load_idx %arg5[%add3A_586, %broadcast_in_dim3A_583] : memref<200x128xi32, #tpu.memory_space<vmem>>[vector<16xi32>, vector<16xi32>], vector<16xi32>,
        %swap3A_588 = arith.constant 0 : index
        %swap3A_589 = tpu.vector_load %arg7[%swap3A_588] {strides = array<i32>} : memref<208xi32, #tpu.memory_space<vmem>>, vector<16xi32>,
        tpu.vector_store %arg7[%swap3A_588], %gather3A_587 {strides = array<i32>} : memref<208xi32, #tpu.memory_space<vmem>>, vector<16xi32>,
        %add3A_590 = arith.constant 16 : i32
        %add3A_591 = vector.broadcast %add3A_590 : i32 to vector<16xi32>
        %add3A_592 = arith.addi %add3A_591, %iota3A : vector<16xi32>
        %gather3A_593 = tpu.vector_load_idx %arg5[%add3A_592, %broadcast_in_dim3A_583] : memref<200x128xi32, #tpu.memory_space<vmem>>[vector<16xi32>, vector<16xi32>], vector<16xi32>,
        %swap3A_594 = arith.constant 16 : index
        %swap3A_595 = tpu.vector_load %arg7[%swap3A_594] {strides = array<i32>} : memref<208xi32, #tpu.memory_space<vmem>>, vector<16xi32>,
        tpu.vector_store %arg7[%swap3A_594], %gather3A_593 {strides = array<i32>} : memref<208xi32, #tpu.memory_space<vmem>>, vector<16xi32>,
        %add3A_596 = arith.constant 32 : i32
        %add3A_597 = vector.broadcast %add3A_596 : i32 to vector<16xi32>
        %add3A_598 = arith.addi %add3A_597, %iota3A : vector<16xi32>
        %gather3A_599 = tpu.vector_load_idx %arg5[%add3A_598, %broadcast_in_dim3A_583] : memref<200x128xi32, #tpu.memory_space<vmem>>[vector<16xi32>, vector<16xi32>], vector<16xi32>,
        %swap3A_600 = arith.constant 32 : index
        %swap3A_601 = tpu.vector_load %arg7[%swap3A_600] {strides = array<i32>} : memref<208xi32, #tpu.memory_space<vmem>>, vector<16xi32>,
        tpu.vector_store %arg7[%swap3A_600], %gather3A_599 {strides = array<i32>} : memref<208xi32, #tpu.memory_space<vmem>>, vector<16xi32>,
        %add3A_602 = arith.constant 48 : i32
        %add3A_603 = vector.broadcast %add3A_602 : i32 to vector<16xi32>
        %add3A_604 = arith.addi %add3A_603, %iota3A : vector<16xi32>
        %gather3A_605 = tpu.vector_load_idx %arg5[%add3A_604, %broadcast_in_dim3A_583] : memref<200x128xi32, #tpu.memory_space<vmem>>[vector<16xi32>, vector<16xi32>], vector<16xi32>,
        %swap3A_606 = arith.constant 48 : index
        %swap3A_607 = tpu.vector_load %arg7[%swap3A_606] {strides = array<i32>} : memref<208xi32, #tpu.memory_space<vmem>>, vector<16xi32>,
        tpu.vector_store %arg7[%swap3A_606], %gather3A_605 {strides = array<i32>} : memref<208xi32, #tpu.memory_space<vmem>>, vector<16xi32>,
        %add3A_608 = arith.constant 64 : i32
        %add3A_609 = vector.broadcast %add3A_608 : i32 to vector<16xi32>
        %add3A_610 = arith.addi %add3A_609, %iota3A : vector<16xi32>
        %gather3A_611 = tpu.vector_load_idx %arg5[%add3A_610, %broadcast_in_dim3A_583] : memref<200x128xi32, #tpu.memory_space<vmem>>[vector<16xi32>, vector<16xi32>], vector<16xi32>,
        %swap3A_612 = arith.constant 64 : index
        %swap3A_613 = tpu.vector_load %arg7[%swap3A_612] {strides = array<i32>} : memref<208xi32, #tpu.memory_space<vmem>>, vector<16xi32>,
        tpu.vector_store %arg7[%swap3A_612], %gather3A_611 {strides = array<i32>} : memref<208xi32, #tpu.memory_space<vmem>>, vector<16xi32>,
        %add3A_614 = arith.constant 80 : i32
        %add3A_615 = vector.broadcast %add3A_614 : i32 to vector<16xi32>
        %add3A_616 = arith.addi %add3A_615, %iota3A : vector<16xi32>
        %gather3A_617 = tpu.vector_load_idx %arg5[%add3A_616, %broadcast_in_dim3A_583] : memref<200x128xi32, #tpu.memory_space<vmem>>[vector<16xi32>, vector<16xi32>], vector<16xi32>,
        %swap3A_618 = arith.constant 80 : index
        %swap3A_619 = tpu.vector_load %arg7[%swap3A_618] {strides = array<i32>} : memref<208xi32, #tpu.memory_space<vmem>>, vector<16xi32>,
        tpu.vector_store %arg7[%swap3A_618], %gather3A_617 {strides = array<i32>} : memref<208xi32, #tpu.memory_space<vmem>>, vector<16xi32>,
        %add3A_620 = arith.constant 96 : i32
        %add3A_621 = vector.broadcast %add3A_620 : i32 to vector<16xi32>
        %add3A_622 = arith.addi %add3A_621, %iota3A : vector<16xi32>
        %gather3A_623 = tpu.vector_load_idx %arg5[%add3A_622, %broadcast_in_dim3A_583] : memref<200x128xi32, #tpu.memory_space<vmem>>[vector<16xi32>, vector<16xi32>], vector<16xi32>,
        %swap3A_624 = arith.constant 96 : index
        %swap3A_625 = tpu.vector_load %arg7[%swap3A_624] {strides = array<i32>} : memref<208xi32, #tpu.memory_space<vmem>>, vector<16xi32>,
        tpu.vector_store %arg7[%swap3A_624], %gather3A_623 {strides = array<i32>} : memref<208xi32, #tpu.memory_space<vmem>>, vector<16xi32>,
        %add3A_626 = arith.constant 112 : i32
        %add3A_627 = vector.broadcast %add3A_626 : i32 to vector<16xi32>
        %add3A_628 = arith.addi %add3A_627, %iota3A : vector<16xi32>
        %gather3A_629 = tpu.vector_load_idx %arg5[%add3A_628, %broadcast_in_dim3A_583] : memref<200x128xi32, #tpu.memory_space<vmem>>[vector<16xi32>, vector<16xi32>], vector<16xi32>,
        %swap3A_630 = arith.constant 112 : index
        %swap3A_631 = tpu.vector_load %arg7[%swap3A_630] {strides = array<i32>} : memref<208xi32, #tpu.memory_space<vmem>>, vector<16xi32>,
        tpu.vector_store %arg7[%swap3A_630], %gather3A_629 {strides = array<i32>} : memref<208xi32, #tpu.memory_space<vmem>>, vector<16xi32>,
        %add3A_632 = arith.constant 128 : i32
        %add3A_633 = vector.broadcast %add3A_632 : i32 to vector<16xi32>
        %add3A_634 = arith.addi %add3A_633, %iota3A : vector<16xi32>
        %gather3A_635 = tpu.vector_load_idx %arg5[%add3A_634, %broadcast_in_dim3A_583] : memref<200x128xi32, #tpu.memory_space<vmem>>[vector<16xi32>, vector<16xi32>], vector<16xi32>,
        %swap3A_636 = arith.constant 128 : index
        %swap3A_637 = tpu.vector_load %arg7[%swap3A_636] {strides = array<i32>} : memref<208xi32, #tpu.memory_space<vmem>>, vector<16xi32>,
        tpu.vector_store %arg7[%swap3A_636], %gather3A_635 {strides = array<i32>} : memref<208xi32, #tpu.memory_space<vmem>>, vector<16xi32>,
        %add3A_638 = arith.constant 144 : i32
        %add3A_639 = vector.broadcast %add3A_638 : i32 to vector<16xi32>
        %add3A_640 = arith.addi %add3A_639, %iota3A : vector<16xi32>
        %gather3A_641 = tpu.vector_load_idx %arg5[%add3A_640, %broadcast_in_dim3A_583] : memref<200x128xi32, #tpu.memory_space<vmem>>[vector<16xi32>, vector<16xi32>], vector<16xi32>,
        %swap3A_642 = arith.constant 144 : index
        %swap3A_643 = tpu.vector_load %arg7[%swap3A_642] {strides = array<i32>} : memref<208xi32, #tpu.memory_space<vmem>>, vector<16xi32>,
        tpu.vector_store %arg7[%swap3A_642], %gather3A_641 {strides = array<i32>} : memref<208xi32, #tpu.memory_space<vmem>>, vector<16xi32>,
        %add3A_644 = arith.constant 160 : i32
        %add3A_645 = vector.broadcast %add3A_644 : i32 to vector<16xi32>
        %add3A_646 = arith.addi %add3A_645, %iota3A : vector<16xi32>
        %gather3A_647 = tpu.vector_load_idx %arg5[%add3A_646, %broadcast_in_dim3A_583] : memref<200x128xi32, #tpu.memory_space<vmem>>[vector<16xi32>, vector<16xi32>], vector<16xi32>,
        %swap3A_648 = arith.constant 160 : index
        %swap3A_649 = tpu.vector_load %arg7[%swap3A_648] {strides = array<i32>} : memref<208xi32, #tpu.memory_space<vmem>>, vector<16xi32>,
        tpu.vector_store %arg7[%swap3A_648], %gather3A_647 {strides = array<i32>} : memref<208xi32, #tpu.memory_space<vmem>>, vector<16xi32>,
        %add3A_650 = arith.constant 176 : i32
        %add3A_651 = vector.broadcast %add3A_650 : i32 to vector<16xi32>
        %add3A_652 = arith.addi %add3A_651, %iota3A : vector<16xi32>
        %gather3A_653 = tpu.vector_load_idx %arg5[%add3A_652, %broadcast_in_dim3A_583] : memref<200x128xi32, #tpu.memory_space<vmem>>[vector<16xi32>, vector<16xi32>], vector<16xi32>,
        %swap3A_654 = arith.constant 176 : index
        %swap3A_655 = tpu.vector_load %arg7[%swap3A_654] {strides = array<i32>} : memref<208xi32, #tpu.memory_space<vmem>>, vector<16xi32>,
        tpu.vector_store %arg7[%swap3A_654], %gather3A_653 {strides = array<i32>} : memref<208xi32, #tpu.memory_space<vmem>>, vector<16xi32>,
        %add3A_656 = arith.constant 184 : i32
        %add3A_657 = vector.broadcast %add3A_656 : i32 to vector<16xi32>
        %add3A_658 = arith.addi %add3A_657, %iota3A : vector<16xi32>
        %gather3A_659 = tpu.vector_load_idx %arg5[%add3A_658, %broadcast_in_dim3A_583] : memref<200x128xi32, #tpu.memory_space<vmem>>[vector<16xi32>, vector<16xi32>], vector<16xi32>,
        %swap3A_660 = arith.constant 184 : index
        %swap3A_661 = tpu.vector_load %arg7[%swap3A_660] {strides = array<i32>} : memref<208xi32, #tpu.memory_space<vmem>>, vector<16xi32>,
        tpu.vector_store %arg7[%swap3A_660], %gather3A_659 {strides = array<i32>} : memref<208xi32, #tpu.memory_space<vmem>>, vector<16xi32>,
        %dma_start3A_662 = arith.constant 0 : i32
        %dma_start3A_663 = arith.constant 0 : i32
        %dma_start3A_664 = tpu.memref_slice %arg11[%dma_start3A_662, %dma_start3A_663] : memref<200x64xbf16, #tpu.memory_space<vmem>> -> memref<104x64xbf16, #tpu.memory_space<vmem>>
        %dma_start3A_665 = arith.constant 0 : i32
        %dma_start3A_666 = tpu.memref_slice %arg7[%dma_start3A_665] : memref<208xi32, #tpu.memory_space<vmem>> -> memref<104xi32, #tpu.memory_space<vmem>>
        %dma_start3A_667 = arith.constant 0 : i32
        %dma_start3A_668 = arith.constant 0 : i32
        %dma_start3A_669 = tpu.memref_slice %arg2[%dma_start3A_667, %dma_start3A_668] : memref<20000x64xbf16, #tpu.memory_space<hbm>> -> memref<20000x64xbf16, #tpu.memory_space<hbm>>
        tpu.enqueue_indirect_dma source(%dma_start3A_669 : memref<20000x64xbf16, #tpu.memory_space<hbm>>) target(%dma_start3A_664 : memref<104x64xbf16, #tpu.memory_space<vmem>>) offsets(%dma_start3A_666 : memref<104xi32, #tpu.memory_space<vmem>>) semaphore(%arg16 : memref<!tpu.dma_semaphore, #tpu.memory_space<semaphore_mem>>)
        %dma_start3A_670 = arith.constant 104 : i32
        %dma_start3A_671 = arith.constant 0 : i32
        %dma_start3A_672 = tpu.memref_slice %arg11[%dma_start3A_670, %dma_start3A_671] : memref<200x64xbf16, #tpu.memory_space<vmem>> -> memref<96x64xbf16, #tpu.memory_space<vmem>>
        %dma_start3A_673 = arith.constant 104 : i32
        %dma_start3A_674 = tpu.memref_slice %arg7[%dma_start3A_673] : memref<208xi32, #tpu.memory_space<vmem>> -> memref<96xi32, #tpu.memory_space<vmem>>
        %dma_start3A_675 = arith.constant 0 : i32
        %dma_start3A_676 = arith.constant 0 : i32
        %dma_start3A_677 = tpu.memref_slice %arg2[%dma_start3A_675, %dma_start3A_676] : memref<20000x64xbf16, #tpu.memory_space<hbm>> -> memref<20000x64xbf16, #tpu.memory_space<hbm>>
        tpu.enqueue_indirect_dma source(%dma_start3A_677 : memref<20000x64xbf16, #tpu.memory_space<hbm>>) target(%dma_start3A_672 : memref<96x64xbf16, #tpu.memory_space<vmem>>) offsets(%dma_start3A_674 : memref<96xi32, #tpu.memory_space<vmem>>) semaphore(%arg16 : memref<!tpu.dma_semaphore, #tpu.memory_space<semaphore_mem>>)
      } else {
      }
      %mul3A_462 = arith.constant 2 : i32
      %mul3A_463 = arith.muli %scan3A_394, %mul3A_462 : i32
      %add3A_464 = arith.constant 0 : i32
      %add3A_465 = arith.addi %mul3A_463, %add3A_464 : i32
      %mul3A_466 = vector.broadcast %scan3A : f32 to vector<16xf32>
      %mul3A_467 = arith.mulf %scan3A_453#0, %mul3A_466 : vector<16xf32>
      %swap3A_468 = arith.index_cast %add3A_465 : i32 to index
      %swap3A_469 = arith.constant 64 : index
      %swap3A_470 = tpu.vector_load %arg14[%swap3A_468, %swap3A_469] {strides = array<i32>} : memref<64x128xf32, #tpu.memory_space<vmem>>, vector<16xf32>,
      tpu.vector_store %arg14[%swap3A_468, %swap3A_469], %mul3A_467 {strides = array<i32>} : memref<64x128xf32, #tpu.memory_space<vmem>>, vector<16xf32>,
      %mul3A_471 = vector.broadcast %scan3A : f32 to vector<16xf32>
      %mul3A_472 = arith.mulf %scan3A_453#1, %mul3A_471 : vector<16xf32>
      %swap3A_473 = arith.index_cast %add3A_465 : i32 to index
      %swap3A_474 = arith.constant 80 : index
      %swap3A_475 = tpu.vector_load %arg14[%swap3A_473, %swap3A_474] {strides = array<i32>} : memref<64x128xf32, #tpu.memory_space<vmem>>, vector<16xf32>,
      tpu.vector_store %arg14[%swap3A_473, %swap3A_474], %mul3A_472 {strides = array<i32>} : memref<64x128xf32, #tpu.memory_space<vmem>>, vector<16xf32>,
      %mul3A_476 = vector.broadcast %scan3A : f32 to vector<16xf32>
      %mul3A_477 = arith.mulf %scan3A_453#2, %mul3A_476 : vector<16xf32>
      %swap3A_478 = arith.index_cast %add3A_465 : i32 to index
      %swap3A_479 = arith.constant 96 : index
      %swap3A_480 = tpu.vector_load %arg14[%swap3A_478, %swap3A_479] {strides = array<i32>} : memref<64x128xf32, #tpu.memory_space<vmem>>, vector<16xf32>,
      tpu.vector_store %arg14[%swap3A_478, %swap3A_479], %mul3A_477 {strides = array<i32>} : memref<64x128xf32, #tpu.memory_space<vmem>>, vector<16xf32>,
      %mul3A_481 = vector.broadcast %scan3A : f32 to vector<16xf32>
      %mul3A_482 = arith.mulf %scan3A_453#3, %mul3A_481 : vector<16xf32>
      %swap3A_483 = arith.index_cast %add3A_465 : i32 to index
      %swap3A_484 = arith.constant 112 : index
      %swap3A_485 = tpu.vector_load %arg14[%swap3A_483, %swap3A_484] {strides = array<i32>} : memref<64x128xf32, #tpu.memory_space<vmem>>, vector<16xf32>,
      tpu.vector_store %arg14[%swap3A_483, %swap3A_484], %mul3A_482 {strides = array<i32>} : memref<64x128xf32, #tpu.memory_space<vmem>>, vector<16xf32>,
      %mul3A_486 = arith.constant 4 : i32
      %mul3A_487 = arith.muli %scan3A_394, %mul3A_486 : i32
      %add3A_488 = arith.constant 2 : i32
      %add3A_489 = arith.addi %mul3A_487, %add3A_488 : i32
      %dma_wait3A_490 = arith.constant 0 : i32
      %dma_wait3A_491 = arith.constant 0 : i32
      %dma_wait3A_492 = tpu.memref_slice %arg2[%dma_wait3A_490, %dma_wait3A_491] : memref<20000x64xbf16, #tpu.memory_space<hbm>> -> memref<200x64xbf16, #tpu.memory_space<hbm>>
      %dma_wait3A_493 = arith.constant 0 : i32
      %dma_wait3A_494 = arith.constant 0 : i32
      %dma_wait3A_495 = tpu.memref_slice %arg2[%dma_wait3A_493, %dma_wait3A_494] : memref<20000x64xbf16, #tpu.memory_space<hbm>> -> memref<200x64xbf16, #tpu.memory_space<hbm>>
      tpu.wait_dma2 semaphore(%arg17 : memref<!tpu.dma_semaphore, #tpu.memory_space<semaphore_mem>>) src(%dma_wait3A_495 : memref<200x64xbf16, #tpu.memory_space<hbm>>) dst(%arg12 : memref<200x64xbf16, #tpu.memory_space<vmem>>)
      %scan3A_496 = arith.constant 0 : i32
      %scan3A_497 = arith.constant 25 : i32
      %scan3A_498 = arith.addi %scan3A_496, %scan3A_497 : i32
      %scan3A_499 = arith.constant 1 : i32
      %scan3A_500:4 = scf.for %scan3A_581 = %scan3A_496 to %scan3A_498 step %scan3A_499 iter_args(%scan3A_582 = %broadcast_in_dim3A_384, %scan3A_583 = %broadcast_in_dim3A_384, %scan3A_584 = %broadcast_in_dim3A_384, %scan3A_585 = %broadcast_in_dim3A_384) -> (vector<16xf32>, vector<16xf32>, vector<16xf32>, vector<16xf32>)  : i32 {
        %mul3A_586 = arith.constant 8 : i32
        %mul3A_587 = arith.muli %scan3A_581, %mul3A_586 : i32
        %add3A_588 = arith.constant 0 : i32
        %add3A_589 = arith.addi %mul3A_587, %add3A_588 : i32
        %get3A = arith.index_cast %add3A_589 : i32 to index
        %get3A_590 = arith.constant 0 : index
        %get3A_591 = tpu.vector_load %arg12[%get3A, %get3A_590] {strides = array<i32>} : memref<200x64xbf16, #tpu.memory_space<vmem>>, vector<32xbf16>,
        %add3A_592 = arith.constant 1 : i32
        %add3A_593 = arith.addi %add3A_589, %add3A_592 : i32
        %get3A_594 = arith.index_cast %add3A_593 : i32 to index
        %get3A_595 = arith.constant 0 : index
        %get3A_596 = tpu.vector_load %arg12[%get3A_594, %get3A_595] {strides = array<i32>} : memref<200x64xbf16, #tpu.memory_space<vmem>>, vector<32xbf16>,
        %add3A_597 = arith.addf %get3A_591, %get3A_596 : vector<32xbf16>
        %add3A_598 = arith.constant 2 : i32
        %add3A_599 = arith.addi %add3A_589, %add3A_598 : i32
        %get3A_600 = arith.index_cast %add3A_599 : i32 to index
        %get3A_601 = arith.constant 0 : index
        %get3A_602 = tpu.vector_load %arg12[%get3A_600, %get3A_601] {strides = array<i32>} : memref<200x64xbf16, #tpu.memory_space<vmem>>, vector<32xbf16>,
        %add3A_603 = arith.constant 3 : i32
        %add3A_604 = arith.addi %add3A_589, %add3A_603 : i32
        %get3A_605 = arith.index_cast %add3A_604 : i32 to index
        %get3A_606 = arith.constant 0 : index
        %get3A_607 = tpu.vector_load %arg12[%get3A_605, %get3A_606] {strides = array<i32>} : memref<200x64xbf16, #tpu.memory_space<vmem>>, vector<32xbf16>,
        %add3A_608 = arith.addf %get3A_602, %get3A_607 : vector<32xbf16>
        %add3A_609 = arith.addf %add3A_597, %add3A_608 : vector<32xbf16>
        %get3A_610 = arith.index_cast %add3A_589 : i32 to index
        %get3A_611 = arith.constant 32 : index
        %get3A_612 = tpu.vector_load %arg12[%get3A_610, %get3A_611] {strides = array<i32>} : memref<200x64xbf16, #tpu.memory_space<vmem>>, vector<32xbf16>,
        %add3A_613 = arith.constant 1 : i32
        %add3A_614 = arith.addi %add3A_589, %add3A_613 : i32
        %get3A_615 = arith.index_cast %add3A_614 : i32 to index
        %get3A_616 = arith.constant 32 : index
        %get3A_617 = tpu.vector_load %arg12[%get3A_615, %get3A_616] {strides = array<i32>} : memref<200x64xbf16, #tpu.memory_space<vmem>>, vector<32xbf16>,
        %add3A_618 = arith.addf %get3A_612, %get3A_617 : vector<32xbf16>
        %add3A_619 = arith.constant 2 : i32
        %add3A_620 = arith.addi %add3A_589, %add3A_619 : i32
        %get3A_621 = arith.index_cast %add3A_620 : i32 to index
        %get3A_622 = arith.constant 32 : index
        %get3A_623 = tpu.vector_load %arg12[%get3A_621, %get3A_622] {strides = array<i32>} : memref<200x64xbf16, #tpu.memory_space<vmem>>, vector<32xbf16>,
        %add3A_624 = arith.constant 3 : i32
        %add3A_625 = arith.addi %add3A_589, %add3A_624 : i32
        %get3A_626 = arith.index_cast %add3A_625 : i32 to index
        %get3A_627 = arith.constant 32 : index
        %get3A_628 = tpu.vector_load %arg12[%get3A_626, %get3A_627] {strides = array<i32>} : memref<200x64xbf16, #tpu.memory_space<vmem>>, vector<32xbf16>,
        %add3A_629 = arith.addf %get3A_623, %get3A_628 : vector<32xbf16>
        %add3A_630 = arith.addf %add3A_618, %add3A_629 : vector<32xbf16>
        %unpack3A = tpu.unpack_subelements %add3A_609, 0 {pack_format = #tpu.pack_format<interleaved>} : vector<32xbf16> -> vector<16xf32>
        %unpack3A_631 = tpu.unpack_subelements %add3A_609, 1 {pack_format = #tpu.pack_format<interleaved>} : vector<32xbf16> -> vector<16xf32>
        %unpack3A_632 = tpu.unpack_subelements %add3A_630, 0 {pack_format = #tpu.pack_format<interleaved>} : vector<32xbf16> -> vector<16xf32>
        %unpack3A_633 = tpu.unpack_subelements %add3A_630, 1 {pack_format = #tpu.pack_format<interleaved>} : vector<32xbf16> -> vector<16xf32>
        %add3A_634 = arith.addf %scan3A_582, %unpack3A : vector<16xf32>
        %add3A_635 = arith.addf %scan3A_583, %unpack3A_631 : vector<16xf32>
        %add3A_636 = arith.addf %scan3A_584, %unpack3A_632 : vector<16xf32>
        %add3A_637 = arith.addf %scan3A_585, %unpack3A_633 : vector<16xf32>
        %add3A_638 = arith.constant 4 : i32
        %add3A_639 = arith.addi %mul3A_587, %add3A_638 : i32
        %get3A_640 = arith.index_cast %add3A_639 : i32 to index
        %get3A_641 = arith.constant 0 : index
        %get3A_642 = tpu.vector_load %arg12[%get3A_640, %get3A_641] {strides = array<i32>} : memref<200x64xbf16, #tpu.memory_space<vmem>>, vector<32xbf16>,
        %add3A_643 = arith.constant 1 : i32
        %add3A_644 = arith.addi %add3A_639, %add3A_643 : i32
        %get3A_645 = arith.index_cast %add3A_644 : i32 to index
        %get3A_646 = arith.constant 0 : index
        %get3A_647 = tpu.vector_load %arg12[%get3A_645, %get3A_646] {strides = array<i32>} : memref<200x64xbf16, #tpu.memory_space<vmem>>, vector<32xbf16>,
        %add3A_648 = arith.addf %get3A_642, %get3A_647 : vector<32xbf16>
        %add3A_649 = arith.constant 2 : i32
        %add3A_650 = arith.addi %add3A_639, %add3A_649 : i32
        %get3A_651 = arith.index_cast %add3A_650 : i32 to index
        %get3A_652 = arith.constant 0 : index
        %get3A_653 = tpu.vector_load %arg12[%get3A_651, %get3A_652] {strides = array<i32>} : memref<200x64xbf16, #tpu.memory_space<vmem>>, vector<32xbf16>,
        %add3A_654 = arith.constant 3 : i32
        %add3A_655 = arith.addi %add3A_639, %add3A_654 : i32
        %get3A_656 = arith.index_cast %add3A_655 : i32 to index
        %get3A_657 = arith.constant 0 : index
        %get3A_658 = tpu.vector_load %arg12[%get3A_656, %get3A_657] {strides = array<i32>} : memref<200x64xbf16, #tpu.memory_space<vmem>>, vector<32xbf16>,
        %add3A_659 = arith.addf %get3A_653, %get3A_658 : vector<32xbf16>
        %add3A_660 = arith.addf %add3A_648, %add3A_659 : vector<32xbf16>
        %get3A_661 = arith.index_cast %add3A_639 : i32 to index
        %get3A_662 = arith.constant 32 : index
        %get3A_663 = tpu.vector_load %arg12[%get3A_661, %get3A_662] {strides = array<i32>} : memref<200x64xbf16, #tpu.memory_space<vmem>>, vector<32xbf16>,
        %add3A_664 = arith.constant 1 : i32
        %add3A_665 = arith.addi %add3A_639, %add3A_664 : i32
        %get3A_666 = arith.index_cast %add3A_665 : i32 to index
        %get3A_667 = arith.constant 32 : index
        %get3A_668 = tpu.vector_load %arg12[%get3A_666, %get3A_667] {strides = array<i32>} : memref<200x64xbf16, #tpu.memory_space<vmem>>, vector<32xbf16>,
        %add3A_669 = arith.addf %get3A_663, %get3A_668 : vector<32xbf16>
        %add3A_670 = arith.constant 2 : i32
        %add3A_671 = arith.addi %add3A_639, %add3A_670 : i32
        %get3A_672 = arith.index_cast %add3A_671 : i32 to index
        %get3A_673 = arith.constant 32 : index
        %get3A_674 = tpu.vector_load %arg12[%get3A_672, %get3A_673] {strides = array<i32>} : memref<200x64xbf16, #tpu.memory_space<vmem>>, vector<32xbf16>,
        %add3A_675 = arith.constant 3 : i32
        %add3A_676 = arith.addi %add3A_639, %add3A_675 : i32
        %get3A_677 = arith.index_cast %add3A_676 : i32 to index
        %get3A_678 = arith.constant 32 : index
        %get3A_679 = tpu.vector_load %arg12[%get3A_677, %get3A_678] {strides = array<i32>} : memref<200x64xbf16, #tpu.memory_space<vmem>>, vector<32xbf16>,
        %add3A_680 = arith.addf %get3A_674, %get3A_679 : vector<32xbf16>
        %add3A_681 = arith.addf %add3A_669, %add3A_680 : vector<32xbf16>
        %unpack3A_682 = tpu.unpack_subelements %add3A_660, 0 {pack_format = #tpu.pack_format<interleaved>} : vector<32xbf16> -> vector<16xf32>
        %unpack3A_683 = tpu.unpack_subelements %add3A_660, 1 {pack_format = #tpu.pack_format<interleaved>} : vector<32xbf16> -> vector<16xf32>
        %unpack3A_684 = tpu.unpack_subelements %add3A_681, 0 {pack_format = #tpu.pack_format<interleaved>} : vector<32xbf16> -> vector<16xf32>
        %unpack3A_685 = tpu.unpack_subelements %add3A_681, 1 {pack_format = #tpu.pack_format<interleaved>} : vector<32xbf16> -> vector<16xf32>
        %add3A_686 = arith.addf %add3A_634, %unpack3A_682 : vector<16xf32>
        %add3A_687 = arith.addf %add3A_635, %unpack3A_683 : vector<16xf32>
        %add3A_688 = arith.addf %add3A_636, %unpack3A_684 : vector<16xf32>
        %add3A_689 = arith.addf %add3A_637, %unpack3A_685 : vector<16xf32>
        scf.yield %add3A_686, %add3A_687, %add3A_688, %add3A_689 : vector<16xf32>, vector<16xf32>, vector<16xf32>, vector<16xf32>
      }
      %scan3A_501 = arith.constant 25 : i32
      %add3A_502 = arith.constant 4 : i32
      %add3A_503 = arith.addi %add3A_489, %add3A_502 : i32
      %lt3A_504 = arith.constant 128 : i32
      %lt3A_505 = arith.cmpi slt, %add3A_503, %lt3A_504 : i32
      %convert_element_type3A_506 = arith.extui %lt3A_505 : i1 to i32
      %cond3A_507 = arith.constant 0 : i32
      %cond3A_508 = arith.cmpi ne, %convert_element_type3A_506, %cond3A_507 : i32
      scf.if %cond3A_508 {
        %add3A_581 = arith.constant 4 : i32
        %add3A_582 = arith.addi %add3A_489, %add3A_581 : i32
        %broadcast_in_dim3A_583 = vector.broadcast %add3A_582 : i32 to vector<16xi32>
        %add3A_584 = arith.constant 0 : i32
        %add3A_585 = vector.broadcast %add3A_584 : i32 to vector<16xi32>
        %add3A_586 = arith.addi %add3A_585, %iota3A : vector<16xi32>
        %gather3A_587 = tpu.vector_load_idx %arg5[%add3A_586, %broadcast_in_dim3A_583] : memref<200x128xi32, #tpu.memory_space<vmem>>[vector<16xi32>, vector<16xi32>], vector<16xi32>,
        %swap3A_588 = arith.constant 0 : index
        %swap3A_589 = tpu.vector_load %arg8[%swap3A_588] {strides = array<i32>} : memref<208xi32, #tpu.memory_space<vmem>>, vector<16xi32>,
        tpu.vector_store %arg8[%swap3A_588], %gather3A_587 {strides = array<i32>} : memref<208xi32, #tpu.memory_space<vmem>>, vector<16xi32>,
        %add3A_590 = arith.constant 16 : i32
        %add3A_591 = vector.broadcast %add3A_590 : i32 to vector<16xi32>
        %add3A_592 = arith.addi %add3A_591, %iota3A : vector<16xi32>
        %gather3A_593 = tpu.vector_load_idx %arg5[%add3A_592, %broadcast_in_dim3A_583] : memref<200x128xi32, #tpu.memory_space<vmem>>[vector<16xi32>, vector<16xi32>], vector<16xi32>,
        %swap3A_594 = arith.constant 16 : index
        %swap3A_595 = tpu.vector_load %arg8[%swap3A_594] {strides = array<i32>} : memref<208xi32, #tpu.memory_space<vmem>>, vector<16xi32>,
        tpu.vector_store %arg8[%swap3A_594], %gather3A_593 {strides = array<i32>} : memref<208xi32, #tpu.memory_space<vmem>>, vector<16xi32>,
        %add3A_596 = arith.constant 32 : i32
        %add3A_597 = vector.broadcast %add3A_596 : i32 to vector<16xi32>
        %add3A_598 = arith.addi %add3A_597, %iota3A : vector<16xi32>
        %gather3A_599 = tpu.vector_load_idx %arg5[%add3A_598, %broadcast_in_dim3A_583] : memref<200x128xi32, #tpu.memory_space<vmem>>[vector<16xi32>, vector<16xi32>], vector<16xi32>,
        %swap3A_600 = arith.constant 32 : index
        %swap3A_601 = tpu.vector_load %arg8[%swap3A_600] {strides = array<i32>} : memref<208xi32, #tpu.memory_space<vmem>>, vector<16xi32>,
        tpu.vector_store %arg8[%swap3A_600], %gather3A_599 {strides = array<i32>} : memref<208xi32, #tpu.memory_space<vmem>>, vector<16xi32>,
        %add3A_602 = arith.constant 48 : i32
        %add3A_603 = vector.broadcast %add3A_602 : i32 to vector<16xi32>
        %add3A_604 = arith.addi %add3A_603, %iota3A : vector<16xi32>
        %gather3A_605 = tpu.vector_load_idx %arg5[%add3A_604, %broadcast_in_dim3A_583] : memref<200x128xi32, #tpu.memory_space<vmem>>[vector<16xi32>, vector<16xi32>], vector<16xi32>,
        %swap3A_606 = arith.constant 48 : index
        %swap3A_607 = tpu.vector_load %arg8[%swap3A_606] {strides = array<i32>} : memref<208xi32, #tpu.memory_space<vmem>>, vector<16xi32>,
        tpu.vector_store %arg8[%swap3A_606], %gather3A_605 {strides = array<i32>} : memref<208xi32, #tpu.memory_space<vmem>>, vector<16xi32>,
        %add3A_608 = arith.constant 64 : i32
        %add3A_609 = vector.broadcast %add3A_608 : i32 to vector<16xi32>
        %add3A_610 = arith.addi %add3A_609, %iota3A : vector<16xi32>
        %gather3A_611 = tpu.vector_load_idx %arg5[%add3A_610, %broadcast_in_dim3A_583] : memref<200x128xi32, #tpu.memory_space<vmem>>[vector<16xi32>, vector<16xi32>], vector<16xi32>,
        %swap3A_612 = arith.constant 64 : index
        %swap3A_613 = tpu.vector_load %arg8[%swap3A_612] {strides = array<i32>} : memref<208xi32, #tpu.memory_space<vmem>>, vector<16xi32>,
        tpu.vector_store %arg8[%swap3A_612], %gather3A_611 {strides = array<i32>} : memref<208xi32, #tpu.memory_space<vmem>>, vector<16xi32>,
        %add3A_614 = arith.constant 80 : i32
        %add3A_615 = vector.broadcast %add3A_614 : i32 to vector<16xi32>
        %add3A_616 = arith.addi %add3A_615, %iota3A : vector<16xi32>
        %gather3A_617 = tpu.vector_load_idx %arg5[%add3A_616, %broadcast_in_dim3A_583] : memref<200x128xi32, #tpu.memory_space<vmem>>[vector<16xi32>, vector<16xi32>], vector<16xi32>,
        %swap3A_618 = arith.constant 80 : index
        %swap3A_619 = tpu.vector_load %arg8[%swap3A_618] {strides = array<i32>} : memref<208xi32, #tpu.memory_space<vmem>>, vector<16xi32>,
        tpu.vector_store %arg8[%swap3A_618], %gather3A_617 {strides = array<i32>} : memref<208xi32, #tpu.memory_space<vmem>>, vector<16xi32>,
        %add3A_620 = arith.constant 96 : i32
        %add3A_621 = vector.broadcast %add3A_620 : i32 to vector<16xi32>
        %add3A_622 = arith.addi %add3A_621, %iota3A : vector<16xi32>
        %gather3A_623 = tpu.vector_load_idx %arg5[%add3A_622, %broadcast_in_dim3A_583] : memref<200x128xi32, #tpu.memory_space<vmem>>[vector<16xi32>, vector<16xi32>], vector<16xi32>,
        %swap3A_624 = arith.constant 96 : index
        %swap3A_625 = tpu.vector_load %arg8[%swap3A_624] {strides = array<i32>} : memref<208xi32, #tpu.memory_space<vmem>>, vector<16xi32>,
        tpu.vector_store %arg8[%swap3A_624], %gather3A_623 {strides = array<i32>} : memref<208xi32, #tpu.memory_space<vmem>>, vector<16xi32>,
        %add3A_626 = arith.constant 112 : i32
        %add3A_627 = vector.broadcast %add3A_626 : i32 to vector<16xi32>
        %add3A_628 = arith.addi %add3A_627, %iota3A : vector<16xi32>
        %gather3A_629 = tpu.vector_load_idx %arg5[%add3A_628, %broadcast_in_dim3A_583] : memref<200x128xi32, #tpu.memory_space<vmem>>[vector<16xi32>, vector<16xi32>], vector<16xi32>,
        %swap3A_630 = arith.constant 112 : index
        %swap3A_631 = tpu.vector_load %arg8[%swap3A_630] {strides = array<i32>} : memref<208xi32, #tpu.memory_space<vmem>>, vector<16xi32>,
        tpu.vector_store %arg8[%swap3A_630], %gather3A_629 {strides = array<i32>} : memref<208xi32, #tpu.memory_space<vmem>>, vector<16xi32>,
        %add3A_632 = arith.constant 128 : i32
        %add3A_633 = vector.broadcast %add3A_632 : i32 to vector<16xi32>
        %add3A_634 = arith.addi %add3A_633, %iota3A : vector<16xi32>
        %gather3A_635 = tpu.vector_load_idx %arg5[%add3A_634, %broadcast_in_dim3A_583] : memref<200x128xi32, #tpu.memory_space<vmem>>[vector<16xi32>, vector<16xi32>], vector<16xi32>,
        %swap3A_636 = arith.constant 128 : index
        %swap3A_637 = tpu.vector_load %arg8[%swap3A_636] {strides = array<i32>} : memref<208xi32, #tpu.memory_space<vmem>>, vector<16xi32>,
        tpu.vector_store %arg8[%swap3A_636], %gather3A_635 {strides = array<i32>} : memref<208xi32, #tpu.memory_space<vmem>>, vector<16xi32>,
        %add3A_638 = arith.constant 144 : i32
        %add3A_639 = vector.broadcast %add3A_638 : i32 to vector<16xi32>
        %add3A_640 = arith.addi %add3A_639, %iota3A : vector<16xi32>
        %gather3A_641 = tpu.vector_load_idx %arg5[%add3A_640, %broadcast_in_dim3A_583] : memref<200x128xi32, #tpu.memory_space<vmem>>[vector<16xi32>, vector<16xi32>], vector<16xi32>,
        %swap3A_642 = arith.constant 144 : index
        %swap3A_643 = tpu.vector_load %arg8[%swap3A_642] {strides = array<i32>} : memref<208xi32, #tpu.memory_space<vmem>>, vector<16xi32>,
        tpu.vector_store %arg8[%swap3A_642], %gather3A_641 {strides = array<i32>} : memref<208xi32, #tpu.memory_space<vmem>>, vector<16xi32>,
        %add3A_644 = arith.constant 160 : i32
        %add3A_645 = vector.broadcast %add3A_644 : i32 to vector<16xi32>
        %add3A_646 = arith.addi %add3A_645, %iota3A : vector<16xi32>
        %gather3A_647 = tpu.vector_load_idx %arg5[%add3A_646, %broadcast_in_dim3A_583] : memref<200x128xi32, #tpu.memory_space<vmem>>[vector<16xi32>, vector<16xi32>], vector<16xi32>,
        %swap3A_648 = arith.constant 160 : index
        %swap3A_649 = tpu.vector_load %arg8[%swap3A_648] {strides = array<i32>} : memref<208xi32, #tpu.memory_space<vmem>>, vector<16xi32>,
        tpu.vector_store %arg8[%swap3A_648], %gather3A_647 {strides = array<i32>} : memref<208xi32, #tpu.memory_space<vmem>>, vector<16xi32>,
        %add3A_650 = arith.constant 176 : i32
        %add3A_651 = vector.broadcast %add3A_650 : i32 to vector<16xi32>
        %add3A_652 = arith.addi %add3A_651, %iota3A : vector<16xi32>
        %gather3A_653 = tpu.vector_load_idx %arg5[%add3A_652, %broadcast_in_dim3A_583] : memref<200x128xi32, #tpu.memory_space<vmem>>[vector<16xi32>, vector<16xi32>], vector<16xi32>,
        %swap3A_654 = arith.constant 176 : index
        %swap3A_655 = tpu.vector_load %arg8[%swap3A_654] {strides = array<i32>} : memref<208xi32, #tpu.memory_space<vmem>>, vector<16xi32>,
        tpu.vector_store %arg8[%swap3A_654], %gather3A_653 {strides = array<i32>} : memref<208xi32, #tpu.memory_space<vmem>>, vector<16xi32>,
        %add3A_656 = arith.constant 184 : i32
        %add3A_657 = vector.broadcast %add3A_656 : i32 to vector<16xi32>
        %add3A_658 = arith.addi %add3A_657, %iota3A : vector<16xi32>
        %gather3A_659 = tpu.vector_load_idx %arg5[%add3A_658, %broadcast_in_dim3A_583] : memref<200x128xi32, #tpu.memory_space<vmem>>[vector<16xi32>, vector<16xi32>], vector<16xi32>,
        %swap3A_660 = arith.constant 184 : index
        %swap3A_661 = tpu.vector_load %arg8[%swap3A_660] {strides = array<i32>} : memref<208xi32, #tpu.memory_space<vmem>>, vector<16xi32>,
        tpu.vector_store %arg8[%swap3A_660], %gather3A_659 {strides = array<i32>} : memref<208xi32, #tpu.memory_space<vmem>>, vector<16xi32>,
        %dma_start3A_662 = arith.constant 0 : i32
        %dma_start3A_663 = arith.constant 0 : i32
        %dma_start3A_664 = tpu.memref_slice %arg12[%dma_start3A_662, %dma_start3A_663] : memref<200x64xbf16, #tpu.memory_space<vmem>> -> memref<104x64xbf16, #tpu.memory_space<vmem>>
        %dma_start3A_665 = arith.constant 0 : i32
        %dma_start3A_666 = tpu.memref_slice %arg8[%dma_start3A_665] : memref<208xi32, #tpu.memory_space<vmem>> -> memref<104xi32, #tpu.memory_space<vmem>>
        %dma_start3A_667 = arith.constant 0 : i32
        %dma_start3A_668 = arith.constant 0 : i32
        %dma_start3A_669 = tpu.memref_slice %arg2[%dma_start3A_667, %dma_start3A_668] : memref<20000x64xbf16, #tpu.memory_space<hbm>> -> memref<20000x64xbf16, #tpu.memory_space<hbm>>
        tpu.enqueue_indirect_dma source(%dma_start3A_669 : memref<20000x64xbf16, #tpu.memory_space<hbm>>) target(%dma_start3A_664 : memref<104x64xbf16, #tpu.memory_space<vmem>>) offsets(%dma_start3A_666 : memref<104xi32, #tpu.memory_space<vmem>>) semaphore(%arg17 : memref<!tpu.dma_semaphore, #tpu.memory_space<semaphore_mem>>)
        %dma_start3A_670 = arith.constant 104 : i32
        %dma_start3A_671 = arith.constant 0 : i32
        %dma_start3A_672 = tpu.memref_slice %arg12[%dma_start3A_670, %dma_start3A_671] : memref<200x64xbf16, #tpu.memory_space<vmem>> -> memref<96x64xbf16, #tpu.memory_space<vmem>>
        %dma_start3A_673 = arith.constant 104 : i32
        %dma_start3A_674 = tpu.memref_slice %arg8[%dma_start3A_673] : memref<208xi32, #tpu.memory_space<vmem>> -> memref<96xi32, #tpu.memory_space<vmem>>
        %dma_start3A_675 = arith.constant 0 : i32
        %dma_start3A_676 = arith.constant 0 : i32
        %dma_start3A_677 = tpu.memref_slice %arg2[%dma_start3A_675, %dma_start3A_676] : memref<20000x64xbf16, #tpu.memory_space<hbm>> -> memref<20000x64xbf16, #tpu.memory_space<hbm>>
        tpu.enqueue_indirect_dma source(%dma_start3A_677 : memref<20000x64xbf16, #tpu.memory_space<hbm>>) target(%dma_start3A_672 : memref<96x64xbf16, #tpu.memory_space<vmem>>) offsets(%dma_start3A_674 : memref<96xi32, #tpu.memory_space<vmem>>) semaphore(%arg17 : memref<!tpu.dma_semaphore, #tpu.memory_space<semaphore_mem>>)
      } else {
      }
      %mul3A_509 = arith.constant 2 : i32
      %mul3A_510 = arith.muli %scan3A_394, %mul3A_509 : i32
      %add3A_511 = arith.constant 1 : i32
      %add3A_512 = arith.addi %mul3A_510, %add3A_511 : i32
      %mul3A_513 = vector.broadcast %scan3A : f32 to vector<16xf32>
      %mul3A_514 = arith.mulf %scan3A_500#0, %mul3A_513 : vector<16xf32>
      %swap3A_515 = arith.index_cast %add3A_512 : i32 to index
      %swap3A_516 = arith.constant 0 : index
      %swap3A_517 = tpu.vector_load %arg14[%swap3A_515, %swap3A_516] {strides = array<i32>} : memref<64x128xf32, #tpu.memory_space<vmem>>, vector<16xf32>,
      tpu.vector_store %arg14[%swap3A_515, %swap3A_516], %mul3A_514 {strides = array<i32>} : memref<64x128xf32, #tpu.memory_space<vmem>>, vector<16xf32>,
      %mul3A_518 = vector.broadcast %scan3A : f32 to vector<16xf32>
      %mul3A_519 = arith.mulf %scan3A_500#1, %mul3A_518 : vector<16xf32>
      %swap3A_520 = arith.index_cast %add3A_512 : i32 to index
      %swap3A_521 = arith.constant 16 : index
      %swap3A_522 = tpu.vector_load %arg14[%swap3A_520, %swap3A_521] {strides = array<i32>} : memref<64x128xf32, #tpu.memory_space<vmem>>, vector<16xf32>,
      tpu.vector_store %arg14[%swap3A_520, %swap3A_521], %mul3A_519 {strides = array<i32>} : memref<64x128xf32, #tpu.memory_space<vmem>>, vector<16xf32>,
      %mul3A_523 = vector.broadcast %scan3A : f32 to vector<16xf32>
      %mul3A_524 = arith.mulf %scan3A_500#2, %mul3A_523 : vector<16xf32>
      %swap3A_525 = arith.index_cast %add3A_512 : i32 to index
      %swap3A_526 = arith.constant 32 : index
      %swap3A_527 = tpu.vector_load %arg14[%swap3A_525, %swap3A_526] {strides = array<i32>} : memref<64x128xf32, #tpu.memory_space<vmem>>, vector<16xf32>,
      tpu.vector_store %arg14[%swap3A_525, %swap3A_526], %mul3A_524 {strides = array<i32>} : memref<64x128xf32, #tpu.memory_space<vmem>>, vector<16xf32>,
      %mul3A_528 = vector.broadcast %scan3A : f32 to vector<16xf32>
      %mul3A_529 = arith.mulf %scan3A_500#3, %mul3A_528 : vector<16xf32>
      %swap3A_530 = arith.index_cast %add3A_512 : i32 to index
      %swap3A_531 = arith.constant 48 : index
      %swap3A_532 = tpu.vector_load %arg14[%swap3A_530, %swap3A_531] {strides = array<i32>} : memref<64x128xf32, #tpu.memory_space<vmem>>, vector<16xf32>,
      tpu.vector_store %arg14[%swap3A_530, %swap3A_531], %mul3A_529 {strides = array<i32>} : memref<64x128xf32, #tpu.memory_space<vmem>>, vector<16xf32>,
      %mul3A_533 = arith.constant 4 : i32
      %mul3A_534 = arith.muli %scan3A_394, %mul3A_533 : i32
      %add3A_535 = arith.constant 3 : i32
      %add3A_536 = arith.addi %mul3A_534, %add3A_535 : i32
      %dma_wait3A_537 = arith.constant 0 : i32
      %dma_wait3A_538 = arith.constant 0 : i32
      %dma_wait3A_539 = tpu.memref_slice %arg2[%dma_wait3A_537, %dma_wait3A_538] : memref<20000x64xbf16, #tpu.memory_space<hbm>> -> memref<200x64xbf16, #tpu.memory_space<hbm>>
      %dma_wait3A_540 = arith.constant 0 : i32
      %dma_wait3A_541 = arith.constant 0 : i32
      %dma_wait3A_542 = tpu.memref_slice %arg2[%dma_wait3A_540, %dma_wait3A_541] : memref<20000x64xbf16, #tpu.memory_space<hbm>> -> memref<200x64xbf16, #tpu.memory_space<hbm>>
      tpu.wait_dma2 semaphore(%arg18 : memref<!tpu.dma_semaphore, #tpu.memory_space<semaphore_mem>>) src(%dma_wait3A_542 : memref<200x64xbf16, #tpu.memory_space<hbm>>) dst(%arg13 : memref<200x64xbf16, #tpu.memory_space<vmem>>)
      %scan3A_543 = arith.constant 0 : i32
      %scan3A_544 = arith.constant 25 : i32
      %scan3A_545 = arith.addi %scan3A_543, %scan3A_544 : i32
      %scan3A_546 = arith.constant 1 : i32
      %scan3A_547:4 = scf.for %scan3A_581 = %scan3A_543 to %scan3A_545 step %scan3A_546 iter_args(%scan3A_582 = %broadcast_in_dim3A_384, %scan3A_583 = %broadcast_in_dim3A_384, %scan3A_584 = %broadcast_in_dim3A_384, %scan3A_585 = %broadcast_in_dim3A_384) -> (vector<16xf32>, vector<16xf32>, vector<16xf32>, vector<16xf32>)  : i32 {
        %mul3A_586 = arith.constant 8 : i32
        %mul3A_587 = arith.muli %scan3A_581, %mul3A_586 : i32
        %add3A_588 = arith.constant 0 : i32
        %add3A_589 = arith.addi %mul3A_587, %add3A_588 : i32
        %get3A = arith.index_cast %add3A_589 : i32 to index
        %get3A_590 = arith.constant 0 : index
        %get3A_591 = tpu.vector_load %arg13[%get3A, %get3A_590] {strides = array<i32>} : memref<200x64xbf16, #tpu.memory_space<vmem>>, vector<32xbf16>,
        %add3A_592 = arith.constant 1 : i32
        %add3A_593 = arith.addi %add3A_589, %add3A_592 : i32
        %get3A_594 = arith.index_cast %add3A_593 : i32 to index
        %get3A_595 = arith.constant 0 : index
        %get3A_596 = tpu.vector_load %arg13[%get3A_594, %get3A_595] {strides = array<i32>} : memref<200x64xbf16, #tpu.memory_space<vmem>>, vector<32xbf16>,
        %add3A_597 = arith.addf %get3A_591, %get3A_596 : vector<32xbf16>
        %add3A_598 = arith.constant 2 : i32
        %add3A_599 = arith.addi %add3A_589, %add3A_598 : i32
        %get3A_600 = arith.index_cast %add3A_599 : i32 to index
        %get3A_601 = arith.constant 0 : index
        %get3A_602 = tpu.vector_load %arg13[%get3A_600, %get3A_601] {strides = array<i32>} : memref<200x64xbf16, #tpu.memory_space<vmem>>, vector<32xbf16>,
        %add3A_603 = arith.constant 3 : i32
        %add3A_604 = arith.addi %add3A_589, %add3A_603 : i32
        %get3A_605 = arith.index_cast %add3A_604 : i32 to index
        %get3A_606 = arith.constant 0 : index
        %get3A_607 = tpu.vector_load %arg13[%get3A_605, %get3A_606] {strides = array<i32>} : memref<200x64xbf16, #tpu.memory_space<vmem>>, vector<32xbf16>,
        %add3A_608 = arith.addf %get3A_602, %get3A_607 : vector<32xbf16>
        %add3A_609 = arith.addf %add3A_597, %add3A_608 : vector<32xbf16>
        %get3A_610 = arith.index_cast %add3A_589 : i32 to index
        %get3A_611 = arith.constant 32 : index
        %get3A_612 = tpu.vector_load %arg13[%get3A_610, %get3A_611] {strides = array<i32>} : memref<200x64xbf16, #tpu.memory_space<vmem>>, vector<32xbf16>,
        %add3A_613 = arith.constant 1 : i32
        %add3A_614 = arith.addi %add3A_589, %add3A_613 : i32
        %get3A_615 = arith.index_cast %add3A_614 : i32 to index
        %get3A_616 = arith.constant 32 : index
        %get3A_617 = tpu.vector_load %arg13[%get3A_615, %get3A_616] {strides = array<i32>} : memref<200x64xbf16, #tpu.memory_space<vmem>>, vector<32xbf16>,
        %add3A_618 = arith.addf %get3A_612, %get3A_617 : vector<32xbf16>
        %add3A_619 = arith.constant 2 : i32
        %add3A_620 = arith.addi %add3A_589, %add3A_619 : i32
        %get3A_621 = arith.index_cast %add3A_620 : i32 to index
        %get3A_622 = arith.constant 32 : index
        %get3A_623 = tpu.vector_load %arg13[%get3A_621, %get3A_622] {strides = array<i32>} : memref<200x64xbf16, #tpu.memory_space<vmem>>, vector<32xbf16>,
        %add3A_624 = arith.constant 3 : i32
        %add3A_625 = arith.addi %add3A_589, %add3A_624 : i32
        %get3A_626 = arith.index_cast %add3A_625 : i32 to index
        %get3A_627 = arith.constant 32 : index
        %get3A_628 = tpu.vector_load %arg13[%get3A_626, %get3A_627] {strides = array<i32>} : memref<200x64xbf16, #tpu.memory_space<vmem>>, vector<32xbf16>,
        %add3A_629 = arith.addf %get3A_623, %get3A_628 : vector<32xbf16>
        %add3A_630 = arith.addf %add3A_618, %add3A_629 : vector<32xbf16>
        %unpack3A = tpu.unpack_subelements %add3A_609, 0 {pack_format = #tpu.pack_format<interleaved>} : vector<32xbf16> -> vector<16xf32>
        %unpack3A_631 = tpu.unpack_subelements %add3A_609, 1 {pack_format = #tpu.pack_format<interleaved>} : vector<32xbf16> -> vector<16xf32>
        %unpack3A_632 = tpu.unpack_subelements %add3A_630, 0 {pack_format = #tpu.pack_format<interleaved>} : vector<32xbf16> -> vector<16xf32>
        %unpack3A_633 = tpu.unpack_subelements %add3A_630, 1 {pack_format = #tpu.pack_format<interleaved>} : vector<32xbf16> -> vector<16xf32>
        %add3A_634 = arith.addf %scan3A_582, %unpack3A : vector<16xf32>
        %add3A_635 = arith.addf %scan3A_583, %unpack3A_631 : vector<16xf32>
        %add3A_636 = arith.addf %scan3A_584, %unpack3A_632 : vector<16xf32>
        %add3A_637 = arith.addf %scan3A_585, %unpack3A_633 : vector<16xf32>
        %add3A_638 = arith.constant 4 : i32
        %add3A_639 = arith.addi %mul3A_587, %add3A_638 : i32
        %get3A_640 = arith.index_cast %add3A_639 : i32 to index
        %get3A_641 = arith.constant 0 : index
        %get3A_642 = tpu.vector_load %arg13[%get3A_640, %get3A_641] {strides = array<i32>} : memref<200x64xbf16, #tpu.memory_space<vmem>>, vector<32xbf16>,
        %add3A_643 = arith.constant 1 : i32
        %add3A_644 = arith.addi %add3A_639, %add3A_643 : i32
        %get3A_645 = arith.index_cast %add3A_644 : i32 to index
        %get3A_646 = arith.constant 0 : index
        %get3A_647 = tpu.vector_load %arg13[%get3A_645, %get3A_646] {strides = array<i32>} : memref<200x64xbf16, #tpu.memory_space<vmem>>, vector<32xbf16>,
        %add3A_648 = arith.addf %get3A_642, %get3A_647 : vector<32xbf16>
        %add3A_649 = arith.constant 2 : i32
        %add3A_650 = arith.addi %add3A_639, %add3A_649 : i32
        %get3A_651 = arith.index_cast %add3A_650 : i32 to index
        %get3A_652 = arith.constant 0 : index
        %get3A_653 = tpu.vector_load %arg13[%get3A_651, %get3A_652] {strides = array<i32>} : memref<200x64xbf16, #tpu.memory_space<vmem>>, vector<32xbf16>,
        %add3A_654 = arith.constant 3 : i32
        %add3A_655 = arith.addi %add3A_639, %add3A_654 : i32
        %get3A_656 = arith.index_cast %add3A_655 : i32 to index
        %get3A_657 = arith.constant 0 : index
        %get3A_658 = tpu.vector_load %arg13[%get3A_656, %get3A_657] {strides = array<i32>} : memref<200x64xbf16, #tpu.memory_space<vmem>>, vector<32xbf16>,
        %add3A_659 = arith.addf %get3A_653, %get3A_658 : vector<32xbf16>
        %add3A_660 = arith.addf %add3A_648, %add3A_659 : vector<32xbf16>
        %get3A_661 = arith.index_cast %add3A_639 : i32 to index
        %get3A_662 = arith.constant 32 : index
        %get3A_663 = tpu.vector_load %arg13[%get3A_661, %get3A_662] {strides = array<i32>} : memref<200x64xbf16, #tpu.memory_space<vmem>>, vector<32xbf16>,
        %add3A_664 = arith.constant 1 : i32
        %add3A_665 = arith.addi %add3A_639, %add3A_664 : i32
        %get3A_666 = arith.index_cast %add3A_665 : i32 to index
        %get3A_667 = arith.constant 32 : index
        %get3A_668 = tpu.vector_load %arg13[%get3A_666, %get3A_667] {strides = array<i32>} : memref<200x64xbf16, #tpu.memory_space<vmem>>, vector<32xbf16>,
        %add3A_669 = arith.addf %get3A_663, %get3A_668 : vector<32xbf16>
        %add3A_670 = arith.constant 2 : i32
        %add3A_671 = arith.addi %add3A_639, %add3A_670 : i32
        %get3A_672 = arith.index_cast %add3A_671 : i32 to index
        %get3A_673 = arith.constant 32 : index
        %get3A_674 = tpu.vector_load %arg13[%get3A_672, %get3A_673] {strides = array<i32>} : memref<200x64xbf16, #tpu.memory_space<vmem>>, vector<32xbf16>,
        %add3A_675 = arith.constant 3 : i32
        %add3A_676 = arith.addi %add3A_639, %add3A_675 : i32
        %get3A_677 = arith.index_cast %add3A_676 : i32 to index
        %get3A_678 = arith.constant 32 : index
        %get3A_679 = tpu.vector_load %arg13[%get3A_677, %get3A_678] {strides = array<i32>} : memref<200x64xbf16, #tpu.memory_space<vmem>>, vector<32xbf16>,
        %add3A_680 = arith.addf %get3A_674, %get3A_679 : vector<32xbf16>
        %add3A_681 = arith.addf %add3A_669, %add3A_680 : vector<32xbf16>
        %unpack3A_682 = tpu.unpack_subelements %add3A_660, 0 {pack_format = #tpu.pack_format<interleaved>} : vector<32xbf16> -> vector<16xf32>
        %unpack3A_683 = tpu.unpack_subelements %add3A_660, 1 {pack_format = #tpu.pack_format<interleaved>} : vector<32xbf16> -> vector<16xf32>
        %unpack3A_684 = tpu.unpack_subelements %add3A_681, 0 {pack_format = #tpu.pack_format<interleaved>} : vector<32xbf16> -> vector<16xf32>
        %unpack3A_685 = tpu.unpack_subelements %add3A_681, 1 {pack_format = #tpu.pack_format<interleaved>} : vector<32xbf16> -> vector<16xf32>
        %add3A_686 = arith.addf %add3A_634, %unpack3A_682 : vector<16xf32>
        %add3A_687 = arith.addf %add3A_635, %unpack3A_683 : vector<16xf32>
        %add3A_688 = arith.addf %add3A_636, %unpack3A_684 : vector<16xf32>
        %add3A_689 = arith.addf %add3A_637, %unpack3A_685 : vector<16xf32>
        scf.yield %add3A_686, %add3A_687, %add3A_688, %add3A_689 : vector<16xf32>, vector<16xf32>, vector<16xf32>, vector<16xf32>
      }
      %scan3A_548 = arith.constant 25 : i32
      %add3A_549 = arith.constant 4 : i32
      %add3A_550 = arith.addi %add3A_536, %add3A_549 : i32
      %lt3A_551 = arith.constant 128 : i32
      %lt3A_552 = arith.cmpi slt, %add3A_550, %lt3A_551 : i32
      %convert_element_type3A_553 = arith.extui %lt3A_552 : i1 to i32
      %cond3A_554 = arith.constant 0 : i32
      %cond3A_555 = arith.cmpi ne, %convert_element_type3A_553, %cond3A_554 : i32
      scf.if %cond3A_555 {
        %add3A_581 = arith.constant 4 : i32
        %add3A_582 = arith.addi %add3A_536, %add3A_581 : i32
        %broadcast_in_dim3A_583 = vector.broadcast %add3A_582 : i32 to vector<16xi32>
        %add3A_584 = arith.constant 0 : i32
        %add3A_585 = vector.broadcast %add3A_584 : i32 to vector<16xi32>
        %add3A_586 = arith.addi %add3A_585, %iota3A : vector<16xi32>
        %gather3A_587 = tpu.vector_load_idx %arg5[%add3A_586, %broadcast_in_dim3A_583] : memref<200x128xi32, #tpu.memory_space<vmem>>[vector<16xi32>, vector<16xi32>], vector<16xi32>,
        %swap3A_588 = arith.constant 0 : index
        %swap3A_589 = tpu.vector_load %arg9[%swap3A_588] {strides = array<i32>} : memref<208xi32, #tpu.memory_space<vmem>>, vector<16xi32>,
        tpu.vector_store %arg9[%swap3A_588], %gather3A_587 {strides = array<i32>} : memref<208xi32, #tpu.memory_space<vmem>>, vector<16xi32>,
        %add3A_590 = arith.constant 16 : i32
        %add3A_591 = vector.broadcast %add3A_590 : i32 to vector<16xi32>
        %add3A_592 = arith.addi %add3A_591, %iota3A : vector<16xi32>
        %gather3A_593 = tpu.vector_load_idx %arg5[%add3A_592, %broadcast_in_dim3A_583] : memref<200x128xi32, #tpu.memory_space<vmem>>[vector<16xi32>, vector<16xi32>], vector<16xi32>,
        %swap3A_594 = arith.constant 16 : index
        %swap3A_595 = tpu.vector_load %arg9[%swap3A_594] {strides = array<i32>} : memref<208xi32, #tpu.memory_space<vmem>>, vector<16xi32>,
        tpu.vector_store %arg9[%swap3A_594], %gather3A_593 {strides = array<i32>} : memref<208xi32, #tpu.memory_space<vmem>>, vector<16xi32>,
        %add3A_596 = arith.constant 32 : i32
        %add3A_597 = vector.broadcast %add3A_596 : i32 to vector<16xi32>
        %add3A_598 = arith.addi %add3A_597, %iota3A : vector<16xi32>
        %gather3A_599 = tpu.vector_load_idx %arg5[%add3A_598, %broadcast_in_dim3A_583] : memref<200x128xi32, #tpu.memory_space<vmem>>[vector<16xi32>, vector<16xi32>], vector<16xi32>,
        %swap3A_600 = arith.constant 32 : index
        %swap3A_601 = tpu.vector_load %arg9[%swap3A_600] {strides = array<i32>} : memref<208xi32, #tpu.memory_space<vmem>>, vector<16xi32>,
        tpu.vector_store %arg9[%swap3A_600], %gather3A_599 {strides = array<i32>} : memref<208xi32, #tpu.memory_space<vmem>>, vector<16xi32>,
        %add3A_602 = arith.constant 48 : i32
        %add3A_603 = vector.broadcast %add3A_602 : i32 to vector<16xi32>
        %add3A_604 = arith.addi %add3A_603, %iota3A : vector<16xi32>
        %gather3A_605 = tpu.vector_load_idx %arg5[%add3A_604, %broadcast_in_dim3A_583] : memref<200x128xi32, #tpu.memory_space<vmem>>[vector<16xi32>, vector<16xi32>], vector<16xi32>,
        %swap3A_606 = arith.constant 48 : index
        %swap3A_607 = tpu.vector_load %arg9[%swap3A_606] {strides = array<i32>} : memref<208xi32, #tpu.memory_space<vmem>>, vector<16xi32>,
        tpu.vector_store %arg9[%swap3A_606], %gather3A_605 {strides = array<i32>} : memref<208xi32, #tpu.memory_space<vmem>>, vector<16xi32>,
        %add3A_608 = arith.constant 64 : i32
        %add3A_609 = vector.broadcast %add3A_608 : i32 to vector<16xi32>
        %add3A_610 = arith.addi %add3A_609, %iota3A : vector<16xi32>
        %gather3A_611 = tpu.vector_load_idx %arg5[%add3A_610, %broadcast_in_dim3A_583] : memref<200x128xi32, #tpu.memory_space<vmem>>[vector<16xi32>, vector<16xi32>], vector<16xi32>,
        %swap3A_612 = arith.constant 64 : index
        %swap3A_613 = tpu.vector_load %arg9[%swap3A_612] {strides = array<i32>} : memref<208xi32, #tpu.memory_space<vmem>>, vector<16xi32>,
        tpu.vector_store %arg9[%swap3A_612], %gather3A_611 {strides = array<i32>} : memref<208xi32, #tpu.memory_space<vmem>>, vector<16xi32>,
        %add3A_614 = arith.constant 80 : i32
        %add3A_615 = vector.broadcast %add3A_614 : i32 to vector<16xi32>
        %add3A_616 = arith.addi %add3A_615, %iota3A : vector<16xi32>
        %gather3A_617 = tpu.vector_load_idx %arg5[%add3A_616, %broadcast_in_dim3A_583] : memref<200x128xi32, #tpu.memory_space<vmem>>[vector<16xi32>, vector<16xi32>], vector<16xi32>,
        %swap3A_618 = arith.constant 80 : index
        %swap3A_619 = tpu.vector_load %arg9[%swap3A_618] {strides = array<i32>} : memref<208xi32, #tpu.memory_space<vmem>>, vector<16xi32>,
        tpu.vector_store %arg9[%swap3A_618], %gather3A_617 {strides = array<i32>} : memref<208xi32, #tpu.memory_space<vmem>>, vector<16xi32>,
        %add3A_620 = arith.constant 96 : i32
        %add3A_621 = vector.broadcast %add3A_620 : i32 to vector<16xi32>
        %add3A_622 = arith.addi %add3A_621, %iota3A : vector<16xi32>
        %gather3A_623 = tpu.vector_load_idx %arg5[%add3A_622, %broadcast_in_dim3A_583] : memref<200x128xi32, #tpu.memory_space<vmem>>[vector<16xi32>, vector<16xi32>], vector<16xi32>,
        %swap3A_624 = arith.constant 96 : index
        %swap3A_625 = tpu.vector_load %arg9[%swap3A_624] {strides = array<i32>} : memref<208xi32, #tpu.memory_space<vmem>>, vector<16xi32>,
        tpu.vector_store %arg9[%swap3A_624], %gather3A_623 {strides = array<i32>} : memref<208xi32, #tpu.memory_space<vmem>>, vector<16xi32>,
        %add3A_626 = arith.constant 112 : i32
        %add3A_627 = vector.broadcast %add3A_626 : i32 to vector<16xi32>
        %add3A_628 = arith.addi %add3A_627, %iota3A : vector<16xi32>
        %gather3A_629 = tpu.vector_load_idx %arg5[%add3A_628, %broadcast_in_dim3A_583] : memref<200x128xi32, #tpu.memory_space<vmem>>[vector<16xi32>, vector<16xi32>], vector<16xi32>,
        %swap3A_630 = arith.constant 112 : index
        %swap3A_631 = tpu.vector_load %arg9[%swap3A_630] {strides = array<i32>} : memref<208xi32, #tpu.memory_space<vmem>>, vector<16xi32>,
        tpu.vector_store %arg9[%swap3A_630], %gather3A_629 {strides = array<i32>} : memref<208xi32, #tpu.memory_space<vmem>>, vector<16xi32>,
        %add3A_632 = arith.constant 128 : i32
        %add3A_633 = vector.broadcast %add3A_632 : i32 to vector<16xi32>
        %add3A_634 = arith.addi %add3A_633, %iota3A : vector<16xi32>
        %gather3A_635 = tpu.vector_load_idx %arg5[%add3A_634, %broadcast_in_dim3A_583] : memref<200x128xi32, #tpu.memory_space<vmem>>[vector<16xi32>, vector<16xi32>], vector<16xi32>,
        %swap3A_636 = arith.constant 128 : index
        %swap3A_637 = tpu.vector_load %arg9[%swap3A_636] {strides = array<i32>} : memref<208xi32, #tpu.memory_space<vmem>>, vector<16xi32>,
        tpu.vector_store %arg9[%swap3A_636], %gather3A_635 {strides = array<i32>} : memref<208xi32, #tpu.memory_space<vmem>>, vector<16xi32>,
        %add3A_638 = arith.constant 144 : i32
        %add3A_639 = vector.broadcast %add3A_638 : i32 to vector<16xi32>
        %add3A_640 = arith.addi %add3A_639, %iota3A : vector<16xi32>
        %gather3A_641 = tpu.vector_load_idx %arg5[%add3A_640, %broadcast_in_dim3A_583] : memref<200x128xi32, #tpu.memory_space<vmem>>[vector<16xi32>, vector<16xi32>], vector<16xi32>,
        %swap3A_642 = arith.constant 144 : index
        %swap3A_643 = tpu.vector_load %arg9[%swap3A_642] {strides = array<i32>} : memref<208xi32, #tpu.memory_space<vmem>>, vector<16xi32>,
        tpu.vector_store %arg9[%swap3A_642], %gather3A_641 {strides = array<i32>} : memref<208xi32, #tpu.memory_space<vmem>>, vector<16xi32>,
        %add3A_644 = arith.constant 160 : i32
        %add3A_645 = vector.broadcast %add3A_644 : i32 to vector<16xi32>
        %add3A_646 = arith.addi %add3A_645, %iota3A : vector<16xi32>
        %gather3A_647 = tpu.vector_load_idx %arg5[%add3A_646, %broadcast_in_dim3A_583] : memref<200x128xi32, #tpu.memory_space<vmem>>[vector<16xi32>, vector<16xi32>], vector<16xi32>,
        %swap3A_648 = arith.constant 160 : index
        %swap3A_649 = tpu.vector_load %arg9[%swap3A_648] {strides = array<i32>} : memref<208xi32, #tpu.memory_space<vmem>>, vector<16xi32>,
        tpu.vector_store %arg9[%swap3A_648], %gather3A_647 {strides = array<i32>} : memref<208xi32, #tpu.memory_space<vmem>>, vector<16xi32>,
        %add3A_650 = arith.constant 176 : i32
        %add3A_651 = vector.broadcast %add3A_650 : i32 to vector<16xi32>
        %add3A_652 = arith.addi %add3A_651, %iota3A : vector<16xi32>
        %gather3A_653 = tpu.vector_load_idx %arg5[%add3A_652, %broadcast_in_dim3A_583] : memref<200x128xi32, #tpu.memory_space<vmem>>[vector<16xi32>, vector<16xi32>], vector<16xi32>,
        %swap3A_654 = arith.constant 176 : index
        %swap3A_655 = tpu.vector_load %arg9[%swap3A_654] {strides = array<i32>} : memref<208xi32, #tpu.memory_space<vmem>>, vector<16xi32>,
        tpu.vector_store %arg9[%swap3A_654], %gather3A_653 {strides = array<i32>} : memref<208xi32, #tpu.memory_space<vmem>>, vector<16xi32>,
        %add3A_656 = arith.constant 184 : i32
        %add3A_657 = vector.broadcast %add3A_656 : i32 to vector<16xi32>
        %add3A_658 = arith.addi %add3A_657, %iota3A : vector<16xi32>
        %gather3A_659 = tpu.vector_load_idx %arg5[%add3A_658, %broadcast_in_dim3A_583] : memref<200x128xi32, #tpu.memory_space<vmem>>[vector<16xi32>, vector<16xi32>], vector<16xi32>,
        %swap3A_660 = arith.constant 184 : index
        %swap3A_661 = tpu.vector_load %arg9[%swap3A_660] {strides = array<i32>} : memref<208xi32, #tpu.memory_space<vmem>>, vector<16xi32>,
        tpu.vector_store %arg9[%swap3A_660], %gather3A_659 {strides = array<i32>} : memref<208xi32, #tpu.memory_space<vmem>>, vector<16xi32>,
        %dma_start3A_662 = arith.constant 0 : i32
        %dma_start3A_663 = arith.constant 0 : i32
        %dma_start3A_664 = tpu.memref_slice %arg13[%dma_start3A_662, %dma_start3A_663] : memref<200x64xbf16, #tpu.memory_space<vmem>> -> memref<104x64xbf16, #tpu.memory_space<vmem>>
        %dma_start3A_665 = arith.constant 0 : i32
        %dma_start3A_666 = tpu.memref_slice %arg9[%dma_start3A_665] : memref<208xi32, #tpu.memory_space<vmem>> -> memref<104xi32, #tpu.memory_space<vmem>>
        %dma_start3A_667 = arith.constant 0 : i32
        %dma_start3A_668 = arith.constant 0 : i32
        %dma_start3A_669 = tpu.memref_slice %arg2[%dma_start3A_667, %dma_start3A_668] : memref<20000x64xbf16, #tpu.memory_space<hbm>> -> memref<20000x64xbf16, #tpu.memory_space<hbm>>
        tpu.enqueue_indirect_dma source(%dma_start3A_669 : memref<20000x64xbf16, #tpu.memory_space<hbm>>) target(%dma_start3A_664 : memref<104x64xbf16, #tpu.memory_space<vmem>>) offsets(%dma_start3A_666 : memref<104xi32, #tpu.memory_space<vmem>>) semaphore(%arg18 : memref<!tpu.dma_semaphore, #tpu.memory_space<semaphore_mem>>)
        %dma_start3A_670 = arith.constant 104 : i32
        %dma_start3A_671 = arith.constant 0 : i32
        %dma_start3A_672 = tpu.memref_slice %arg13[%dma_start3A_670, %dma_start3A_671] : memref<200x64xbf16, #tpu.memory_space<vmem>> -> memref<96x64xbf16, #tpu.memory_space<vmem>>
        %dma_start3A_673 = arith.constant 104 : i32
        %dma_start3A_674 = tpu.memref_slice %arg9[%dma_start3A_673] : memref<208xi32, #tpu.memory_space<vmem>> -> memref<96xi32, #tpu.memory_space<vmem>>
        %dma_start3A_675 = arith.constant 0 : i32
        %dma_start3A_676 = arith.constant 0 : i32
        %dma_start3A_677 = tpu.memref_slice %arg2[%dma_start3A_675, %dma_start3A_676] : memref<20000x64xbf16, #tpu.memory_space<hbm>> -> memref<20000x64xbf16, #tpu.memory_space<hbm>>
        tpu.enqueue_indirect_dma source(%dma_start3A_677 : memref<20000x64xbf16, #tpu.memory_space<hbm>>) target(%dma_start3A_672 : memref<96x64xbf16, #tpu.memory_space<vmem>>) offsets(%dma_start3A_674 : memref<96xi32, #tpu.memory_space<vmem>>) semaphore(%arg18 : memref<!tpu.dma_semaphore, #tpu.memory_space<semaphore_mem>>)
      } else {
      }
      %mul3A_556 = arith.constant 2 : i32
      %mul3A_557 = arith.muli %scan3A_394, %mul3A_556 : i32
      %add3A_558 = arith.constant 1 : i32
      %add3A_559 = arith.addi %mul3A_557, %add3A_558 : i32
      %mul3A_560 = vector.broadcast %scan3A : f32 to vector<16xf32>
      %mul3A_561 = arith.mulf %scan3A_547#0, %mul3A_560 : vector<16xf32>
      %swap3A_562 = arith.index_cast %add3A_559 : i32 to index
      %swap3A_563 = arith.constant 64 : index
      %swap3A_564 = tpu.vector_load %arg14[%swap3A_562, %swap3A_563] {strides = array<i32>} : memref<64x128xf32, #tpu.memory_space<vmem>>, vector<16xf32>,
      tpu.vector_store %arg14[%swap3A_562, %swap3A_563], %mul3A_561 {strides = array<i32>} : memref<64x128xf32, #tpu.memory_space<vmem>>, vector<16xf32>,
      %mul3A_565 = vector.broadcast %scan3A : f32 to vector<16xf32>
      %mul3A_566 = arith.mulf %scan3A_547#1, %mul3A_565 : vector<16xf32>
      %swap3A_567 = arith.index_cast %add3A_559 : i32 to index
      %swap3A_568 = arith.constant 80 : index
      %swap3A_569 = tpu.vector_load %arg14[%swap3A_567, %swap3A_568] {strides = array<i32>} : memref<64x128xf32, #tpu.memory_space<vmem>>, vector<16xf32>,
      tpu.vector_store %arg14[%swap3A_567, %swap3A_568], %mul3A_566 {strides = array<i32>} : memref<64x128xf32, #tpu.memory_space<vmem>>, vector<16xf32>,
      %mul3A_570 = vector.broadcast %scan3A : f32 to vector<16xf32>
      %mul3A_571 = arith.mulf %scan3A_547#2, %mul3A_570 : vector<16xf32>
      %swap3A_572 = arith.index_cast %add3A_559 : i32 to index
      %swap3A_573 = arith.constant 96 : index
      %swap3A_574 = tpu.vector_load %arg14[%swap3A_572, %swap3A_573] {strides = array<i32>} : memref<64x128xf32, #tpu.memory_space<vmem>>, vector<16xf32>,
      tpu.vector_store %arg14[%swap3A_572, %swap3A_573], %mul3A_571 {strides = array<i32>} : memref<64x128xf32, #tpu.memory_space<vmem>>, vector<16xf32>,
      %mul3A_575 = vector.broadcast %scan3A : f32 to vector<16xf32>
      %mul3A_576 = arith.mulf %scan3A_547#3, %mul3A_575 : vector<16xf32>
      %swap3A_577 = arith.index_cast %add3A_559 : i32 to index
      %swap3A_578 = arith.constant 112 : index
      %swap3A_579 = tpu.vector_load %arg14[%swap3A_577, %swap3A_578] {strides = array<i32>} : memref<64x128xf32, #tpu.memory_space<vmem>>, vector<16xf32>,
      tpu.vector_store %arg14[%swap3A_577, %swap3A_578], %mul3A_576 {strides = array<i32>} : memref<64x128xf32, #tpu.memory_space<vmem>>, vector<16xf32>,
      %scan3A_580 = arith.constant 0 : i32
      scf.yield %scan3A_580 : i32
    }
    %scan3A_391 = arith.constant 32 : i32
    %mul3A_392 = arith.constant 64 : i32
    %mul3A_393 = arith.muli %add3A, %mul3A_392 : i32
    "tpu.region"() ({
      %run_scoped3A = tpu.sem_alloc : memref<!tpu.dma_semaphore, #tpu.memory_space<semaphore_mem>>
      %dma_start3A_394 = arith.constant 0 : i32
      %dma_start3A_395 = tpu.memref_slice %arg4[%mul3A_393, %dma_start3A_394] : memref<2048x128xf32, #tpu.memory_space<hbm>> -> memref<64x128xf32, #tpu.memory_space<hbm>>
      %dma_start3A_396 = arith.constant 0 : i32
      %dma_start3A_397 = tpu.memref_slice %arg4[%mul3A_393, %dma_start3A_396] : memref<2048x128xf32, #tpu.memory_space<hbm>> -> memref<64x128xf32, #tpu.memory_space<hbm>>
      tpu.enqueue_dma source(%arg14 : memref<64x128xf32, #tpu.memory_space<vmem>>) target(%dma_start3A_397 : memref<64x128xf32, #tpu.memory_space<hbm>>) target_semaphore(%run_scoped3A : memref<!tpu.dma_semaphore, #tpu.memory_space<semaphore_mem>>)
      %dma_wait3A = arith.constant 0 : i32
      %dma_wait3A_398 = tpu.memref_slice %arg4[%mul3A_393, %dma_wait3A] : memref<2048x128xf32, #tpu.memory_space<hbm>> -> memref<64x128xf32, #tpu.memory_space<hbm>>
      %dma_wait3A_399 = arith.constant 0 : i32
      %dma_wait3A_400 = tpu.memref_slice %arg4[%mul3A_393, %dma_wait3A_399] : memref<2048x128xf32, #tpu.memory_space<hbm>> -> memref<64x128xf32, #tpu.memory_space<hbm>>
      tpu.wait_dma2 semaphore(%run_scoped3A : memref<!tpu.dma_semaphore, #tpu.memory_space<semaphore_mem>>) src(%arg14 : memref<64x128xf32, #tpu.memory_space<vmem>>) dst(%dma_wait3A_400 : memref<64x128xf32, #tpu.memory_space<hbm>>)
      tpu.yield
    }) : () -> ()
    return
  }
}

module attributes {stable_mosaic.version = 14 : i64} {
  func.func @body(%arg0: i32, %arg1: memref<1024x128xf32, #tpu.memory_space<vmem>>, %arg2: memref<64x128xf32, #tpu.memory_space<vmem>>, %arg3: memref<8x128xf32, #tpu.memory_space<vmem>>, %arg4: memref<1024x2xf32, #tpu.memory_space<vmem>>) attributes {dimension_semantics = [#tpu.dimension_semantics<arbitrary>], iteration_bounds = array<i64: 2>, scalar_prefetch = 0 : i64, scratch_operands = 0 : i64, tpu.core_type = #tpu.core_type<tc>, window_params = [{transform_indices = @transform_0, window_bounds = array<i64: 1024, 128>}, {pipeline_mode = #tpu.pipeline_mode<synchronous>, transform_indices = @transform_1, window_bounds = array<i64: 64, 128>}, {pipeline_mode = #tpu.pipeline_mode<synchronous>, transform_indices = @transform_2, window_bounds = array<i64: 8, 128>}, {transform_indices = @transform_3, window_bounds = array<i64: 1024, 2>}]} {
    %get3A = arith.constant 0 : index
    %get3A_0 = arith.constant 0 : index
    %get3A_1 = vector.load %arg1[%get3A, %get3A_0] : memref<1024x128xf32, #tpu.memory_space<vmem>>, vector<1024x128xf32>
    %ge3A = arith.constant 0.000000e+00 : f32
    %ge3A_2 = vector.broadcast %ge3A : f32 to vector<1024x128xf32>
    %ge3A_3 = arith.cmpf oge, %get3A_1, %ge3A_2 : vector<1024x128xf32>
    %mul3A = arith.constant 0.00999999977 : f32
    %mul3A_4 = vector.broadcast %mul3A : f32 to vector<1024x128xf32>
    %mul3A_5 = arith.mulf %mul3A_4, %get3A_1 : vector<1024x128xf32>
    %select_n3A = arith.select %ge3A_3, %get3A_1, %mul3A_5 : vector<1024x128xi1>, vector<1024x128xf32>
    %get3A_6 = arith.constant 0 : index
    %get3A_7 = arith.constant 0 : index
    %get3A_8 = vector.load %arg3[%get3A_6, %get3A_7] : memref<8x128xf32, #tpu.memory_space<vmem>>, vector<1x128xf32>
    %get3A_9 = arith.constant 1 : index
    %get3A_10 = arith.constant 0 : index
    %get3A_11 = vector.load %arg3[%get3A_9, %get3A_10] : memref<8x128xf32, #tpu.memory_space<vmem>>, vector<1x128xf32>
    %get3A_12 = arith.constant 4 : index
    %get3A_13 = arith.constant 0 : index
    %get3A_14 = vector.load %arg3[%get3A_12, %get3A_13] : memref<8x128xf32, #tpu.memory_space<vmem>>, vector<1x128xf32>
    %add3A = arith.constant 9.99999974E-6 : f32
    %add3A_15 = vector.broadcast %add3A : f32 to vector<1x128xf32>
    %add3A_16 = arith.addf %get3A_14, %add3A_15 : vector<1x128xf32>
    %rsqrt3A = math.rsqrt %add3A_16 : vector<1x128xf32>
    %mul3A_17 = arith.mulf %get3A_11, %rsqrt3A : vector<1x128xf32>
    %get3A_18 = arith.constant 2 : index
    %get3A_19 = arith.constant 0 : index
    %get3A_20 = vector.load %arg3[%get3A_18, %get3A_19] : memref<8x128xf32, #tpu.memory_space<vmem>>, vector<1x128xf32>
    %get3A_21 = arith.constant 3 : index
    %get3A_22 = arith.constant 0 : index
    %get3A_23 = vector.load %arg3[%get3A_21, %get3A_22] : memref<8x128xf32, #tpu.memory_space<vmem>>, vector<1x128xf32>
    %mul3A_24 = arith.mulf %get3A_23, %mul3A_17 : vector<1x128xf32>
    %sub3A = arith.subf %get3A_20, %mul3A_24 : vector<1x128xf32>
    %get3A_25 = arith.constant 5 : index
    %get3A_26 = arith.constant 0 : index
    %get3A_27 = vector.load %arg3[%get3A_25, %get3A_26] : memref<8x128xf32, #tpu.memory_space<vmem>>, vector<1x128xf32>
    %get3A_28 = arith.constant 6 : index
    %get3A_29 = arith.constant 0 : index
    %get3A_30 = vector.load %arg3[%get3A_28, %get3A_29] : memref<8x128xf32, #tpu.memory_space<vmem>>, vector<1x1xf32>
    %slice3A = vector.extract_strided_slice %select_n3A {offsets = [0, 0], sizes = [1024, 64], strides = [1, 1]} : vector<1024x128xf32> to vector<1024x64xf32>
    %get3A_31 = arith.constant 0 : index
    %get3A_32 = arith.constant 0 : index
    %get3A_33 = vector.load %arg2[%get3A_31, %get3A_32] : memref<64x128xf32, #tpu.memory_space<vmem>>, vector<64x128xf32>
    %dot_general3A = arith.constant dense<0.000000e+00> : vector<1024x128xf32>
    %dot_general3A_34 = tpu.matmul %slice3A, %get3A_33, %dot_general3A {dimension_numbers = #tpu.dot_dimension_numbers<[1], [0], [0], [1], [0, 0, 1, 1], [], []>, transpose_lhs_hint = false} : vector<1024x64xf32>, vector<64x128xf32>, vector<1024x128xf32> -> vector<1024x128xf32>
    %add3A_35 = vector.broadcast %get3A_8 : vector<1x128xf32> to vector<1024x128xf32>
    %add3A_36 = arith.addf %dot_general3A_34, %add3A_35 : vector<1024x128xf32>
    %ge3A_37 = arith.constant 0.000000e+00 : f32
    %ge3A_38 = vector.broadcast %ge3A_37 : f32 to vector<1024x128xf32>
    %ge3A_39 = arith.cmpf oge, %add3A_36, %ge3A_38 : vector<1024x128xf32>
    %mul3A_40 = arith.constant 0.00999999977 : f32
    %mul3A_41 = vector.broadcast %mul3A_40 : f32 to vector<1024x128xf32>
    %mul3A_42 = arith.mulf %mul3A_41, %add3A_36 : vector<1024x128xf32>
    %select_n3A_43 = arith.select %ge3A_39, %add3A_36, %mul3A_42 : vector<1024x128xi1>, vector<1024x128xf32>
    %mul3A_44 = vector.broadcast %mul3A_17 : vector<1x128xf32> to vector<1024x128xf32>
    %mul3A_45 = arith.mulf %select_n3A_43, %mul3A_44 : vector<1024x128xf32>
    %add3A_46 = vector.broadcast %sub3A : vector<1x128xf32> to vector<1024x128xf32>
    %add3A_47 = arith.addf %mul3A_45, %add3A_46 : vector<1024x128xf32>
    %mul3A_48 = vector.broadcast %get3A_27 : vector<1x128xf32> to vector<1024x128xf32>
    %mul3A_49 = arith.mulf %add3A_47, %mul3A_48 : vector<1024x128xf32>
    %reduce_sum3A = arith.constant dense<0.000000e+00> : vector<1024xf32>
    %reduce_sum3A_50 = vector.multi_reduction <add>, %mul3A_49, %reduce_sum3A [1] : vector<1024x128xf32> to vector<1024xf32>
    %broadcast_in_dim3A = vector.shape_cast %reduce_sum3A_50 : vector<1024xf32> to vector<1024x1xf32>
    %add3A_51 = vector.broadcast %get3A_30 : vector<1x1xf32> to vector<1024x1xf32>
    %add3A_52 = arith.addf %broadcast_in_dim3A, %add3A_51 : vector<1024x1xf32>
    %swap3A = arith.constant 0 : index
    %swap3A_53 = arith.constant 0 : index
    %swap3A_54 = vector.load %arg4[%swap3A, %swap3A_53] : memref<1024x2xf32, #tpu.memory_space<vmem>>, vector<1024x1xf32>
    tpu.vector_store %arg4[%swap3A, %swap3A_53], %add3A_52 {strides = array<i32>} : memref<1024x2xf32, #tpu.memory_space<vmem>>, vector<1024x1xf32>,
    %slice3A_55 = vector.extract_strided_slice %select_n3A {offsets = [0, 64], sizes = [1024, 64], strides = [1, 1]} : vector<1024x128xf32> to vector<1024x64xf32>
    %get3A_56 = arith.constant 0 : index
    %get3A_57 = arith.constant 0 : index
    %get3A_58 = vector.load %arg2[%get3A_56, %get3A_57] : memref<64x128xf32, #tpu.memory_space<vmem>>, vector<64x128xf32>
    %dot_general3A_59 = arith.constant dense<0.000000e+00> : vector<1024x128xf32>
    %dot_general3A_60 = tpu.matmul %slice3A_55, %get3A_58, %dot_general3A_59 {dimension_numbers = #tpu.dot_dimension_numbers<[1], [0], [0], [1], [0, 0, 1, 1], [], []>, transpose_lhs_hint = false} : vector<1024x64xf32>, vector<64x128xf32>, vector<1024x128xf32> -> vector<1024x128xf32>
    %add3A_61 = vector.broadcast %get3A_8 : vector<1x128xf32> to vector<1024x128xf32>
    %add3A_62 = arith.addf %dot_general3A_60, %add3A_61 : vector<1024x128xf32>
    %ge3A_63 = arith.constant 0.000000e+00 : f32
    %ge3A_64 = vector.broadcast %ge3A_63 : f32 to vector<1024x128xf32>
    %ge3A_65 = arith.cmpf oge, %add3A_62, %ge3A_64 : vector<1024x128xf32>
    %mul3A_66 = arith.constant 0.00999999977 : f32
    %mul3A_67 = vector.broadcast %mul3A_66 : f32 to vector<1024x128xf32>
    %mul3A_68 = arith.mulf %mul3A_67, %add3A_62 : vector<1024x128xf32>
    %select_n3A_69 = arith.select %ge3A_65, %add3A_62, %mul3A_68 : vector<1024x128xi1>, vector<1024x128xf32>
    %mul3A_70 = vector.broadcast %mul3A_17 : vector<1x128xf32> to vector<1024x128xf32>
    %mul3A_71 = arith.mulf %select_n3A_69, %mul3A_70 : vector<1024x128xf32>
    %add3A_72 = vector.broadcast %sub3A : vector<1x128xf32> to vector<1024x128xf32>
    %add3A_73 = arith.addf %mul3A_71, %add3A_72 : vector<1024x128xf32>
    %mul3A_74 = vector.broadcast %get3A_27 : vector<1x128xf32> to vector<1024x128xf32>
    %mul3A_75 = arith.mulf %add3A_73, %mul3A_74 : vector<1024x128xf32>
    %reduce_sum3A_76 = arith.constant dense<0.000000e+00> : vector<1024xf32>
    %reduce_sum3A_77 = vector.multi_reduction <add>, %mul3A_75, %reduce_sum3A_76 [1] : vector<1024x128xf32> to vector<1024xf32>
    %broadcast_in_dim3A_78 = vector.shape_cast %reduce_sum3A_77 : vector<1024xf32> to vector<1024x1xf32>
    %add3A_79 = vector.broadcast %get3A_30 : vector<1x1xf32> to vector<1024x1xf32>
    %add3A_80 = arith.addf %broadcast_in_dim3A_78, %add3A_79 : vector<1024x1xf32>
    %swap3A_81 = arith.constant 0 : index
    %swap3A_82 = arith.constant 1 : index
    %swap3A_83 = vector.load %arg4[%swap3A_81, %swap3A_82] : memref<1024x2xf32, #tpu.memory_space<vmem>>, vector<1024x1xf32>
    tpu.vector_store %arg4[%swap3A_81, %swap3A_82], %add3A_80 {strides = array<i32>} : memref<1024x2xf32, #tpu.memory_space<vmem>>, vector<1024x1xf32>,
    return
  }
  func.func @transform_0(%arg0: i32) -> (i32, i32) {
    %c0_i32 = arith.constant 0 : i32
    %c0_i32_0 = arith.constant 0 : i32
    return %arg0, %c0_i32 : i32, i32
  }
  func.func @transform_1(%arg0: i32) -> (i32, i32) {
    %c0_i32 = arith.constant 0 : i32
    %c0_i32_0 = arith.constant 0 : i32
    %c0_i32_1 = arith.constant 0 : i32
    return %c0_i32, %c0_i32_0 : i32, i32
  }
  func.func @transform_2(%arg0: i32) -> (i32, i32) {
    %c0_i32 = arith.constant 0 : i32
    %c0_i32_0 = arith.constant 0 : i32
    %c0_i32_1 = arith.constant 0 : i32
    return %c0_i32, %c0_i32_0 : i32, i32
  }
  func.func @transform_3(%arg0: i32) -> (i32, i32) {
    %c0_i32 = arith.constant 0 : i32
    %c0_i32_0 = arith.constant 0 : i32
    return %arg0, %c0_i32 : i32, i32
  }
}

</mosaic_0001>

<sc_bundles>
// kernel: kernel.4.cloned.1.call-start
scs
__scs_entry_jumppad:
0x0: {  	(pc) =	sbr.rel $0x88, $3  }
0x1: {  	(tag) =	ssettag $0x0;
	lr =	simm.s32 $0x1  }
0x2: {  	[smem:$0x3F97] =	sst lr;
	_ =	strace $0xD0000000  }
0x3: {  	_ = 	snop  }
0x4: {  	_ = 	snop  }
0x5: {  	_ = 	snop  }
0x6: {  	_ = 	snop  }
0x7: {  	_ = 	snop  }
__scs_overlays_trampoline_lowered:
0x8: {  	[smem:$0x3FA6] =	sst s0  }
0x9: {  	[smem:$0x3FA7] =	sst s1  }
0xa: {  	[smem:$0x3FA8] =	sst s2  }
0xb: {  	[smem:$0x3FA9] =	sst s3  }
0xc: {  	[smem:$0x3FAA] =	sst s4  }
0xd: {  	[smem:$0x3FAB] =	sst s5  }
0xe: {  	[smem:$0x3FAC] =	sst s6  }
0xf: {  	[smem:$0x3FAD] =	sst s7  }
0x10: {  	[smem:$0x3FAE] =	sst s8  }
0x11: {  	[smem:$0x3FAF] =	sst s9;
	s0 =	simm.s32 @!p0 $0x0  }
0x12: {  	s1 =	sld [smem:$0x3F95];
	s0 =	simm.s32 @p0 $0x1  }
0x13: {  	[smem:$0x3FB0] =	sst s0;
	s0 =	simm.s32 @!p1 $0x0  }
0x14: {  	s2 =	sld [smem:$0x3F94];
	s0 =	simm.s32 @p1 $0x1  }
0x15: {  	[smem:$0x3FB1] =	sst s0;
	s0 =	simm.s32 @!p2 $0x0  }
0x16: {  	s3 =	sld [smem:$0x3FDB];
	s0 =	simm.s32 @p2 $0x1  }
0x17: {  	s4 =	simm.s32 $0x1BF5;
	[smem:$0x3FB3] =	sst s0  }
0x18: {  	s0 =	sld [smem:$0x3F96];
	_ =	swait.ge [sflag:s4], $0x0  }
0x19: {  	s7 =	sld [smem:$0x3F97]  }
0x1a: {  	s8 =	sadd.s32 $0xFFFFE003, lr  }
0x1b: {  	s9 =	sadd.s32 $0xFFFFFEF7, lr;
	s5 =	simm.s32 $0xFFFFFFFF;
	p2 =	slt.u32 s8, $0xFFFFF086  }
0x1c: {  	p1 =	slt.u32 s9, $0xF7A;
	s5 =	simm.s32 @!p2 $0x0  }
0x1d: {  	s5 =	simm.s32 @p1 $0x1;
	p0 =	seq.s32 s7, s2  }
0x1e: {  	s7 =	smul.u32 @!p0 $0xF7A, s2;
	p2 =	seq.s32 @!p0 s5, $0x0  }
0x1f: {  	s9 =	smul.u32 $0xF7A, s1;
	s8 =	simm.s32 @!p0 $0x1BF5;
	p2 =	por !p2, p0  }
0x20: {  	[sflag:s8] =	ssyncset.s32 @!p0 $0xFFFFF086;
	s6 =	sadd.s32 @!p0 s3, s7;
	s7 =	simm.s32 @!p0 $0x108  }
0x21: {  	s3 =	sadd.s32 s3, s9;
	s6 =	sadd.s32 @!p0 $0x88, s6;
	s7 =	simm.s32 @p2 $0x1082  }
0x22: {  	[simem:s7], [sflag:s8] =	dma.local @!p0 [hbm:s6], $0xF7A  }
0x23: {  	s9 =	sor.u32 $0xD0000000, s2;
	s6 =	simm.s32 $0x108;
	_ =	swait.ge @!p0 [sflag:s8], $0x0  }
0x24: {  	s3 =	sadd.s32 $0x88, s3;
	s6 =	simm.s32 @!p1 $0x1082;
	[sflag:s4] =	ssyncset.s32 $0xFFFFF086  }
0x25: {  	[simem:s6], [sflag:s4] =	dma.local [hbm:s3], $0xF7A  }
0x26: {  	[smem:$0x3F97] =	sst s1;
	(tag) =	ssettag s2;
	_ =	strace s9  }
0x27: {  	s1 =	sld [smem:$0x3FA7]  }
0x28: {  	s2 =	sld [smem:$0x3FA8]  }
0x29: {  	s4 =	sld [smem:$0x3FAA]  }
0x2a: {  	p0 =	seq.s32 s5, $0x0;
	s5 =	sld [smem:$0x3FAB]  }
0x2b: {  	s6 =	sld [smem:$0x3FAC]  }
0x2c: {  	s7 =	sld [smem:$0x3FAD]  }
0x2d: {  	s3 =	simm.s32 $0x108;
	s8 =	sld [smem:$0x3FAE]  }
0x2e: {  	s3 =	simm.s32 @!p0 $0x1082;
	s9 =	sld [smem:$0x3FAF]  }
0x2f: {  	lr =	sadd.s32 s0, s3;
	s0 =	sld [smem:$0x3FA6]  }
0x30: {  	s3 =	sld [smem:$0x3FA9]  }
0x31: {  	[smem:$0x3FB2] =	sst s10  }
0x32: {  	s10 =	sld [smem:$0x3FB0];
	_ =	sdelay $0x3  }
0x33: {  	p0 =	seq.s32 s10, $0x1;
	s10 =	sld [smem:$0x3FB2];
	_ =	sdelay $0x3  }
0x34: {  	[smem:$0x3FB2] =	sst s10  }
0x35: {  	s10 =	sld [smem:$0x3FB1];
	_ =	sdelay $0x3  }
0x36: {  	p1 =	seq.s32 s10, $0x1;
	s10 =	sld [smem:$0x3FB2];
	_ =	sdelay $0x3  }
0x37: {  	[smem:$0x3FB2] =	sst s10  }
0x38: {  	s10 =	sld [smem:$0x3FB3]  }
0x39: {  	_ = 	snop;
	(pc) =	sbr.ind lr, $3  }
0x3a: {  	_ = 	snop  }
0x3b: {  	_ = 	snop  }
0x3c: {  	p2 =	seq.s32 s10, $0x1;
	s10 =	sld [smem:$0x3FB2]  }
0x3d: {  	_ =	shalt  }
0x3e: {  	_ =	shalt  }
0x3f: {  	_ =	shalt  }
0x40: {  	_ =	shalt  }
0x41: {  	_ =	shalt  }
0x42: {  	_ =	shalt  }
0x43: {  	_ =	shalt  }
0x44: {  	_ =	shalt  }
0x45: {  	_ =	shalt  }
0x46: {  	_ =	shalt  }
0x47: {  	_ =	shalt  }
0x48: {  	_ =	shalt  }
0x49: {  	_ =	shalt  }
0x4a: {  	_ =	shalt  }
0x4b: {  	_ =	shalt  }
0x4c: {  	_ =	shalt  }
0x4d: {  	_ =	shalt  }
0x4e: {  	_ =	shalt  }
0x4f: {  	_ =	shalt  }
0x50: {  	_ =	shalt  }
0x51: {  	_ =	shalt  }
0x52: {  	_ =	shalt  }
0x53: {  	_ =	shalt  }
0x54: {  	_ =	shalt  }
0x55: {  	_ =	shalt  }
0x56: {  	_ =	shalt  }
0x57: {  	_ =	shalt  }
0x58: {  	_ =	shalt  }
0x59: {  	_ =	shalt  }
0x5a: {  	_ =	shalt  }
0x5b: {  	_ =	shalt  }
0x5c: {  	_ =	shalt  }
0x5d: {  	_ =	shalt  }
0x5e: {  	_ =	shalt  }
0x5f: {  	_ =	shalt  }
0x60: {  	_ =	shalt  }
0x61: {  	_ =	shalt  }
0x62: {  	_ =	shalt  }
0x63: {  	_ =	shalt  }
0x64: {  	_ =	shalt  }
0x65: {  	_ =	shalt  }
0x66: {  	_ =	shalt  }
0x67: {  	_ =	shalt  }
0x68: {  	_ =	shalt  }
0x69: {  	_ =	shalt  }
0x6a: {  	_ =	shalt  }
0x6b: {  	_ =	shalt  }
0x6c: {  	_ =	shalt  }
0x6d: {  	_ =	shalt  }
0x6e: {  	_ =	shalt  }
0x6f: {  	_ =	shalt  }
0x70: {  	_ =	shalt  }
0x71: {  	_ =	shalt  }
0x72: {  	_ =	shalt  }
0x73: {  	_ =	shalt  }
0x74: {  	_ =	shalt  }
0x75: {  	_ =	shalt  }
0x76: {  	_ =	shalt  }
0x77: {  	_ =	shalt  }
0x78: {  	_ =	shalt  }
0x79: {  	_ =	shalt  }
0x7a: {  	_ =	shalt  }
0x7b: {  	_ =	shalt  }
0x7c: {  	_ =	shalt  }
0x7d: {  	_ =	shalt  }
0x7e: {  	_ =	shalt  }
0x7f: {  	_ =	shalt  }
0x80: {  	_ =	shalt  }
0x81: {  	_ =	shalt  }
0x82: {  	_ =	shalt  }
0x83: {  	_ =	shalt  }
0x84: {  	_ =	shalt  }
0x85: {  	_ =	shalt  }
0x86: {  	_ =	shalt  }
0x87: {  	_ =	shalt  }
.Lfunc_end0:
.L_simem_size_0:
called_computation_lowered:
.L_overlay_start_0:
0x88: {  	s2 =	sld [smem:$0x3FD9]  }
0x89: {  	s3 =	sld [smem:$0x3FFE];
	_ =	sdelay $0x1  }
0x8a: {  	s1 =	srdreg.scid  }
0x8b: {  	s0 =	sand.u32 $0x1, s1  }
0x8c: {  	s16 =	sshll.u32 s0, $0xA;
	s2 =	sadd.s32 s3, s2  }
0x8d: {  	s2 =	sadd.s32 s2, s16  }
0x8e: {  	[smem:$0x3FBE] =	sst s2  }
0x8f: {  	_ = 	snop  }
0x90: {  	(tm) =	ssettm $0x1  }
0x91: {  	s17 =	sld [smem:$0x3FFB];
	_ =	sdelay $0x3  }
0x92: {  	_ =	strace s17  }
0x93: {  	s2 =	sld [smem:$0x3FFC];
	_ =	sdelay $0x3  }
0x94: {  	_ =	strace s2  }
0x95: {  	s2 =	sld [smem:$0x3FFD];
	_ =	sdelay $0x3  }
0x96: {  	_ =	strace s2  }
0x97: {  	_ =	strace $0x8FFFFFFF  }
0x98: {  	s18 =	sld [smem:$0x3FDB];
	_ =	sdelay $0x1  }
0x99: {  	s19 =	simm.s32 $_scs_section_size  }
0x9a: {  	s4 =	simm.s32 $_size__tile_overlayer_lowered;
	s5 =	simm.s32 $_tile_overlayer_lowered  }
0x9b: {  	s22 =	simm.s32 $0x1BFF;
	s21 =	sshll.u32 s5, $0x1;
	s2 =	sadd.s32 s19, s18  }
0x9c: {  	s6 =	simm.s32 $0x0;
	s20 =	sshll.u32 s4, $0x1;
	s4 =	sadd.s32 s21, s2  }
0x9d: {  	[timem:s6], [sflag:s22] =	dma.local [hbm:s4], s20  }
0x9e: {  	_ =	swait.ge [sflag:s22], s20  }
0x9f: {  	s3 =	ssub.s32 $0x0, s20;
	[sflag:s22] =	ssyncset.done $0x0  }
0xa0: {  	[sflag:s22] =	ssyncadd.s32 s3;
	_ =	sdelay $0x1  }
0xa1: {  	s23 =	simm.s32 $0x1B8B  }
0xa2: {  	_ =	swait.ge [sflag:s23], $0x1  }
0xa3: {  	[sflag:s23] =	ssyncset.done $0x0  }
0xa4: {  	s25 =	simm.s32 $0x1B8E;
	s24 =	sld [smem:$0x3FFE];
	[sflag:s23] =	ssyncadd.s32 $0xFFFFFFFF  }
0xa5: {  	s26 =	simm.s32 $execute0_lowered;
	[smem:$0x3FD2] =	sst s25  }
0xa6: {  	s4 =	sshll.u32 s26, $0x1;
	_ =	strace $0x80000046;
	[dreg:$0x1] =	wrdreg $0xFFFFFFFF  }
0xa7: {  	s28 =	simm.s32 $_size_execute0_lowered;
	s2 =	sadd.s32 s2, s4;
	[dreg:$0x0] =	wrdreg $0x0  }
0xa8: {  	s4 =	sshll.u32 s28, $0x1;
	[dreg:$0x2] =	wrdreg s2  }
0xa9: {  	[dreg:$0x3] =	wrdreg s4  }
0xaa: {  	[dreg:$0x4] =	wrdreg $0xC0  }
0xab: {  	_ =	task [dreg:s6], $0x5FFFF  }
0xac: {  	[dreg:$0x1] =	wrdreg $0xFFFFFFFF  }
0xad: {  	[dreg:$0x0] =	wrdreg $0x60  }
0xae: {  	[dreg:$0x2] =	wrdreg s24  }
0xaf: {  	[dreg:$0x3] =	wrdreg $0x9  }
0xb0: {  	_ =	task.clear_ibuf [dreg:s6], $0x4FFFF;
	_ =	strace $0x90000046  }
0xb1: {  	s29 =	simm.s32 $0x9;
	_ =	strace $0x80000048  }
0xb2: {  	_ =	swait.ge [sflag:s29], $0x1  }
0xb3: {  	[sflag:s29] =	ssyncadd.s32 $0xFFFFFFFF  }
0xb4: {  	_ =	strace $0x90000048  }
0xb5: {  	_ =	sfence  }
0xb6: {  	s30 =	sld [smem:$0x0];
	_ =	sdelay $0x2  }
0xb7: {  	s31 =	sshll.u32 s1, $0xD;
	s1 =	sshrl.u32 s1, $0x2  }
0xb8: {  	s3 =	sand.u32 $0x4000, s31;
	s1 =	sadd.s32 s1, s30  }
0xb9: {  	s0 =	sor.u32 s3, s0;
	s1 =	sshll.u32 s1, $0x11  }
0xba: {  	s0 =	sor.u32 s1, s0  }
0xbb: {  	s0 =	sadd.s32 $0x8F2B, s0  }
0xbc: {  	[sflag:s0] =	ssyncadd.remote.s32 $0x1  }
0xbd: {  	_ =	sfence.sel $0xFFFF  }
0xbe: {  	[dreg:$0x0] =	wrdreg $0xFFFFFFFF;
	(pc) =	sbr.abs _section_cstart, $3  }
0xbf: {  	[dreg:$0x1] =	wrdreg $0xFFFFFFFF  }
0xc0: {  	_ =	task.clear_ibuf [dreg:s6], $0x2FFFF;
	_ =	strace $0x9FFFFFFF  }
0xc1: {  	(tm) =	ssettm $0x7FFFFFFF  }
tec
execute0_lowered:
.L_overlay_start_1:
0x0: {  	(tag) =	ssettag $0x1  }
0x1: {  	v0 =	vlaneseq.u32  }
0x2: {  	v0 =	vmul.u32 $0x80, v0;
	_ =	sdelay $0x1  }
0x3: {  	v1 =	vor.u32 $0x800, v0;
	v2 =	vor.u32 $0x1000, v0;
	v3 =	vor.u32 $0x1800, v0  }
0x4: {  	s0 =	rddreg [dreg:$0x0];
	s1 =	simm.s32 $0x0;
	v4 =	vor.u32 $0x2000, v0;
	v5 =	vor.u32 $0x2800, v0;
	v6 =	vor.u32 $0x3000, v0  }
0x5: {  	s2 =	srdreg.scid;
	s10 =	simm.s32 $0x68;
	s11 =	simm.s32 $0x6400;
	v7 =	vor.u32 $0x3800, v0;
	v8 =	vor.u32 $0x4000, v0;
	v9 =	vor.u32 $0x4800, v0  }
0x6: {  	s12 =	simm.s32 $0x6740;
	s14 =	simm.s32 $0x6468;
	s15 =	simm.s32 $0x7440;
	v10 =	vor.u32 $0x5000, v0;
	v11 =	vor.u32 $0x5800, v0;
	v12 =	vadd.s32 $0x5C00, v0  }
0x7: {  	s16 =	simm.s32 $0x64D0;
	s17 =	simm.s32 $0x8040;
	s18 =	simm.s32 $0x6538;
	v13 =	vor.u32 $0x1, v0;
	v24 =	vor.u32 $0x5801, v0;
	v25 =	vadd.s32 $0x5C01, v0  }
0x8: {  	s19 =	simm.s32 $0x8D40;
	s20 =	simm.s32 $0x65A0;
	[smem:$0x7FF] =	sst s1;
	v26 =	vor.u32 $0x2, v0;
	v27 =	vor.u32 $0x802, v0;
	v28 =	vor.u32 $0x1002, v0  }
0x9: {  	s3 =	stileid.u32;
	s9 =	simm.s32 $0x5;
	_ =	strace $0x80000047;
	v29 =	vor.u32 $0x1802, v0;
	v30 =	vor.u32 $0x2002, v0;
	[tilespmem:$0x1FF50] =	vst v13;
	v13 =	vor.u32 $0x801, v0  }
0xa: {  	s13 =	simm.s32 $0x60;
	s21 =	simm.s32 $0x9940;
	s22 =	simm.s32 $0x6608;
	v31 =	vor.u32 $0x2802, v0;
	v32 =	vor.u32 $0x3002, v0;
	[tilespmem:$0x1FF60] =	vst v13;
	v13 =	vor.u32 $0x1001, v0  }
0xb: {  	s23 =	simm.s32 $0xA640;
	s2 =	sand.u32 $0x1, s2;
	s4 =	sshll.u32 s3, $0x1;
	v33 =	vor.u32 $0x3802, v0;
	v34 =	vor.u32 $0x4002, v0;
	[tilespmem:$0x1FF70] =	vst v13;
	v13 =	vor.u32 $0x1801, v0  }
0xc: {  	s24 =	simm.s32 $0x6670;
	s28 =	simm.s32 $0xBF40;
	s4 =	sor.u32 s2, s4;
	v35 =	vor.u32 $0x4802, v0;
	v36 =	vor.u32 $0x5002, v0;
	[tilespmem:$0x1FF80] =	vst v13;
	v13 =	vor.u32 $0x2001, v0  }
0xd: {  	s29 =	simm.s32 $0x1;
	s3 =	sadd.s32 $0x1A00, s0;
	s5 =	sshll.u32 s4, $0x4;
	v37 =	vor.u32 $0x5802, v0;
	v38 =	vadd.s32 $0x5C02, v0;
	[tilespmem:$0x1FF90] =	vst v13;
	v13 =	vor.u32 $0x2801, v0  }
0xe: {  	s2 =	ssub.s32 $0x2, s2;
	s4 =	sshll.u32 s4, $0xA;
	v39 =	vor.u32 $0x3, v0;
	v40 =	vor.u32 $0x803, v0;
	s5 =	sadd.s32 s5, s0;
	[tilespmem:$0x1FFA0] =	vst v13;
	v13 =	vor.u32 $0x3001, v0  }
0xf: {  	s6 =	sshrl.u32 s2, $0x1;
	v41 =	vor.u32 $0x1003, v0;
	v42 =	vor.u32 $0x1803, v0;
	s0 =	sadd.s32 s4, s0;
	s25 =	sadd.s32 $0x15400, s5;
	[tilespmem:$0x1FFB0] =	vst v13;
	v13 =	vor.u32 $0x3801, v0  }
0x10: {  	v43 =	vor.u32 $0x2003, v0;
	v44 =	vor.u32 $0x2803, v0;
	s2 =	ssub.s32 s2, s6;
	s0 =	sadd.s32 $0x2E400, s0;
	[dreg:$0x2] =	wrdreg s25;
	[tilespmem:$0x1FFC0] =	vst v13;
	v13 =	vor.u32 $0x4001, v0  }
0x11: {  	s30 =	simm.s32 $0x2;
	v45 =	vor.u32 $0x3003, v0;
	v46 =	vor.u32 $0x3803, v0;
	s26 =	smax.u32 s2, $0x1;
	[dreg:$0x3] =	wrdreg s0;
	[tilespmem:$0x1FFD0] =	vst v13;
	v13 =	vor.u32 $0x4801, v0  }
0x12: {  	s31 =	simm.s32 $0x3;
	s7 =	simm.s32 $0x0;
	v47 =	vor.u32 $0x4003, v0;
	v48 =	vor.u32 $0x4803, v0;
	[dreg:$0x4] =	wrdreg s26;
	[tilespmem:$0x1FFE0] =	vst v13;
	v13 =	vor.u32 $0x5001, v0  }
0x13: {  	v49 =	vor.u32 $0x5003, v0;
	v50 =	vor.u32 $0x5803, v0;
	v51 =	vadd.s32 $0x5C03, v0;
	s25 =	simm.s32 $0xB240;
	s26 =	simm.s32 $0x66D8;
	s0 =	simm.s32 $0x4;
	[tilespmem:$0x1FFF0] =	vst v13  }
.LBB2_1:
0x14: {  	s2 =	rddreg [dreg:$0x2];
	s4 =	simm.s32 $0x80;
	s5 =	simm.s32 $0x1000  }
0x15: {  	[tilespmem:s1], [sflag:$0x5] =	stream.strided.gather [hbm4b:s2+s4], $0x6400, s5, s4, $0x38;
	[tilespmem:$0xEB40] =	vst v63  }
0x16: {  	_ =	swait.ge [sflag:s9], $0x6400  }
0x17: {  	[sflag:s9] =	ssyncset.done $0x0  }
0x18: {  	[sflag:s9] =	ssyncadd.s32 $0xFFFF9C00  }
0x19: {  	v13 =	vld.idx.msk [tilespmem:v0+s1+$0x0], $0xffff;
	_ =	sdelay $0x4  }
0x1a: {  	[tilespmem:$0x6400] =	vst v13  }
0x1b: {  	v13 =	vld.idx.msk [tilespmem:v1+s1+$0x0], $0xffff;
	_ =	sdelay $0x4  }
0x1c: {  	[tilespmem:$0x6410] =	vst v13  }
0x1d: {  	v13 =	vld.idx.msk [tilespmem:v2+s1+$0x0], $0xffff;
	_ =	sdelay $0x4  }
0x1e: {  	[tilespmem:$0x6420] =	vst v13  }
0x1f: {  	v13 =	vld.idx.msk [tilespmem:v3+s1+$0x0], $0xffff;
	_ =	sdelay $0x4  }
0x20: {  	[tilespmem:$0x6430] =	vst v13  }
0x21: {  	v13 =	vld.idx.msk [tilespmem:v4+s1+$0x0], $0xffff;
	_ =	sdelay $0x4  }
0x22: {  	[tilespmem:$0x6440] =	vst v13  }
0x23: {  	v13 =	vld.idx.msk [tilespmem:v5+s1+$0x0], $0xffff;
	_ =	sdelay $0x4  }
0x24: {  	[tilespmem:$0x6450] =	vst v13  }
0x25: {  	v13 =	vld.idx.msk [tilespmem:v6+s1+$0x0], $0xffff;
	_ =	sdelay $0x4  }
0x26: {  	[tilespmem:$0x6460] =	vst v13  }
0x27: {  	v13 =	vld.idx.msk [tilespmem:v7+s1+$0x0], $0xffff;
	_ =	sdelay $0x4  }
0x28: {  	[tilespmem:$0x6470] =	vst v13  }
0x29: {  	v13 =	vld.idx.msk [tilespmem:v8+s1+$0x0], $0xffff;
	_ =	sdelay $0x4  }
0x2a: {  	[tilespmem:$0x6480] =	vst v13  }
0x2b: {  	v13 =	vld.idx.msk [tilespmem:v9+s1+$0x0], $0xffff;
	_ =	sdelay $0x4  }
0x2c: {  	[tilespmem:$0x6490] =	vst v13  }
0x2d: {  	v13 =	vld.idx.msk [tilespmem:v10+s1+$0x0], $0xffff;
	_ =	sdelay $0x4  }
0x2e: {  	[tilespmem:$0x64A0] =	vst v13  }
0x2f: {  	v13 =	vld.idx.msk [tilespmem:v11+s1+$0x0], $0xffff;
	_ =	sdelay $0x4  }
0x30: {  	[tilespmem:$0x64B0] =	vst v13  }
0x31: {  	v13 =	vld.idx.msk [tilespmem:v12+s1+$0x0], $0xffff;
	_ =	sdelay $0x4  }
0x32: {  	[tilespmem:$0x64B8] =	vst v13;
	v13 =	vld [tilespmem:$0x1FF50];
	_ =	sdelay $0x4  }
0x33: {  	[tilespmem:s12], [sflag:$0x1] =	stream.indirect.gather [hbm4b:s3+s10], $0x20, s11, s10, $0xb8;
	[tilespmem:$0xEB40] =	vst v63  }
0x34: {  	_ = 	snop  }
0x35: {  	[tilespmem:s15], [sflag:$0x1] =	stream.indirect.gather [hbm4b:s3+s13], $0x20, s14, s13, $0xb8;
	[tilespmem:$0xEB40] =	vst v63  }
0x36: {  	v13 =	vld.idx.msk [tilespmem:v13+s1+$0x0], $0xffff;
	_ =	sdelay $0x4  }
0x37: {  	[tilespmem:$0x64D0] =	vst v13;
	v13 =	vld [tilespmem:$0x1FF60];
	_ =	sdelay $0x7  }
0x38: {  	v13 =	vld.idx.msk [tilespmem:v13+s1+$0x0], $0xffff;
	_ =	sdelay $0x4  }
0x39: {  	[tilespmem:$0x64E0] =	vst v13;
	v13 =	vld [tilespmem:$0x1FF70];
	_ =	sdelay $0x7  }
0x3a: {  	v13 =	vld.idx.msk [tilespmem:v13+s1+$0x0], $0xffff;
	_ =	sdelay $0x4  }
0x3b: {  	[tilespmem:$0x64F0] =	vst v13;
	v13 =	vld [tilespmem:$0x1FF80];
	_ =	sdelay $0x7  }
0x3c: {  	v13 =	vld.idx.msk [tilespmem:v13+s1+$0x0], $0xffff;
	_ =	sdelay $0x4  }
0x3d: {  	[tilespmem:$0x6500] =	vst v13;
	v13 =	vld [tilespmem:$0x1FF90];
	_ =	sdelay $0x7  }
0x3e: {  	v13 =	vld.idx.msk [tilespmem:v13+s1+$0x0], $0xffff;
	_ =	sdelay $0x4  }
0x3f: {  	[tilespmem:$0x6510] =	vst v13;
	v13 =	vld [tilespmem:$0x1FFA0];
	_ =	sdelay $0x7  }
0x40: {  	v13 =	vld.idx.msk [tilespmem:v13+s1+$0x0], $0xffff;
	_ =	sdelay $0x4  }
0x41: {  	[tilespmem:$0x6520] =	vst v13;
	v13 =	vld [tilespmem:$0x1FFB0];
	_ =	sdelay $0x7  }
0x42: {  	v13 =	vld.idx.msk [tilespmem:v13+s1+$0x0], $0xffff;
	_ =	sdelay $0x4  }
0x43: {  	[tilespmem:$0x6530] =	vst v13;
	v13 =	vld [tilespmem:$0x1FFC0];
	_ =	sdelay $0x7  }
0x44: {  	v13 =	vld.idx.msk [tilespmem:v13+s1+$0x0], $0xffff;
	_ =	sdelay $0x4  }
0x45: {  	[tilespmem:$0x6540] =	vst v13;
	v13 =	vld [tilespmem:$0x1FFD0];
	_ =	sdelay $0x7  }
0x46: {  	v13 =	vld.idx.msk [tilespmem:v13+s1+$0x0], $0xffff;
	_ =	sdelay $0x4  }
0x47: {  	[tilespmem:$0x6550] =	vst v13;
	v13 =	vld [tilespmem:$0x1FFE0];
	_ =	sdelay $0x7  }
0x48: {  	v13 =	vld.idx.msk [tilespmem:v13+s1+$0x0], $0xffff;
	_ =	sdelay $0x4  }
0x49: {  	[tilespmem:$0x6560] =	vst v13;
	v13 =	vld [tilespmem:$0x1FFF0];
	_ =	sdelay $0x7  }
0x4a: {  	v13 =	vld.idx.msk [tilespmem:v13+s1+$0x0], $0xffff;
	_ =	sdelay $0x4  }
0x4b: {  	[tilespmem:$0x6570] =	vst v13  }
0x4c: {  	v13 =	vld.idx.msk [tilespmem:v24+s1+$0x0], $0xffff;
	_ =	sdelay $0x4  }
0x4d: {  	[tilespmem:$0x6580] =	vst v13  }
0x4e: {  	v13 =	vld.idx.msk [tilespmem:v25+s1+$0x0], $0xffff;
	_ =	sdelay $0x4  }
0x4f: {  	[tilespmem:$0x6588] =	vst v13  }
0x50: {  	[tilespmem:s17], [sflag:$0x2] =	stream.indirect.gather [hbm4b:s3+s10], $0x20, s16, s10, $0xb8;
	[tilespmem:$0xEB40] =	vst v63  }
0x51: {  	_ = 	snop  }
0x52: {  	[tilespmem:s19], [sflag:$0x2] =	stream.indirect.gather [hbm4b:s3+s13], $0x20, s18, s13, $0xb8;
	[tilespmem:$0xEB40] =	vst v63  }
0x53: {  	v13 =	vld.idx.msk [tilespmem:v26+s1+$0x0], $0xffff;
	_ =	sdelay $0x4  }
0x54: {  	[tilespmem:$0x65A0] =	vst v13  }
0x55: {  	v13 =	vld.idx.msk [tilespmem:v27+s1+$0x0], $0xffff;
	_ =	sdelay $0x4  }
0x56: {  	[tilespmem:$0x65B0] =	vst v13  }
0x57: {  	v13 =	vld.idx.msk [tilespmem:v28+s1+$0x0], $0xffff;
	_ =	sdelay $0x4  }
0x58: {  	[tilespmem:$0x65C0] =	vst v13  }
0x59: {  	v13 =	vld.idx.msk [tilespmem:v29+s1+$0x0], $0xffff;
	_ =	sdelay $0x4  }
0x5a: {  	[tilespmem:$0x65D0] =	vst v13  }
0x5b: {  	v13 =	vld.idx.msk [tilespmem:v30+s1+$0x0], $0xffff;
	_ =	sdelay $0x4  }
0x5c: {  	[tilespmem:$0x65E0] =	vst v13  }
0x5d: {  	v13 =	vld.idx.msk [tilespmem:v31+s1+$0x0], $0xffff;
	_ =	sdelay $0x4  }
0x5e: {  	[tilespmem:$0x65F0] =	vst v13  }
0x5f: {  	v13 =	vld.idx.msk [tilespmem:v32+s1+$0x0], $0xffff;
	_ =	sdelay $0x4  }
0x60: {  	[tilespmem:$0x6600] =	vst v13  }
0x61: {  	v13 =	vld.idx.msk [tilespmem:v33+s1+$0x0], $0xffff;
	_ =	sdelay $0x4  }
0x62: {  	[tilespmem:$0x6610] =	vst v13  }
0x63: {  	v13 =	vld.idx.msk [tilespmem:v34+s1+$0x0], $0xffff;
	_ =	sdelay $0x4  }
0x64: {  	[tilespmem:$0x6620] =	vst v13  }
0x65: {  	v13 =	vld.idx.msk [tilespmem:v35+s1+$0x0], $0xffff;
	_ =	sdelay $0x4  }
0x66: {  	[tilespmem:$0x6630] =	vst v13  }
0x67: {  	v13 =	vld.idx.msk [tilespmem:v36+s1+$0x0], $0xffff;
	_ =	sdelay $0x4  }
0x68: {  	[tilespmem:$0x6640] =	vst v13  }
0x69: {  	v13 =	vld.idx.msk [tilespmem:v37+s1+$0x0], $0xffff;
	_ =	sdelay $0x4  }
0x6a: {  	[tilespmem:$0x6650] =	vst v13  }
0x6b: {  	v13 =	vld.idx.msk [tilespmem:v38+s1+$0x0], $0xffff;
	_ =	sdelay $0x4  }
0x6c: {  	[tilespmem:$0x6658] =	vst v13  }
0x6d: {  	[tilespmem:s21], [sflag:$0x3] =	stream.indirect.gather [hbm4b:s3+s10], $0x20, s20, s10, $0xb8;
	[tilespmem:$0xEB40] =	vst v63  }
0x6e: {  	_ = 	snop  }
0x6f: {  	[tilespmem:s23], [sflag:$0x3] =	stream.indirect.gather [hbm4b:s3+s13], $0x20, s22, s13, $0xb8;
	[tilespmem:$0xEB40] =	vst v63  }
0x70: {  	v13 =	vld.idx.msk [tilespmem:v39+s1+$0x0], $0xffff;
	_ =	sdelay $0x4  }
0x71: {  	[tilespmem:$0x6670] =	vst v13  }
0x72: {  	v13 =	vld.idx.msk [tilespmem:v40+s1+$0x0], $0xffff;
	_ =	sdelay $0x4  }
0x73: {  	[tilespmem:$0x6680] =	vst v13  }
0x74: {  	v13 =	vld.idx.msk [tilespmem:v41+s1+$0x0], $0xffff;
	_ =	sdelay $0x4  }
0x75: {  	[tilespmem:$0x6690] =	vst v13  }
0x76: {  	v13 =	vld.idx.msk [tilespmem:v42+s1+$0x0], $0xffff;
	_ =	sdelay $0x4  }
0x77: {  	[tilespmem:$0x66A0] =	vst v13  }
0x78: {  	v13 =	vld.idx.msk [tilespmem:v43+s1+$0x0], $0xffff;
	_ =	sdelay $0x4  }
0x79: {  	[tilespmem:$0x66B0] =	vst v13  }
0x7a: {  	v13 =	vld.idx.msk [tilespmem:v44+s1+$0x0], $0xffff;
	_ =	sdelay $0x4  }
0x7b: {  	[tilespmem:$0x66C0] =	vst v13  }
0x7c: {  	v13 =	vld.idx.msk [tilespmem:v45+s1+$0x0], $0xffff;
	_ =	sdelay $0x4  }
0x7d: {  	[tilespmem:$0x66D0] =	vst v13  }
0x7e: {  	v13 =	vld.idx.msk [tilespmem:v46+s1+$0x0], $0xffff;
	_ =	sdelay $0x4  }
0x7f: {  	[tilespmem:$0x66E0] =	vst v13  }
0x80: {  	v13 =	vld.idx.msk [tilespmem:v47+s1+$0x0], $0xffff;
	_ =	sdelay $0x4  }
0x81: {  	[tilespmem:$0x66F0] =	vst v13  }
0x82: {  	v13 =	vld.idx.msk [tilespmem:v48+s1+$0x0], $0xffff;
	_ =	sdelay $0x4  }
0x83: {  	[tilespmem:$0x6700] =	vst v13  }
0x84: {  	v13 =	vld.idx.msk [tilespmem:v49+s1+$0x0], $0xffff;
	_ =	sdelay $0x4  }
0x85: {  	[tilespmem:$0x6710] =	vst v13  }
0x86: {  	v13 =	vld.idx.msk [tilespmem:v50+s1+$0x0], $0xffff;
	_ =	sdelay $0x4  }
0x87: {  	[tilespmem:$0x6720] =	vst v13  }
0x88: {  	v13 =	vld.idx.msk [tilespmem:v51+s1+$0x0], $0xffff;
	_ =	sdelay $0x4  }
0x89: {  	[tilespmem:$0x6728] =	vst v13  }
0x8a: {  	[tilespmem:s25], [sflag:$0x4] =	stream.indirect.gather [hbm4b:s3+s10], $0x20, s24, s10, $0xb8;
	[tilespmem:$0xEB40] =	vst v63  }
0x8b: {  	s8 =	simm.s32 $0x0  }
0x8c: {  	[tilespmem:s28], [sflag:$0x4] =	stream.indirect.gather [hbm4b:s3+s13], $0x20, s26, s13, $0xb8;
	[tilespmem:$0xEB40] =	vst v63  }
.LBB2_2:
0x8d: {  	_ =	swait.ge [sflag:s29], $0x1900  }
0x8e: {  	[sflag:s29] =	ssyncset.done $0x0  }
0x8f: {  	s2 =	simm.s32 $0x0;
	[sflag:s29] =	ssyncadd.s32 $0xFFFFE700  }
0x90: {  	v52 =	vld [tilespmem:s2+$0x67C0]  }
0x91: {  	v53 =	vld [tilespmem:s2+$0x67E0]  }
0x92: {  	v54 =	vld [tilespmem:s2+$0x6800]  }
0x93: {  	v60 =	vld [tilespmem:s2+$0x6820]  }
0x94: {  	v61 =	vld [tilespmem:s2+$0x67D0]  }
0x95: {  	v62 =	vld [tilespmem:s2+$0x67F0]  }
0x96: {  	v55 =	vld [tilespmem:s2+$0x6810]  }
0x97: {  	v63 =	vld [tilespmem:s2+$0x6740]  }
0x98: {  	v13 =	vld [tilespmem:s2+$0x6760]  }
0x99: {  	v14 =	vld [tilespmem:s2+$0x6780]  }
0x9a: {  	v15 =	vld [tilespmem:s2+$0x67A0]  }
0x9b: {  	v16 =	vld [tilespmem:s2+$0x6750]  }
0x9c: {  	v17 =	vld [tilespmem:s2+$0x6770]  }
0x9d: {  	v56 =	vimm.f32 $0.0e+00;
	v18 =	vld [tilespmem:s2+$0x6790]  }
0x9e: {  	s4 =	simm.s32 $0x400;
	v57 =	vimm.f32 $0.0e+00;
	v58 =	vimm.f32 $0.0e+00;
	v59 =	vimm.f32 $0.0e+00;
	v19 =	vld [tilespmem:s2+$0x67B0]  }
.LBB2_3:
0x9f: {  	p0 =	sne.s32 s4, $0x6000;
	v20 =	vld [tilespmem:s2+$0x6830];
	s2 =	sshra.s32 s4, $0x2  }
0xa0: {  	v21 =	vadd.bf16 v53, v52;
	v52 =	vld [tilespmem:s2+$0x67C0]  }
0xa1: {  	v22 =	vadd.bf16 v60, v54;
	v23 =	vadd.bf16 v62, v61;
	v53 =	vld [tilespmem:s2+$0x67E0]  }
0xa2: {  	v13 =	vadd.bf16 v13, v63;
	v14 =	vadd.bf16 v15, v14;
	v54 =	vld [tilespmem:s2+$0x6800]  }
0xa3: {  	v15 =	vadd.bf16 v17, v16;
	v60 =	vld [tilespmem:s2+$0x6820];
	v16 =	vadd.bf16 v19, v18  }
0xa4: {  	v17 =	vadd.bf16 v22, v21;
	v61 =	vld [tilespmem:s2+$0x67D0];
	v18 =	vadd.bf16 v20, v55  }
0xa5: {  	v13 =	vadd.bf16 v14, v13;
	v62 =	vld [tilespmem:s2+$0x67F0];
	v14 =	vadd.bf16 v16, v15  }
0xa6: {  	v55 =	vld [tilespmem:s2+$0x6810];
	v16 =	vadd.bf16 v18, v23;
	v18 =	vunpack.i.u.bf16.f32 v17;
	v17 =	vunpack.i.l.bf16.f32 v17  }
0xa7: {  	v19 =	vunpack.i.l.bf16.f32 v13;
	v15 =	vunpack.i.u.bf16.f32 v13;
	v63 =	vld [tilespmem:s2+$0x6740];
	v20 =	vunpack.i.u.bf16.f32 v14  }
0xa8: {  	v19 =	vadd.f32 v19, v56;
	v22 =	vadd.f32 v15, v57;
	v21 =	vunpack.i.l.bf16.f32 v14;
	v13 =	vld [tilespmem:s2+$0x6760]  }
0xa9: {  	v21 =	vadd.f32 v21, v58;
	v20 =	vadd.f32 v20, v59;
	v23 =	vunpack.i.u.bf16.f32 v16;
	v14 =	vld [tilespmem:s2+$0x6780]  }
.Ltmp0:
0xaa: {  	v56 =	vadd.f32 v17, v19;
	v58 =	vunpack.i.l.bf16.f32 v16;
	v57 =	vadd.f32 v18, v22;
	v15 =	vld [tilespmem:s2+$0x67A0];
	(pc) =	sbr.rel @p0 .LBB2_3-.Ltmp0, $4  }
0xab: {  	v58 =	vadd.f32 v58, v21;
	v59 =	vadd.f32 v23, v20;
	v16 =	vld [tilespmem:s2+$0x6750]  }
0xac: {  	v17 =	vld [tilespmem:s2+$0x6770]  }
0xad: {  	v18 =	vld [tilespmem:s2+$0x6790]  }
0xae: {  	s4 =	sadd.s32 $0x400, s4;
	v19 =	vld [tilespmem:s2+$0x67B0]  }
0xaf: {  	_ = 	snop  }
0xb0: {  	v20 =	vld [tilespmem:s2+$0x6830];
	_ =	sdelay $0x1  }
0xb1: {  	v13 =	vadd.bf16 v13, v63;
	v14 =	vadd.bf16 v15, v14  }
0xb2: {  	v15 =	vadd.bf16 v17, v16;
	v16 =	vadd.bf16 v19, v18  }
0xb3: {  	v23 =	vadd.bf16 v62, v61;
	v13 =	vadd.bf16 v14, v13  }
0xb4: {  	v18 =	vadd.bf16 v20, v55;
	v14 =	vadd.bf16 v16, v15;
	_ =	sdelay $0x1  }
0xb5: {  	v15 =	vadd.bf16 v18, v23;
	v19 =	vunpack.i.u.bf16.f32 v14;
	v14 =	vunpack.i.l.bf16.f32 v14  }
0xb6: {  	p0 =	seq.s32 s8, $0x1F;
	s4 =	sshll.u32 s8, $0x2;
	v14 =	vadd.f32 v14, v58  }
0xb7: {  	s2 =	sadd.s32 @!p0 $0x4, s4;
	v20 =	vunpack.i.u.bf16.f32 v15;
	v15 =	vunpack.i.l.bf16.f32 v15  }
0xb8: {  	v63 =	vadd.f32 v15, v14;
	v14 =	vmov @!p0 s2  }
0xb9: {  	v14 =	vand.u32 @!p0 $0xFC, v14  }
0xba: {  	v15 =	vadd.s32 @!p0 v0, v14  }
0xbb: {  	v21 =	vadd.bf16 v53, v52;
	v22 =	vadd.bf16 v60, v54;
	_ =	sdelay $0x1  }
0xbc: {  	v17 =	vadd.bf16 v22, v21;
	v18 =	vunpack.i.u.bf16.f32 v13  }
0xbd: {  	v18 =	vadd.f32 v18, v57  }
0xbe: {  	v16 =	vunpack.i.u.bf16.f32 v17;
	v15 =	vld.idx.msk @!p0 [tilespmem:v15+s1+$0x0], $0xffff  }
0xbf: {  	v62 =	vadd.f32 v16, v18;
	v16 =	vadd.s32 @!p0 v1, v14;
	_ =	sdelay $0x3  }
0xc0: {  	[tilespmem:$0x6400] =	vst @!p0 v15  }
0xc1: {  	v15 =	vld.idx.msk @!p0 [tilespmem:v16+s1+$0x0], $0xffff  }
0xc2: {  	v16 =	vadd.s32 @!p0 v2, v14;
	_ =	sdelay $0x3  }
0xc3: {  	[tilespmem:$0x6410] =	vst @!p0 v15  }
0xc4: {  	v15 =	vld.idx.msk @!p0 [tilespmem:v16+s1+$0x0], $0xffff  }
0xc5: {  	v16 =	vadd.s32 @!p0 v3, v14;
	_ =	sdelay $0x3  }
0xc6: {  	[tilespmem:$0x6420] =	vst @!p0 v15  }
0xc7: {  	v15 =	vld.idx.msk @!p0 [tilespmem:v16+s1+$0x0], $0xffff  }
0xc8: {  	v16 =	vadd.s32 @!p0 v4, v14;
	_ =	sdelay $0x3  }
0xc9: {  	[tilespmem:$0x6430] =	vst @!p0 v15  }
0xca: {  	v15 =	vld.idx.msk @!p0 [tilespmem:v16+s1+$0x0], $0xffff  }
0xcb: {  	v16 =	vadd.s32 @!p0 v5, v14;
	_ =	sdelay $0x3  }
0xcc: {  	[tilespmem:$0x6440] =	vst @!p0 v15  }
0xcd: {  	v15 =	vld.idx.msk @!p0 [tilespmem:v16+s1+$0x0], $0xffff  }
0xce: {  	v16 =	vadd.s32 @!p0 v6, v14;
	_ =	sdelay $0x3  }
0xcf: {  	[tilespmem:$0x6450] =	vst @!p0 v15  }
0xd0: {  	v15 =	vld.idx.msk @!p0 [tilespmem:v16+s1+$0x0], $0xffff  }
0xd1: {  	v16 =	vadd.s32 @!p0 v7, v14;
	_ =	sdelay $0x3  }
0xd2: {  	[tilespmem:$0x6460] =	vst @!p0 v15  }
0xd3: {  	v15 =	vld.idx.msk @!p0 [tilespmem:v16+s1+$0x0], $0xffff  }
0xd4: {  	v16 =	vadd.s32 @!p0 v8, v14;
	_ =	sdelay $0x3  }
0xd5: {  	[tilespmem:$0x6470] =	vst @!p0 v15  }
0xd6: {  	v15 =	vld.idx.msk @!p0 [tilespmem:v16+s1+$0x0], $0xffff  }
0xd7: {  	v16 =	vadd.s32 @!p0 v9, v14;
	_ =	sdelay $0x3  }
0xd8: {  	[tilespmem:$0x6480] =	vst @!p0 v15  }
0xd9: {  	v15 =	vld.idx.msk @!p0 [tilespmem:v16+s1+$0x0], $0xffff  }
0xda: {  	v16 =	vadd.s32 @!p0 v10, v14;
	_ =	sdelay $0x3  }
0xdb: {  	[tilespmem:$0x6490] =	vst @!p0 v15  }
0xdc: {  	v15 =	vld.idx.msk @!p0 [tilespmem:v16+s1+$0x0], $0xffff  }
0xdd: {  	v16 =	vadd.s32 @!p0 v11, v14;
	_ =	sdelay $0x3  }
0xde: {  	[tilespmem:$0x64A0] =	vst @!p0 v15  }
0xdf: {  	v15 =	vld.idx.msk @!p0 [tilespmem:v16+s1+$0x0], $0xffff  }
0xe0: {  	v14 =	vadd.s32 @!p0 v12, v14;
	_ =	sdelay $0x3  }
0xe1: {  	[tilespmem:$0x64B0] =	vst @!p0 v15  }
0xe2: {  	v14 =	vld.idx.msk @!p0 [tilespmem:v14+s1+$0x0], $0xffff;
	_ =	sdelay $0x1  }
0xe3: {  	v13 =	vunpack.i.l.bf16.f32 v13  }
0xe4: {  	v13 =	vadd.f32 v13, v56  }
0xe5: {  	v17 =	vunpack.i.l.bf16.f32 v17  }
0xe6: {  	s6 =	sshll.u32 s8, $0x8;
	v19 =	vadd.f32 v19, v59;
	v61 =	vadd.f32 v17, v13;
	[tilespmem:$0x64B8] =	vst @!p0 v14  }
0xe7: {  	[tilespmem:s12], [sflag:$0x1] =	stream.indirect.gather @!p0 [hbm4b:s3+s10], $0x20, s11, s10, $0xb8;
	[tilespmem:$0xEB40] =	vst v63  }
0xe8: {  	v13 =	vadd.f32 v20, v19;
	s2 =	sand.u32 $0x3FFFFF00, s6;
	v14 =	vmul.f32 $4.999999890e-03, v61  }
0xe9: {  	v15 =	vmul.f32 $4.999999890e-03, v62;
	[tilespmem:s15], [sflag:$0x1] =	stream.indirect.gather @!p0 [hbm4b:s3+s13], $0x20, s14, s13, $0xb8;
	[tilespmem:$0xEB40] =	vst v63  }
0xea: {  	v13 =	vmul.f32 $4.999999890e-03, v13;
	[tilespmem:s2+$0xCB40] =	vst v14  }
0xeb: {  	v14 =	vmul.f32 $4.999999890e-03, v63;
	[tilespmem:s2+$0xCB50] =	vst v15  }
0xec: {  	[tilespmem:s2+$0xCB70] =	vst v13  }
0xed: {  	[tilespmem:s2+$0xCB60] =	vst v14  }
0xee: {  	_ =	swait.ge [sflag:s30], $0x1900  }
0xef: {  	[sflag:s30] =	ssyncset.done $0x0  }
0xf0: {  	s5 =	simm.s32 $0x0;
	[sflag:s30] =	ssyncadd.s32 $0xFFFFE700  }
0xf1: {  	v52 =	vld [tilespmem:s5+$0x80C0]  }
0xf2: {  	v53 =	vld [tilespmem:s5+$0x80E0]  }
0xf3: {  	v54 =	vld [tilespmem:s5+$0x8100]  }
0xf4: {  	v60 =	vld [tilespmem:s5+$0x8120]  }
0xf5: {  	v61 =	vld [tilespmem:s5+$0x80D0]  }
0xf6: {  	v62 =	vld [tilespmem:s5+$0x80F0]  }
0xf7: {  	v55 =	vld [tilespmem:s5+$0x8110]  }
0xf8: {  	v63 =	vld [tilespmem:s5+$0x8040]  }
0xf9: {  	v13 =	vld [tilespmem:s5+$0x8060]  }
0xfa: {  	v14 =	vld [tilespmem:s5+$0x8080]  }
0xfb: {  	v15 =	vld [tilespmem:s5+$0x80A0]  }
0xfc: {  	v16 =	vld [tilespmem:s5+$0x8050]  }
0xfd: {  	v17 =	vld [tilespmem:s5+$0x8070]  }
0xfe: {  	v56 =	vimm.f32 $0.0e+00;
	v18 =	vld [tilespmem:s5+$0x8090]  }
0xff: {  	v57 =	vimm.f32 $0.0e+00;
	v58 =	vimm.f32 $0.0e+00;
	v59 =	vimm.f32 $0.0e+00;
	s6 =	simm.s32 $0x400;
	v19 =	vld [tilespmem:s5+$0x80B0]  }
.LBB2_5:
0x100: {  	p1 =	sne.s32 s6, $0x6000;
	v20 =	vld [tilespmem:s5+$0x8130];
	s5 =	sshra.s32 s6, $0x2  }
0x101: {  	v21 =	vadd.bf16 v53, v52;
	v52 =	vld [tilespmem:s5+$0x80C0]  }
0x102: {  	v22 =	vadd.bf16 v60, v54;
	v23 =	vadd.bf16 v62, v61;
	v53 =	vld [tilespmem:s5+$0x80E0]  }
0x103: {  	v13 =	vadd.bf16 v13, v63;
	v14 =	vadd.bf16 v15, v14;
	v54 =	vld [tilespmem:s5+$0x8100]  }
0x104: {  	v15 =	vadd.bf16 v17, v16;
	v60 =	vld [tilespmem:s5+$0x8120];
	v16 =	vadd.bf16 v19, v18  }
0x105: {  	v17 =	vadd.bf16 v22, v21;
	v61 =	vld [tilespmem:s5+$0x80D0];
	v18 =	vadd.bf16 v20, v55  }
0x106: {  	v13 =	vadd.bf16 v14, v13;
	v62 =	vld [tilespmem:s5+$0x80F0];
	v14 =	vadd.bf16 v16, v15  }
0x107: {  	v55 =	vld [tilespmem:s5+$0x8110];
	v16 =	vadd.bf16 v18, v23;
	v18 =	vunpack.i.u.bf16.f32 v17;
	v17 =	vunpack.i.l.bf16.f32 v17  }
0x108: {  	v19 =	vunpack.i.l.bf16.f32 v13;
	v15 =	vunpack.i.u.bf16.f32 v13;
	v63 =	vld [tilespmem:s5+$0x8040];
	v20 =	vunpack.i.u.bf16.f32 v14  }
0x109: {  	v19 =	vadd.f32 v19, v56;
	v22 =	vadd.f32 v15, v57;
	v21 =	vunpack.i.l.bf16.f32 v14;
	v13 =	vld [tilespmem:s5+$0x8060]  }
0x10a: {  	v21 =	vadd.f32 v21, v58;
	v20 =	vadd.f32 v20, v59;
	v23 =	vunpack.i.u.bf16.f32 v16;
	v14 =	vld [tilespmem:s5+$0x8080]  }
.Ltmp1:
0x10b: {  	v56 =	vadd.f32 v17, v19;
	v58 =	vunpack.i.l.bf16.f32 v16;
	v57 =	vadd.f32 v18, v22;
	v15 =	vld [tilespmem:s5+$0x80A0];
	(pc) =	sbr.rel @p1 .LBB2_5-.Ltmp1, $4  }
0x10c: {  	v58 =	vadd.f32 v58, v21;
	v59 =	vadd.f32 v23, v20;
	v16 =	vld [tilespmem:s5+$0x8050]  }
0x10d: {  	v17 =	vld [tilespmem:s5+$0x8070]  }
0x10e: {  	v18 =	vld [tilespmem:s5+$0x8090]  }
0x10f: {  	s6 =	sadd.s32 $0x400, s6;
	v19 =	vld [tilespmem:s5+$0x80B0]  }
0x110: {  	_ = 	snop  }
0x111: {  	v20 =	vld [tilespmem:s5+$0x8130];
	_ =	sdelay $0x1  }
0x112: {  	v13 =	vadd.bf16 v13, v63;
	v14 =	vadd.bf16 v15, v14  }
0x113: {  	v15 =	vadd.bf16 v17, v16;
	v16 =	vadd.bf16 v19, v18  }
0x114: {  	v23 =	vadd.bf16 v62, v61;
	v13 =	vadd.bf16 v14, v13  }
0x115: {  	v18 =	vadd.bf16 v20, v55;
	v14 =	vadd.bf16 v16, v15  }
0x116: {  	v21 =	vadd.bf16 v53, v52;
	v22 =	vadd.bf16 v60, v54  }
0x117: {  	v15 =	vadd.bf16 v18, v23;
	v19 =	vunpack.i.u.bf16.f32 v14;
	v14 =	vunpack.i.l.bf16.f32 v14  }
0x118: {  	v17 =	vadd.bf16 v22, v21;
	v14 =	vadd.f32 v14, v58  }
0x119: {  	s5 =	sadd.s32 @!p0 $0x5, s4;
	v18 =	vunpack.i.u.bf16.f32 v13;
	v20 =	vunpack.i.u.bf16.f32 v15;
	v15 =	vunpack.i.l.bf16.f32 v15  }
0x11a: {  	v18 =	vadd.f32 v18, v57;
	v14 =	vadd.f32 v15, v14;
	v15 =	vmov @!p0 s5  }
0x11b: {  	v16 =	vunpack.i.u.bf16.f32 v17;
	v15 =	vand.u32 @!p0 $0xFD, v15  }
0x11c: {  	v63 =	vadd.f32 v16, v18;
	v16 =	vadd.s32 @!p0 v0, v15;
	_ =	sdelay $0x2  }
0x11d: {  	v13 =	vunpack.i.l.bf16.f32 v13  }
0x11e: {  	v13 =	vadd.f32 v13, v56  }
0x11f: {  	v17 =	vunpack.i.l.bf16.f32 v17;
	v16 =	vld.idx.msk @!p0 [tilespmem:v16+s1+$0x0], $0xffff  }
0x120: {  	v62 =	vadd.f32 v17, v13;
	v17 =	vadd.s32 @!p0 v1, v15;
	_ =	sdelay $0x3  }
0x121: {  	[tilespmem:$0x64D0] =	vst @!p0 v16  }
0x122: {  	v16 =	vld.idx.msk @!p0 [tilespmem:v17+s1+$0x0], $0xffff  }
0x123: {  	v17 =	vadd.s32 @!p0 v2, v15;
	_ =	sdelay $0x3  }
0x124: {  	[tilespmem:$0x64E0] =	vst @!p0 v16  }
0x125: {  	v16 =	vld.idx.msk @!p0 [tilespmem:v17+s1+$0x0], $0xffff  }
0x126: {  	v17 =	vadd.s32 @!p0 v3, v15;
	_ =	sdelay $0x3  }
0x127: {  	[tilespmem:$0x64F0] =	vst @!p0 v16  }
0x128: {  	v16 =	vld.idx.msk @!p0 [tilespmem:v17+s1+$0x0], $0xffff  }
0x129: {  	v17 =	vadd.s32 @!p0 v4, v15;
	_ =	sdelay $0x3  }
0x12a: {  	[tilespmem:$0x6500] =	vst @!p0 v16  }
0x12b: {  	v16 =	vld.idx.msk @!p0 [tilespmem:v17+s1+$0x0], $0xffff  }
0x12c: {  	v17 =	vadd.s32 @!p0 v5, v15;
	_ =	sdelay $0x3  }
0x12d: {  	[tilespmem:$0x6510] =	vst @!p0 v16  }
0x12e: {  	v16 =	vld.idx.msk @!p0 [tilespmem:v17+s1+$0x0], $0xffff  }
0x12f: {  	v17 =	vadd.s32 @!p0 v6, v15;
	_ =	sdelay $0x3  }
0x130: {  	[tilespmem:$0x6520] =	vst @!p0 v16  }
0x131: {  	v16 =	vld.idx.msk @!p0 [tilespmem:v17+s1+$0x0], $0xffff  }
0x132: {  	v17 =	vadd.s32 @!p0 v7, v15;
	_ =	sdelay $0x3  }
0x133: {  	[tilespmem:$0x6530] =	vst @!p0 v16  }
0x134: {  	v16 =	vld.idx.msk @!p0 [tilespmem:v17+s1+$0x0], $0xffff  }
0x135: {  	v17 =	vadd.s32 @!p0 v8, v15;
	_ =	sdelay $0x3  }
0x136: {  	[tilespmem:$0x6540] =	vst @!p0 v16  }
0x137: {  	v16 =	vld.idx.msk @!p0 [tilespmem:v17+s1+$0x0], $0xffff  }
0x138: {  	v17 =	vadd.s32 @!p0 v9, v15;
	_ =	sdelay $0x3  }
0x139: {  	[tilespmem:$0x6550] =	vst @!p0 v16  }
0x13a: {  	v16 =	vld.idx.msk @!p0 [tilespmem:v17+s1+$0x0], $0xffff  }
0x13b: {  	v17 =	vadd.s32 @!p0 v10, v15;
	_ =	sdelay $0x3  }
0x13c: {  	[tilespmem:$0x6560] =	vst @!p0 v16  }
0x13d: {  	v16 =	vld.idx.msk @!p0 [tilespmem:v17+s1+$0x0], $0xffff  }
0x13e: {  	v17 =	vadd.s32 @!p0 v11, v15;
	_ =	sdelay $0x3  }
0x13f: {  	[tilespmem:$0x6570] =	vst @!p0 v16  }
0x140: {  	v16 =	vld.idx.msk @!p0 [tilespmem:v17+s1+$0x0], $0xffff  }
0x141: {  	v15 =	vadd.s32 @!p0 v12, v15;
	_ =	sdelay $0x3  }
0x142: {  	[tilespmem:$0x6580] =	vst @!p0 v16  }
0x143: {  	v15 =	vld.idx.msk @!p0 [tilespmem:v15+s1+$0x0], $0xffff;
	_ =	sdelay $0x4  }
0x144: {  	[tilespmem:$0x6588] =	vst @!p0 v15  }
0x145: {  	v19 =	vadd.f32 v19, v59;
	[tilespmem:s17], [sflag:$0x2] =	stream.indirect.gather @!p0 [hbm4b:s3+s10], $0x20, s16, s10, $0xb8;
	[tilespmem:$0xEB40] =	vst v63  }
0x146: {  	v15 =	vmul.f32 $4.999999890e-03, v62  }
0x147: {  	v13 =	vadd.f32 v20, v19;
	v16 =	vmul.f32 $4.999999890e-03, v63;
	[tilespmem:s19], [sflag:$0x2] =	stream.indirect.gather @!p0 [hbm4b:s3+s13], $0x20, s18, s13, $0xb8;
	[tilespmem:$0xEB40] =	vst v63  }
0x148: {  	v14 =	vmul.f32 $4.999999890e-03, v14;
	[tilespmem:s2+$0xCB80] =	vst v15  }
0x149: {  	v13 =	vmul.f32 $4.999999890e-03, v13;
	[tilespmem:s2+$0xCB90] =	vst v16  }
0x14a: {  	[tilespmem:s2+$0xCBA0] =	vst v14  }
0x14b: {  	[tilespmem:s2+$0xCBB0] =	vst v13  }
0x14c: {  	_ =	swait.ge [sflag:s31], $0x1900  }
0x14d: {  	[sflag:s31] =	ssyncset.done $0x0  }
0x14e: {  	s5 =	simm.s32 $0x0;
	[sflag:s31] =	ssyncadd.s32 $0xFFFFE700  }
0x14f: {  	v52 =	vld [tilespmem:s5+$0x99C0]  }
0x150: {  	v53 =	vld [tilespmem:s5+$0x99E0]  }
0x151: {  	v54 =	vld [tilespmem:s5+$0x9A00]  }
0x152: {  	v60 =	vld [tilespmem:s5+$0x9A20]  }
0x153: {  	v61 =	vld [tilespmem:s5+$0x99D0]  }
0x154: {  	v62 =	vld [tilespmem:s5+$0x99F0]  }
0x155: {  	v55 =	vld [tilespmem:s5+$0x9A10]  }
0x156: {  	v63 =	vld [tilespmem:s5+$0x9940]  }
0x157: {  	v13 =	vld [tilespmem:s5+$0x9960]  }
0x158: {  	v14 =	vld [tilespmem:s5+$0x9980]  }
0x159: {  	v15 =	vld [tilespmem:s5+$0x99A0]  }
0x15a: {  	v16 =	vld [tilespmem:s5+$0x9950]  }
0x15b: {  	v17 =	vld [tilespmem:s5+$0x9970]  }
0x15c: {  	v56 =	vimm.f32 $0.0e+00;
	v18 =	vld [tilespmem:s5+$0x9990]  }
0x15d: {  	s6 =	simm.s32 $0x400;
	v57 =	vimm.f32 $0.0e+00;
	v58 =	vimm.f32 $0.0e+00;
	v59 =	vimm.f32 $0.0e+00;
	v19 =	vld [tilespmem:s5+$0x99B0]  }
.LBB2_7:
0x15e: {  	p1 =	sne.s32 s6, $0x6000;
	v20 =	vld [tilespmem:s5+$0x9A30];
	s5 =	sshra.s32 s6, $0x2  }
0x15f: {  	v21 =	vadd.bf16 v53, v52;
	v52 =	vld [tilespmem:s5+$0x99C0]  }
0x160: {  	v22 =	vadd.bf16 v60, v54;
	v23 =	vadd.bf16 v62, v61;
	v53 =	vld [tilespmem:s5+$0x99E0]  }
0x161: {  	v13 =	vadd.bf16 v13, v63;
	v14 =	vadd.bf16 v15, v14;
	v54 =	vld [tilespmem:s5+$0x9A00]  }
0x162: {  	v15 =	vadd.bf16 v17, v16;
	v60 =	vld [tilespmem:s5+$0x9A20];
	v16 =	vadd.bf16 v19, v18  }
0x163: {  	v17 =	vadd.bf16 v22, v21;
	v61 =	vld [tilespmem:s5+$0x99D0];
	v18 =	vadd.bf16 v20, v55  }
0x164: {  	v13 =	vadd.bf16 v14, v13;
	v62 =	vld [tilespmem:s5+$0x99F0];
	v14 =	vadd.bf16 v16, v15  }
0x165: {  	v55 =	vld [tilespmem:s5+$0x9A10];
	v16 =	vadd.bf16 v18, v23;
	v18 =	vunpack.i.u.bf16.f32 v17;
	v17 =	vunpack.i.l.bf16.f32 v17  }
0x166: {  	v19 =	vunpack.i.l.bf16.f32 v13;
	v15 =	vunpack.i.u.bf16.f32 v13;
	v63 =	vld [tilespmem:s5+$0x9940];
	v20 =	vunpack.i.u.bf16.f32 v14  }
0x167: {  	v19 =	vadd.f32 v19, v56;
	v22 =	vadd.f32 v15, v57;
	v21 =	vunpack.i.l.bf16.f32 v14;
	v13 =	vld [tilespmem:s5+$0x9960]  }
0x168: {  	v21 =	vadd.f32 v21, v58;
	v20 =	vadd.f32 v20, v59;
	v23 =	vunpack.i.u.bf16.f32 v16;
	v14 =	vld [tilespmem:s5+$0x9980]  }
.Ltmp2:
0x169: {  	v56 =	vadd.f32 v17, v19;
	v58 =	vunpack.i.l.bf16.f32 v16;
	v57 =	vadd.f32 v18, v22;
	v15 =	vld [tilespmem:s5+$0x99A0];
	(pc) =	sbr.rel @p1 .LBB2_7-.Ltmp2, $4  }
0x16a: {  	v58 =	vadd.f32 v58, v21;
	v59 =	vadd.f32 v23, v20;
	v16 =	vld [tilespmem:s5+$0x9950]  }
0x16b: {  	v17 =	vld [tilespmem:s5+$0x9970]  }
0x16c: {  	v18 =	vld [tilespmem:s5+$0x9990]  }
0x16d: {  	s6 =	sadd.s32 $0x400, s6;
	v19 =	vld [tilespmem:s5+$0x99B0]  }
0x16e: {  	_ = 	snop  }
0x16f: {  	v20 =	vld [tilespmem:s5+$0x9A30];
	_ =	sdelay $0x1  }
0x170: {  	v13 =	vadd.bf16 v13, v63;
	v14 =	vadd.bf16 v15, v14  }
0x171: {  	v15 =	vadd.bf16 v17, v16;
	v16 =	vadd.bf16 v19, v18  }
0x172: {  	v23 =	vadd.bf16 v62, v61;
	v13 =	vadd.bf16 v14, v13  }
0x173: {  	v18 =	vadd.bf16 v20, v55;
	v14 =	vadd.bf16 v16, v15  }
0x174: {  	v21 =	vadd.bf16 v53, v52;
	v22 =	vadd.bf16 v60, v54  }
0x175: {  	v15 =	vadd.bf16 v18, v23;
	v19 =	vunpack.i.u.bf16.f32 v14;
	v14 =	vunpack.i.l.bf16.f32 v14  }
0x176: {  	v17 =	vadd.bf16 v22, v21;
	v14 =	vadd.f32 v14, v58  }
0x177: {  	s5 =	sadd.s32 @!p0 $0x6, s4;
	v18 =	vunpack.i.u.bf16.f32 v13;
	v20 =	vunpack.i.u.bf16.f32 v15;
	v15 =	vunpack.i.l.bf16.f32 v15  }
0x178: {  	v18 =	vadd.f32 v18, v57;
	v14 =	vadd.f32 v15, v14;
	v15 =	vmov @!p0 s5  }
0x179: {  	v16 =	vunpack.i.u.bf16.f32 v17;
	v15 =	vand.u32 @!p0 $0xFE, v15  }
0x17a: {  	v63 =	vadd.f32 v16, v18;
	v16 =	vadd.s32 @!p0 v0, v15;
	_ =	sdelay $0x2  }
0x17b: {  	v13 =	vunpack.i.l.bf16.f32 v13  }
0x17c: {  	v13 =	vadd.f32 v13, v56  }
0x17d: {  	v17 =	vunpack.i.l.bf16.f32 v17;
	v16 =	vld.idx.msk @!p0 [tilespmem:v16+s1+$0x0], $0xffff  }
0x17e: {  	v62 =	vadd.f32 v17, v13;
	v17 =	vadd.s32 @!p0 v1, v15;
	_ =	sdelay $0x3  }
0x17f: {  	[tilespmem:$0x65A0] =	vst @!p0 v16  }
0x180: {  	v16 =	vld.idx.msk @!p0 [tilespmem:v17+s1+$0x0], $0xffff  }
0x181: {  	v17 =	vadd.s32 @!p0 v2, v15;
	_ =	sdelay $0x3  }
0x182: {  	[tilespmem:$0x65B0] =	vst @!p0 v16  }
0x183: {  	v16 =	vld.idx.msk @!p0 [tilespmem:v17+s1+$0x0], $0xffff  }
0x184: {  	v17 =	vadd.s32 @!p0 v3, v15;
	_ =	sdelay $0x3  }
0x185: {  	[tilespmem:$0x65C0] =	vst @!p0 v16  }
0x186: {  	v16 =	vld.idx.msk @!p0 [tilespmem:v17+s1+$0x0], $0xffff  }
0x187: {  	v17 =	vadd.s32 @!p0 v4, v15;
	_ =	sdelay $0x3  }
0x188: {  	[tilespmem:$0x65D0] =	vst @!p0 v16  }
0x189: {  	v16 =	vld.idx.msk @!p0 [tilespmem:v17+s1+$0x0], $0xffff  }
0x18a: {  	v17 =	vadd.s32 @!p0 v5, v15;
	_ =	sdelay $0x3  }
0x18b: {  	[tilespmem:$0x65E0] =	vst @!p0 v16  }
0x18c: {  	v16 =	vld.idx.msk @!p0 [tilespmem:v17+s1+$0x0], $0xffff  }
0x18d: {  	v17 =	vadd.s32 @!p0 v6, v15;
	_ =	sdelay $0x3  }
0x18e: {  	[tilespmem:$0x65F0] =	vst @!p0 v16  }
0x18f: {  	v16 =	vld.idx.msk @!p0 [tilespmem:v17+s1+$0x0], $0xffff  }
0x190: {  	v17 =	vadd.s32 @!p0 v7, v15;
	_ =	sdelay $0x3  }
0x191: {  	[tilespmem:$0x6600] =	vst @!p0 v16  }
0x192: {  	v16 =	vld.idx.msk @!p0 [tilespmem:v17+s1+$0x0], $0xffff  }
0x193: {  	v17 =	vadd.s32 @!p0 v8, v15;
	_ =	sdelay $0x3  }
0x194: {  	[tilespmem:$0x6610] =	vst @!p0 v16  }
0x195: {  	v16 =	vld.idx.msk @!p0 [tilespmem:v17+s1+$0x0], $0xffff  }
0x196: {  	v17 =	vadd.s32 @!p0 v9, v15;
	_ =	sdelay $0x3  }
0x197: {  	[tilespmem:$0x6620] =	vst @!p0 v16  }
0x198: {  	v16 =	vld.idx.msk @!p0 [tilespmem:v17+s1+$0x0], $0xffff  }
0x199: {  	v17 =	vadd.s32 @!p0 v10, v15;
	_ =	sdelay $0x3  }
0x19a: {  	[tilespmem:$0x6630] =	vst @!p0 v16  }
0x19b: {  	v16 =	vld.idx.msk @!p0 [tilespmem:v17+s1+$0x0], $0xffff  }
0x19c: {  	v17 =	vadd.s32 @!p0 v11, v15;
	_ =	sdelay $0x3  }
0x19d: {  	[tilespmem:$0x6640] =	vst @!p0 v16  }
0x19e: {  	v16 =	vld.idx.msk @!p0 [tilespmem:v17+s1+$0x0], $0xffff  }
0x19f: {  	v15 =	vadd.s32 @!p0 v12, v15;
	_ =	sdelay $0x3  }
0x1a0: {  	[tilespmem:$0x6650] =	vst @!p0 v16  }
0x1a1: {  	v15 =	vld.idx.msk @!p0 [tilespmem:v15+s1+$0x0], $0xffff;
	_ =	sdelay $0x4  }
0x1a2: {  	[tilespmem:$0x6658] =	vst @!p0 v15  }
0x1a3: {  	v19 =	vadd.f32 v19, v59;
	[tilespmem:s21], [sflag:$0x3] =	stream.indirect.gather @!p0 [hbm4b:s3+s10], $0x20, s20, s10, $0xb8;
	[tilespmem:$0xEB40] =	vst v63  }
0x1a4: {  	v15 =	vmul.f32 $4.999999890e-03, v62  }
0x1a5: {  	v13 =	vadd.f32 v20, v19;
	v16 =	vmul.f32 $4.999999890e-03, v63;
	[tilespmem:s23], [sflag:$0x3] =	stream.indirect.gather @!p0 [hbm4b:s3+s13], $0x20, s22, s13, $0xb8;
	[tilespmem:$0xEB40] =	vst v63  }
0x1a6: {  	v14 =	vmul.f32 $4.999999890e-03, v14;
	[tilespmem:s2+$0xCBC0] =	vst v15  }
0x1a7: {  	v13 =	vmul.f32 $4.999999890e-03, v13;
	[tilespmem:s2+$0xCBD0] =	vst v16  }
0x1a8: {  	[tilespmem:s2+$0xCBE0] =	vst v14  }
0x1a9: {  	[tilespmem:s2+$0xCBF0] =	vst v13  }
0x1aa: {  	_ =	swait.ge [sflag:s0], $0x1900  }
0x1ab: {  	[sflag:s0] =	ssyncset.done $0x0  }
0x1ac: {  	s5 =	simm.s32 $0x0;
	[sflag:s0] =	ssyncadd.s32 $0xFFFFE700  }
0x1ad: {  	v52 =	vld [tilespmem:s5+$0xB2C0]  }
0x1ae: {  	v53 =	vld [tilespmem:s5+$0xB2E0]  }
0x1af: {  	v54 =	vld [tilespmem:s5+$0xB300]  }
0x1b0: {  	v60 =	vld [tilespmem:s5+$0xB320]  }
0x1b1: {  	v61 =	vld [tilespmem:s5+$0xB2D0]  }
0x1b2: {  	v62 =	vld [tilespmem:s5+$0xB2F0]  }
0x1b3: {  	v55 =	vld [tilespmem:s5+$0xB310]  }
0x1b4: {  	v63 =	vld [tilespmem:s5+$0xB240]  }
0x1b5: {  	v13 =	vld [tilespmem:s5+$0xB260]  }
0x1b6: {  	v14 =	vld [tilespmem:s5+$0xB280]  }
0x1b7: {  	v15 =	vld [tilespmem:s5+$0xB2A0]  }
0x1b8: {  	v16 =	vld [tilespmem:s5+$0xB250]  }
0x1b9: {  	v17 =	vld [tilespmem:s5+$0xB270]  }
0x1ba: {  	v56 =	vimm.f32 $0.0e+00;
	v18 =	vld [tilespmem:s5+$0xB290]  }
0x1bb: {  	s6 =	simm.s32 $0x400;
	v57 =	vimm.f32 $0.0e+00;
	v58 =	vimm.f32 $0.0e+00;
	v59 =	vimm.f32 $0.0e+00;
	v19 =	vld [tilespmem:s5+$0xB2B0]  }
.LBB2_9:
0x1bc: {  	p1 =	sne.s32 s6, $0x6000;
	v20 =	vld [tilespmem:s5+$0xB330];
	s5 =	sshra.s32 s6, $0x2  }
0x1bd: {  	v21 =	vadd.bf16 v53, v52;
	v52 =	vld [tilespmem:s5+$0xB2C0]  }
0x1be: {  	v22 =	vadd.bf16 v60, v54;
	v23 =	vadd.bf16 v62, v61;
	v53 =	vld [tilespmem:s5+$0xB2E0]  }
0x1bf: {  	v13 =	vadd.bf16 v13, v63;
	v14 =	vadd.bf16 v15, v14;
	v54 =	vld [tilespmem:s5+$0xB300]  }
0x1c0: {  	v15 =	vadd.bf16 v17, v16;
	v60 =	vld [tilespmem:s5+$0xB320];
	v16 =	vadd.bf16 v19, v18  }
0x1c1: {  	v17 =	vadd.bf16 v22, v21;
	v61 =	vld [tilespmem:s5+$0xB2D0];
	v18 =	vadd.bf16 v20, v55  }
0x1c2: {  	v13 =	vadd.bf16 v14, v13;
	v62 =	vld [tilespmem:s5+$0xB2F0];
	v14 =	vadd.bf16 v16, v15  }
0x1c3: {  	v55 =	vld [tilespmem:s5+$0xB310];
	v16 =	vadd.bf16 v18, v23;
	v18 =	vunpack.i.u.bf16.f32 v17;
	v17 =	vunpack.i.l.bf16.f32 v17  }
0x1c4: {  	v19 =	vunpack.i.l.bf16.f32 v13;
	v15 =	vunpack.i.u.bf16.f32 v13;
	v63 =	vld [tilespmem:s5+$0xB240];
	v20 =	vunpack.i.u.bf16.f32 v14  }
0x1c5: {  	v19 =	vadd.f32 v19, v56;
	v22 =	vadd.f32 v15, v57;
	v21 =	vunpack.i.l.bf16.f32 v14;
	v13 =	vld [tilespmem:s5+$0xB260]  }
0x1c6: {  	v21 =	vadd.f32 v21, v58;
	v20 =	vadd.f32 v20, v59;
	v23 =	vunpack.i.u.bf16.f32 v16;
	v14 =	vld [tilespmem:s5+$0xB280]  }
.Ltmp3:
0x1c7: {  	v56 =	vadd.f32 v17, v19;
	v58 =	vunpack.i.l.bf16.f32 v16;
	v57 =	vadd.f32 v18, v22;
	v15 =	vld [tilespmem:s5+$0xB2A0];
	(pc) =	sbr.rel @p1 .LBB2_9-.Ltmp3, $4  }
0x1c8: {  	v58 =	vadd.f32 v58, v21;
	v59 =	vadd.f32 v23, v20;
	v16 =	vld [tilespmem:s5+$0xB250]  }
0x1c9: {  	v17 =	vld [tilespmem:s5+$0xB270]  }
0x1ca: {  	v18 =	vld [tilespmem:s5+$0xB290]  }
0x1cb: {  	s6 =	sadd.s32 $0x400, s6;
	v19 =	vld [tilespmem:s5+$0xB2B0]  }
0x1cc: {  	_ = 	snop  }
0x1cd: {  	v20 =	vld [tilespmem:s5+$0xB330]  }
0x1ce: {  	v22 =	vadd.bf16 v60, v54  }
0x1cf: {  	v13 =	vadd.bf16 v13, v63;
	v14 =	vadd.bf16 v15, v14  }
0x1d0: {  	v15 =	vadd.bf16 v17, v16;
	v60 =	vadd.bf16 v19, v18  }
0x1d1: {  	v23 =	vadd.bf16 v62, v61;
	v13 =	vadd.bf16 v14, v13  }
0x1d2: {  	v62 =	vadd.bf16 v20, v55;
	v14 =	vadd.bf16 v60, v15;
	_ =	sdelay $0x1  }
0x1d3: {  	v15 =	vadd.bf16 v62, v23;
	v55 =	vunpack.i.u.bf16.f32 v14;
	v14 =	vunpack.i.l.bf16.f32 v14  }
0x1d4: {  	v14 =	vadd.f32 v14, v58  }
0x1d5: {  	s4 =	sadd.s32 @!p0 $0x7, s4;
	v60 =	vunpack.i.u.bf16.f32 v15;
	v15 =	vunpack.i.l.bf16.f32 v15  }
0x1d6: {  	v14 =	vadd.f32 v15, v14;
	v15 =	vmov @!p0 s4  }
0x1d7: {  	v15 =	vand.u32 @!p0 $0xFF, v15  }
0x1d8: {  	v16 =	vadd.s32 @!p0 v0, v15  }
0x1d9: {  	v21 =	vadd.bf16 v53, v52;
	_ =	sdelay $0x1  }
0x1da: {  	v61 =	vadd.bf16 v22, v21;
	v54 =	vunpack.i.u.bf16.f32 v13;
	v13 =	vunpack.i.l.bf16.f32 v13  }
0x1db: {  	v13 =	vadd.f32 v13, v56  }
0x1dc: {  	v17 =	vunpack.i.l.bf16.f32 v61;
	v16 =	vld.idx.msk @!p0 [tilespmem:v16+s1+$0x0], $0xffff  }
0x1dd: {  	v63 =	vunpack.i.u.bf16.f32 v61;
	v61 =	vadd.f32 v17, v13;
	v17 =	vadd.s32 @!p0 v1, v15;
	_ =	sdelay $0x3  }
0x1de: {  	[tilespmem:$0x6670] =	vst @!p0 v16  }
0x1df: {  	v16 =	vld.idx.msk @!p0 [tilespmem:v17+s1+$0x0], $0xffff  }
0x1e0: {  	v17 =	vadd.s32 @!p0 v2, v15;
	_ =	sdelay $0x3  }
0x1e1: {  	[tilespmem:$0x6680] =	vst @!p0 v16  }
0x1e2: {  	v16 =	vld.idx.msk @!p0 [tilespmem:v17+s1+$0x0], $0xffff  }
0x1e3: {  	v17 =	vadd.s32 @!p0 v3, v15;
	_ =	sdelay $0x3  }
0x1e4: {  	[tilespmem:$0x6690] =	vst @!p0 v16  }
0x1e5: {  	v16 =	vld.idx.msk @!p0 [tilespmem:v17+s1+$0x0], $0xffff  }
0x1e6: {  	v17 =	vadd.s32 @!p0 v4, v15;
	_ =	sdelay $0x3  }
0x1e7: {  	[tilespmem:$0x66A0] =	vst @!p0 v16  }
0x1e8: {  	v16 =	vld.idx.msk @!p0 [tilespmem:v17+s1+$0x0], $0xffff  }
0x1e9: {  	v17 =	vadd.s32 @!p0 v5, v15;
	_ =	sdelay $0x3  }
0x1ea: {  	[tilespmem:$0x66B0] =	vst @!p0 v16  }
0x1eb: {  	v16 =	vld.idx.msk @!p0 [tilespmem:v17+s1+$0x0], $0xffff  }
0x1ec: {  	v17 =	vadd.s32 @!p0 v6, v15;
	_ =	sdelay $0x3  }
0x1ed: {  	[tilespmem:$0x66C0] =	vst @!p0 v16  }
0x1ee: {  	v16 =	vld.idx.msk @!p0 [tilespmem:v17+s1+$0x0], $0xffff  }
0x1ef: {  	v17 =	vadd.s32 @!p0 v7, v15;
	_ =	sdelay $0x3  }
0x1f0: {  	[tilespmem:$0x66D0] =	vst @!p0 v16  }
0x1f1: {  	v16 =	vld.idx.msk @!p0 [tilespmem:v17+s1+$0x0], $0xffff  }
0x1f2: {  	v17 =	vadd.s32 @!p0 v8, v15;
	_ =	sdelay $0x3  }
0x1f3: {  	[tilespmem:$0x66E0] =	vst @!p0 v16  }
0x1f4: {  	v16 =	vld.idx.msk @!p0 [tilespmem:v17+s1+$0x0], $0xffff  }
0x1f5: {  	v17 =	vadd.s32 @!p0 v9, v15;
	_ =	sdelay $0x3  }
0x1f6: {  	[tilespmem:$0x66F0] =	vst @!p0 v16  }
0x1f7: {  	v16 =	vld.idx.msk @!p0 [tilespmem:v17+s1+$0x0], $0xffff  }
0x1f8: {  	v17 =	vadd.s32 @!p0 v10, v15;
	_ =	sdelay $0x3  }
0x1f9: {  	[tilespmem:$0x6700] =	vst @!p0 v16  }
0x1fa: {  	v16 =	vld.idx.msk @!p0 [tilespmem:v17+s1+$0x0], $0xffff  }
0x1fb: {  	v17 =	vadd.s32 @!p0 v11, v15;
	_ =	sdelay $0x3  }
0x1fc: {  	[tilespmem:$0x6710] =	vst @!p0 v16  }
0x1fd: {  	v16 =	vld.idx.msk @!p0 [tilespmem:v17+s1+$0x0], $0xffff  }
0x1fe: {  	v15 =	vadd.s32 @!p0 v12, v15;
	_ =	sdelay $0x3  }
0x1ff: {  	[tilespmem:$0x6720] =	vst @!p0 v16  }
0x200: {  	v15 =	vld.idx.msk @!p0 [tilespmem:v15+s1+$0x0], $0xffff;
	_ =	sdelay $0x4  }
0x201: {  	[tilespmem:$0x6728] =	vst @!p0 v15  }
0x202: {  	v18 =	vadd.f32 v54, v57;
	[tilespmem:s25], [sflag:$0x4] =	stream.indirect.gather @!p0 [hbm4b:s3+s10], $0x20, s24, s10, $0xb8;
	[tilespmem:$0xEB40] =	vst v63  }
0x203: {  	s8 =	sadd.s32 $0x1, s8  }
0x204: {  	v62 =	vadd.f32 v63, v18;
	v19 =	vadd.f32 v55, v59;
	[tilespmem:s28], [sflag:$0x4] =	stream.indirect.gather @!p0 [hbm4b:s3+s13], $0x20, s26, s13, $0xb8;
	[tilespmem:$0xEB40] =	vst v63  }
0x205: {  	v15 =	vmul.f32 $4.999999890e-03, v61;
	p0 =	sne.s32 s8, $0x20  }
.Ltmp4:
0x206: {  	v63 =	vmul.f32 $4.999999890e-03, v62;
	v13 =	vadd.f32 v60, v19;
	(pc) =	sbr.rel @p0 .LBB2_2-.Ltmp4, $4  }
0x207: {  	v14 =	vmul.f32 $4.999999890e-03, v14;
	[tilespmem:s2+$0xCC00] =	vst v15  }
0x208: {  	v13 =	vmul.f32 $4.999999890e-03, v13;
	[tilespmem:s2+$0xCC10] =	vst v63  }
0x209: {  	[tilespmem:s2+$0xCC20] =	vst v14  }
0x20a: {  	[tilespmem:s2+$0xCC30] =	vst v13  }
0x20b: {  	s2 =	rddreg [dreg:$0x3];
	s4 =	simm.s32 $0xCB40  }
0x20c: {  	[hbm4b:s2+s1] =	stream.linear.scatter [tilespmem:s4], [sflag:$0x5], $0x2000, $0x38;
	[tilespmem:$0xEB40] =	vst v63  }
0x20d: {  	_ =	swait.ge [sflag:s9], $0x2000  }
0x20e: {  	s7 =	sadd.s32 $0x1, s7;
	s8 =	rddreg [dreg:$0x4]  }
0x20f: {  	p0 =	sne.s32 s7, s8  }
.Ltmp5:
0x210: {  	_ = 	snop;
	(pc) =	sbr.rel @p0 .LBB2_1-.Ltmp5, $3  }
0x211: {  	_ =	sdelay $0x1  }
0x212: {  	[sflag:s9] =	ssyncset.done $0x0  }
0x213: {  	[sflag:s9] =	ssyncadd.s32 $0xFFFFE000  }
0x214: {  	_ =	sfence.sel $0x180000  }
0x215: {  	[bflag:$0x0] =	sbarrier.arrive $0xFFFF  }
0x216: {  	_ =	strace $0x90000047  }
0x217: {  	s0 =	stileid.u32;
	[bflag:$0x2] =	sbarrier.arrive $0xFFFF  }
0x218: {  	p0 =	sne.s32 s0, $0x0;
	s0 =	rddreg [dreg:$0x1]  }
0x219: {  	s0 =	sadd.s32 @!p0 $0x100000, s0  }
0x21a: {  	[sflag:s0] =	ssyncadd.tile.s32 @!p0 $0x1;
	_ =	shalt  }
.Lfunc_end2:
_tile_overlayer_lowered:
.L_overlay_start_2:
0x21b: {  	(tag) =	ssettag $0x2  }
0x21c: {  	s0 =	rddreg [dreg:$0x0];
	s2 =	stileid.u32  }
0x21d: {  	s1 =	rddreg [dreg:$0x1];
	p0 =	sne.s32 s2, $0x0  }
0x21e: {  	s3 =	rddreg [dreg:$0x2];
	[bflag:$0x3] =	sbarrier.arrive $0xFFFF;
	s2 =	simm.s32 @!p0 $0x1C05  }
0x21f: {  	[timem:s3], [sflag:s2] =	dma.local @!p0 [hbm:s0], s1  }
0x220: {  	s0 =	simm.s32 @!p0 $0x5  }
0x221: {  	_ =	swait.ge @!p0 [sflag:s0], s1  }
0x222: {  	s1 =	ssub.s32 @!p0 $0x0, s1;
	[sflag:s0] =	ssyncset.done @!p0 $0x0  }
0x223: {  	[sflag:s0] =	ssyncadd.s32 @!p0 s1  }
0x224: {  	[bflag:$0x3] =	sbarrier.arrive $0xFFFF  }
0x225: {  	_ =	shalt  }

</sc_bundles>
